<compile_context>
chip_gen: v7x
topology: tpu7x:2x2x1
jax: 0.10.2.dev20260603
libtpu: 0.0.44.dev20260713+nightly
codegen_flags: <defaults>
</compile_context>

<pallas_src>
import jax
import jax.numpy as jnp
from jax import lax
from jax.experimental import pallas as pl
from jax.experimental.pallas import tpu as pltpu
from jax.experimental.pallas import tpu_sc as plsc

NUM_CORES = 2
NUM_SUBCORES = 16
LANES = 16
NW = NUM_CORES * NUM_SUBCORES

BATCH = 16384
EMB_DIM = 32
B_PER_W = BATCH // NW
IDX_CHUNK = 128
N_CHUNKS = B_PER_W // IDX_CHUNK
N_GROUPS = B_PER_W // LANES
BURST = 4
NSLOT = 2


def _mf_kernel(userf_hbm, itemf_hbm, utab_hbm, itab_hbm, out_hbm, uflat_v,
               iflat_v, utile_v, itile_v, ucols_v, icols_v, out_v, sem_a,
               sem_b):
  sems = (sem_a, sem_b)
  wid = lax.axis_index("s") * NUM_CORES + lax.axis_index("c")
  base = wid * B_PER_W

  pltpu.sync_copy(userf_hbm.at[wid], uflat_v)
  pltpu.sync_copy(itemf_hbm.at[wid], iflat_v)

  rows_lo = lax.iota(jnp.int32, LANES)
  rows_hi = rows_lo + LANES
  N_BURSTS = LANES // BURST

  def group_body(g, carry):
    s = pl.ds(g * LANES, LANES)
    uvec = uflat_v[s]
    ivec = iflat_v[s]
    ucs = (uvec >> 7) << 7
    ics = (ivec >> 7) << 7
    umod = uvec & 127
    imod = ivec & 127

    def fire(b):
      sl = b % NSLOT
      cs = []
      for t in range(BURST):
        lk = b * BURST + t
        cu = pl.multiple_of(ucs[lk], 128)
        cs.append(pltpu.async_copy(utab_hbm.at[:, pl.ds(cu, 128)],
                                   utile_v.at[sl, t], sems[sl]))
        ci = pl.multiple_of(ics[lk], 128)
        cs.append(pltpu.async_copy(itab_hbm.at[:, pl.ds(ci, 128)],
                                   itile_v.at[sl, t], sems[sl]))
      return cs

    def extract(b, cs):
      sl = b % NSLOT
      for c in cs:
        c.wait()
      bv = jnp.full((LANES,), sl, jnp.int32)
      for t in range(BURST):
        lk = b * BURST + t
        tsel = jnp.full((LANES,), t, jnp.int32)
        mu = jnp.full((LANES,), 0, jnp.int32) + umod[lk]
        mi = jnp.full((LANES,), 0, jnp.int32) + imod[lk]
        col = jnp.full((LANES,), lk, jnp.int32)
        for rows in (rows_lo, rows_hi):
          plsc.store_scatter(ucols_v, [rows, col],
                             plsc.load_gather(utile_v, [bv, tsel, rows, mu]))
          plsc.store_scatter(icols_v, [rows, col],
                             plsc.load_gather(itile_v, [bv, tsel, rows, mi]))

    pending = [fire(b) for b in range(NSLOT - 1)]
    for b in range(N_BURSTS):
      if b + NSLOT - 1 < N_BURSTS:
        pending.append(fire(b + NSLOT - 1))
      extract(b, pending.pop(0))

    acc = ucols_v[0, pl.ds(0, LANES)] * icols_v[0, pl.ds(0, LANES)]
    for d in range(1, EMB_DIM):
      acc = acc + ucols_v[d, pl.ds(0, LANES)] * icols_v[d, pl.ds(0, LANES)]
    out_v[s] = acc
    return carry

  lax.fori_loop(0, N_GROUPS, group_body, 0)

  pltpu.sync_copy(out_v, out_hbm.at[pl.ds(base, B_PER_W)])


def _bias_kernel(user_hbm, item_hbm, dots_hbm, ubias_hbm, ibias_hbm, out_hbm,
                 uidx_v, iidx_v, ub_v, ib_v, out_v, bsem):
  wid = lax.axis_index("s") * NUM_CORES + lax.axis_index("c")
  base = wid * B_PER_W

  pltpu.sync_copy(user_hbm.at[wid], uidx_v)
  pltpu.sync_copy(item_hbm.at[wid], iidx_v)
  pltpu.sync_copy(dots_hbm.at[pl.ds(base, B_PER_W)], out_v)

  bias_copies = []
  for j in range(N_CHUNKS):
    dst = pl.ds(j * IDX_CHUNK, IDX_CHUNK)
    bias_copies.append(pltpu.async_copy(ubias_hbm.at[uidx_v.at[j]],
                                        ub_v.at[dst], bsem))
    bias_copies.append(pltpu.async_copy(ibias_hbm.at[iidx_v.at[j]],
                                        ib_v.at[dst], bsem))
  for c in bias_copies:
    c.wait()

  def bias_body(g, carry):
    s = pl.ds(g * LANES, LANES)
    out_v[s] = out_v[s] + ub_v[s] + ib_v[s]
    return carry

  lax.fori_loop(0, N_GROUPS, bias_body, 0)

  pltpu.sync_copy(out_v, out_hbm.at[pl.ds(base, B_PER_W)])


@jax.jit
def kernel(user, item, user_table, item_table, user_bias_table,
           item_bias_table):
  user3 = user.astype(jnp.int32).reshape(NW, N_CHUNKS, IDX_CHUNK)
  item3 = item.astype(jnp.int32).reshape(NW, N_CHUNKS, IDX_CHUNK)
  user2 = user.astype(jnp.int32).reshape(NW, B_PER_W)
  item2 = item.astype(jnp.int32).reshape(NW, B_PER_W)

  mesh = plsc.VectorSubcoreMesh(core_axis_name="c", subcore_axis_name="s",
                                num_cores=NUM_CORES,
                                num_subcores=NUM_SUBCORES)
  run = pl.kernel(
      _mf_kernel,
      out_type=jax.ShapeDtypeStruct((BATCH,), jnp.float32),
      mesh=mesh,
      compiler_params=pltpu.CompilerParams(needs_layout_passes=False),
      scratch_types=[
          pltpu.VMEM((B_PER_W,), jnp.int32),
          pltpu.VMEM((B_PER_W,), jnp.int32),
          pltpu.VMEM((NSLOT, BURST, EMB_DIM, 128), jnp.float32),
          pltpu.VMEM((NSLOT, BURST, EMB_DIM, 128), jnp.float32),
          pltpu.VMEM((EMB_DIM, LANES), jnp.float32),
          pltpu.VMEM((EMB_DIM, LANES), jnp.float32),
          pltpu.VMEM((B_PER_W,), jnp.float32),
          pltpu.SemaphoreType.DMA,
          pltpu.SemaphoreType.DMA,
      ],
  )
  dots = run(user2, item2, user_table.T, item_table.T)

  run_bias = pl.kernel(
      _bias_kernel,
      out_type=jax.ShapeDtypeStruct((BATCH,), jnp.float32),
      mesh=mesh,
      compiler_params=pltpu.CompilerParams(needs_layout_passes=False),
      scratch_types=[
          pltpu.VMEM((N_CHUNKS, IDX_CHUNK), jnp.int32),
          pltpu.VMEM((N_CHUNKS, IDX_CHUNK), jnp.int32),
          pltpu.VMEM((B_PER_W,), jnp.float32),
          pltpu.VMEM((B_PER_W,), jnp.float32),
          pltpu.VMEM((B_PER_W,), jnp.float32),
          pltpu.SemaphoreType.DMA,
      ],
  )
  return run_bias(user3, item3, dots, user_bias_table.reshape(-1),
                  item_bias_table.reshape(-1))

# --- scband reference (transcript-rebuilt; emitter-appended) ---
"""Pipeline reference for scband-mf-model-6133213299460 (READ-ONLY COPY).

The authoritative reference and input builder live on the scoring server;
editing this copy changes nothing except your own understanding.
"""

import jax, jax.numpy as jnp
import numpy as np

NUM_USERS = 1000000
NUM_ITEMS = 1000000
EMB_DIM = 32
BATCH = 16384

def setup_inputs(seed: int = 0) -> dict:
    key = jax.random.key(seed)
    k1, k2, k3, k4, k5, k6 = jax.random.split(key, 6)
    user = jax.random.randint(k1, (BATCH,), 0, NUM_USERS, dtype=jnp.int64 if jax.config.jax_enable_x64 else jnp.int32)
    item = jax.random.randint(k2, (BATCH,), 0, NUM_ITEMS, dtype=jnp.int64 if jax.config.jax_enable_x64 else jnp.int32)
    user_table = jax.random.normal(k3, (NUM_USERS, EMB_DIM), dtype=jnp.float32)
    item_table = jax.random.normal(k4, (NUM_ITEMS, EMB_DIM), dtype=jnp.float32)
    user_bias_table = jax.random.normal(k5, (NUM_USERS, 1), dtype=jnp.float32)
    item_bias_table = jax.random.normal(k6, (NUM_ITEMS, 1), dtype=jnp.float32)
    return {
        "user": user,
        "item": item,
        "user_table": user_table,
        "item_table": item_table,
        "user_bias_table": user_bias_table,
        "item_bias_table": item_bias_table,
    }

def reference(user, item, user_table, item_table, user_bias_table, item_bias_table):
    user_emb = jnp.take(user_table, user, axis=0)          # [B, D]
    item_emb = jnp.take(item_table, item, axis=0)          # [B, D]
    user_bias = jnp.take(user_bias_table, user, axis=0).squeeze()  # [B]
    item_bias = jnp.take(item_bias_table, item, axis=0).squeeze()  # [B]
    element_product = (user_emb * item_emb).sum(axis=1)    # [B]
    return element_product + user_bias + item_bias

if __name__ == "__main__":
    import jax
    _d = setup_inputs()
    print(jax.jit(kernel)(*tuple(_d.values())))

</pallas_src>

<mosaic_0001>
#map = affine_map<(d0, d1) -> (0, 0)>
#map1 = affine_map<(d0, d1) -> (0)>
module attributes {stable_mosaic.version = 14 : i64} {
  func.func @_mf_kernel(%arg0: i32, %arg1: i32, %arg2: memref<32x512xi32, #tpu.memory_space<hbm>>, %arg3: memref<32x512xi32, #tpu.memory_space<hbm>>, %arg4: memref<32x1000000xf32, #tpu.memory_space<hbm>>, %arg5: memref<32x1000000xf32, #tpu.memory_space<hbm>>, %arg6: memref<16384xf32, #tpu.memory_space<hbm>>, %arg7: memref<512xi32, #tpu.memory_space<vmem>>, %arg8: memref<512xi32, #tpu.memory_space<vmem>>, %arg9: memref<2x4x32x128xf32, #tpu.memory_space<vmem>>, %arg10: memref<2x4x32x128xf32, #tpu.memory_space<vmem>>, %arg11: memref<32x16xf32, #tpu.memory_space<vmem>>, %arg12: memref<32x16xf32, #tpu.memory_space<vmem>>, %arg13: memref<512xf32, #tpu.memory_space<vmem>>, %arg14: memref<!tpu.dma_semaphore, #tpu.memory_space<semaphore_mem>>, %arg15: memref<!tpu.dma_semaphore, #tpu.memory_space<semaphore_mem>>) attributes {dimension_semantics = [#tpu.dimension_semantics<core_parallel>, #tpu.dimension_semantics<subcore_parallel>], iteration_bounds = array<i64: 2, 16>, scalar_prefetch = 0 : i64, scratch_operands = 9 : i64, tpu.core_type = #tpu.core_type<sc_vector_subcore>, window_params = [{transform_indices = #map}, {transform_indices = #map}, {transform_indices = #map}, {transform_indices = #map}, {transform_indices = #map1}]} {
    %mul3A = arith.constant 2 : i32
    %mul3A_0 = arith.muli %arg1, %mul3A : i32
    %add3A = arith.addi %mul3A_0, %arg0 : i32
    %mul3A_1 = arith.constant 512 : i32
    %mul3A_2 = arith.muli %add3A, %mul3A_1 : i32
    "tpu.region"() ({
      %run_scoped3A = tpu.sem_alloc : memref<!tpu.dma_semaphore, #tpu.memory_space<semaphore_mem>>
      %dma_start3A = arith.constant 0 : i32
      %dma_start3A_11 = tpu.memref_slice %arg2[%add3A, %dma_start3A] : memref<32x512xi32, #tpu.memory_space<hbm>> -> memref<1x512xi32, #tpu.memory_space<hbm>>
      %dma_start3A_12 = tpu.memref_squeeze %dma_start3A_11 : memref<1x512xi32, #tpu.memory_space<hbm>> -> memref<512xi32, #tpu.memory_space<hbm>>
      %dma_start3A_13 = arith.constant 0 : i32
      %dma_start3A_14 = tpu.memref_slice %arg2[%add3A, %dma_start3A_13] : memref<32x512xi32, #tpu.memory_space<hbm>> -> memref<1x512xi32, #tpu.memory_space<hbm>>
      %dma_start3A_15 = tpu.memref_squeeze %dma_start3A_14 : memref<1x512xi32, #tpu.memory_space<hbm>> -> memref<512xi32, #tpu.memory_space<hbm>>
      tpu.enqueue_dma source(%dma_start3A_15 : memref<512xi32, #tpu.memory_space<hbm>>) target(%arg7 : memref<512xi32, #tpu.memory_space<vmem>>) target_semaphore(%run_scoped3A : memref<!tpu.dma_semaphore, #tpu.memory_space<semaphore_mem>>)
      %dma_wait3A = arith.constant 0 : i32
      %dma_wait3A_16 = tpu.memref_slice %arg2[%add3A, %dma_wait3A] : memref<32x512xi32, #tpu.memory_space<hbm>> -> memref<1x512xi32, #tpu.memory_space<hbm>>
      %dma_wait3A_17 = tpu.memref_squeeze %dma_wait3A_16 : memref<1x512xi32, #tpu.memory_space<hbm>> -> memref<512xi32, #tpu.memory_space<hbm>>
      %dma_wait3A_18 = arith.constant 0 : i32
      %dma_wait3A_19 = tpu.memref_slice %arg2[%add3A, %dma_wait3A_18] : memref<32x512xi32, #tpu.memory_space<hbm>> -> memref<1x512xi32, #tpu.memory_space<hbm>>
      %dma_wait3A_20 = tpu.memref_squeeze %dma_wait3A_19 : memref<1x512xi32, #tpu.memory_space<hbm>> -> memref<512xi32, #tpu.memory_space<hbm>>
      tpu.wait_dma2 semaphore(%run_scoped3A : memref<!tpu.dma_semaphore, #tpu.memory_space<semaphore_mem>>) src(%dma_wait3A_20 : memref<512xi32, #tpu.memory_space<hbm>>) dst(%arg7 : memref<512xi32, #tpu.memory_space<vmem>>)
      tpu.yield
    }) : () -> ()
    "tpu.region"() ({
      %run_scoped3A = tpu.sem_alloc : memref<!tpu.dma_semaphore, #tpu.memory_space<semaphore_mem>>
      %dma_start3A = arith.constant 0 : i32
      %dma_start3A_11 = tpu.memref_slice %arg3[%add3A, %dma_start3A] : memref<32x512xi32, #tpu.memory_space<hbm>> -> memref<1x512xi32, #tpu.memory_space<hbm>>
      %dma_start3A_12 = tpu.memref_squeeze %dma_start3A_11 : memref<1x512xi32, #tpu.memory_space<hbm>> -> memref<512xi32, #tpu.memory_space<hbm>>
      %dma_start3A_13 = arith.constant 0 : i32
      %dma_start3A_14 = tpu.memref_slice %arg3[%add3A, %dma_start3A_13] : memref<32x512xi32, #tpu.memory_space<hbm>> -> memref<1x512xi32, #tpu.memory_space<hbm>>
      %dma_start3A_15 = tpu.memref_squeeze %dma_start3A_14 : memref<1x512xi32, #tpu.memory_space<hbm>> -> memref<512xi32, #tpu.memory_space<hbm>>
      tpu.enqueue_dma source(%dma_start3A_15 : memref<512xi32, #tpu.memory_space<hbm>>) target(%arg8 : memref<512xi32, #tpu.memory_space<vmem>>) target_semaphore(%run_scoped3A : memref<!tpu.dma_semaphore, #tpu.memory_space<semaphore_mem>>)
      %dma_wait3A = arith.constant 0 : i32
      %dma_wait3A_16 = tpu.memref_slice %arg3[%add3A, %dma_wait3A] : memref<32x512xi32, #tpu.memory_space<hbm>> -> memref<1x512xi32, #tpu.memory_space<hbm>>
      %dma_wait3A_17 = tpu.memref_squeeze %dma_wait3A_16 : memref<1x512xi32, #tpu.memory_space<hbm>> -> memref<512xi32, #tpu.memory_space<hbm>>
      %dma_wait3A_18 = arith.constant 0 : i32
      %dma_wait3A_19 = tpu.memref_slice %arg3[%add3A, %dma_wait3A_18] : memref<32x512xi32, #tpu.memory_space<hbm>> -> memref<1x512xi32, #tpu.memory_space<hbm>>
      %dma_wait3A_20 = tpu.memref_squeeze %dma_wait3A_19 : memref<1x512xi32, #tpu.memory_space<hbm>> -> memref<512xi32, #tpu.memory_space<hbm>>
      tpu.wait_dma2 semaphore(%run_scoped3A : memref<!tpu.dma_semaphore, #tpu.memory_space<semaphore_mem>>) src(%dma_wait3A_20 : memref<512xi32, #tpu.memory_space<hbm>>) dst(%arg8 : memref<512xi32, #tpu.memory_space<vmem>>)
      tpu.yield
    }) : () -> ()
    %iota3A = tpu.iota {dimensions = array<i32: 0>} : vector<16xi32>
    %add3A_3 = arith.constant 16 : i32
    %add3A_4 = vector.broadcast %add3A_3 : i32 to vector<16xi32>
    %add3A_5 = arith.addi %iota3A, %add3A_4 : vector<16xi32>
    %scan3A = arith.constant 0 : i32
    %scan3A_6 = arith.constant 0 : i32
    %scan3A_7 = arith.constant 32 : i32
    %scan3A_8 = arith.addi %scan3A_6, %scan3A_7 : i32
    %scan3A_9 = arith.constant 1 : i32
    scf.for %scan3A_11 = %scan3A_6 to %scan3A_8 step %scan3A_9  : i32 {
      %mul3A_12 = arith.constant 16 : i32
      %mul3A_13 = arith.muli %scan3A_11, %mul3A_12 : i32
      %get3A = arith.index_cast %mul3A_13 : i32 to index
      %get3A_14 = tpu.vector_load %arg7[%get3A] {strides = array<i32>} : memref<512xi32, #tpu.memory_space<vmem>>, vector<16xi32>,
      %get3A_15 = arith.index_cast %mul3A_13 : i32 to index
      %get3A_16 = tpu.vector_load %arg8[%get3A_15] {strides = array<i32>} : memref<512xi32, #tpu.memory_space<vmem>>, vector<16xi32>,
      %shift_right_arithmetic3A = arith.constant 7 : i32
      %shift_right_arithmetic3A_17 = vector.broadcast %shift_right_arithmetic3A : i32 to vector<16xi32>
      %shift_right_arithmetic3A_18 = arith.shrsi %get3A_14, %shift_right_arithmetic3A_17 : vector<16xi32>
      %shift_left3A = arith.constant 7 : i32
      %shift_left3A_19 = vector.broadcast %shift_left3A : i32 to vector<16xi32>
      %shift_left3A_20 = arith.shli %shift_right_arithmetic3A_18, %shift_left3A_19 : vector<16xi32>
      %shift_right_arithmetic3A_21 = arith.constant 7 : i32
      %shift_right_arithmetic3A_22 = vector.broadcast %shift_right_arithmetic3A_21 : i32 to vector<16xi32>
      %shift_right_arithmetic3A_23 = arith.shrsi %get3A_16, %shift_right_arithmetic3A_22 : vector<16xi32>
      %shift_left3A_24 = arith.constant 7 : i32
      %shift_left3A_25 = vector.broadcast %shift_left3A_24 : i32 to vector<16xi32>
      %shift_left3A_26 = arith.shli %shift_right_arithmetic3A_23, %shift_left3A_25 : vector<16xi32>
      %and3A = arith.constant 127 : i32
      %and3A_27 = vector.broadcast %and3A : i32 to vector<16xi32>
      %and3A_28 = arith.andi %get3A_14, %and3A_27 : vector<16xi32>
      %and3A_29 = arith.constant 127 : i32
      %and3A_30 = vector.broadcast %and3A_29 : i32 to vector<16xi32>
      %and3A_31 = arith.andi %get3A_16, %and3A_30 : vector<16xi32>
      %slice3A = vector.extract_strided_slice %shift_left3A_20 {offsets = [0], sizes = [1], strides = [1]} : vector<16xi32> to vector<1xi32>
      %squeeze3A = vector.extract %slice3A[0] : i32 from vector<1xi32>
      %multiple_of3A = tpu.assume_multiple %squeeze3A, 128 : i32
      %dma_start3A = arith.constant 0 : i32
      %dma_start3A_32 = arith.constant 0 : i32
      %dma_start3A_33 = arith.constant 0 : i32
      %dma_start3A_34 = arith.constant 0 : i32
      %dma_start3A_35 = tpu.memref_slice %arg9[%dma_start3A, %dma_start3A_32, %dma_start3A_33, %dma_start3A_34] : memref<2x4x32x128xf32, #tpu.memory_space<vmem>> -> memref<1x1x32x128xf32, #tpu.memory_space<vmem>>
      %dma_start3A_36 = tpu.memref_squeeze %dma_start3A_35 : memref<1x1x32x128xf32, #tpu.memory_space<vmem>> -> memref<32x128xf32, #tpu.memory_space<vmem>>
      %dma_start3A_37 = arith.constant 0 : i32
      %dma_start3A_38 = tpu.memref_slice %arg4[%dma_start3A_37, %multiple_of3A] : memref<32x1000000xf32, #tpu.memory_space<hbm>> -> memref<32x128xf32, #tpu.memory_space<hbm>>
      %dma_start3A_39 = arith.constant 0 : i32
      %dma_start3A_40 = arith.constant 0 : i32
      %dma_start3A_41 = tpu.memref_slice %arg9[%dma_start3A, %dma_start3A_32, %dma_start3A_39, %dma_start3A_40] : memref<2x4x32x128xf32, #tpu.memory_space<vmem>> -> memref<1x1x32x128xf32, #tpu.memory_space<vmem>>
      %dma_start3A_42 = tpu.memref_squeeze %dma_start3A_41 : memref<1x1x32x128xf32, #tpu.memory_space<vmem>> -> memref<32x128xf32, #tpu.memory_space<vmem>>
      %dma_start3A_43 = arith.constant 0 : i32
      %dma_start3A_44 = tpu.memref_slice %arg4[%dma_start3A_43, %multiple_of3A] : memref<32x1000000xf32, #tpu.memory_space<hbm>> -> memref<32x128xf32, #tpu.memory_space<hbm>>
      tpu.enqueue_dma source(%dma_start3A_44 : memref<32x128xf32, #tpu.memory_space<hbm>>) target(%dma_start3A_42 : memref<32x128xf32, #tpu.memory_space<vmem>>) target_semaphore(%arg14 : memref<!tpu.dma_semaphore, #tpu.memory_space<semaphore_mem>>)
      %slice3A_45 = vector.extract_strided_slice %shift_left3A_26 {offsets = [0], sizes = [1], strides = [1]} : vector<16xi32> to vector<1xi32>
      %squeeze3A_46 = vector.extract %slice3A_45[0] : i32 from vector<1xi32>
      %multiple_of3A_47 = tpu.assume_multiple %squeeze3A_46, 128 : i32
      %dma_start3A_48 = arith.constant 0 : i32
      %dma_start3A_49 = arith.constant 0 : i32
      %dma_start3A_50 = arith.constant 0 : i32
      %dma_start3A_51 = arith.constant 0 : i32
      %dma_start3A_52 = tpu.memref_slice %arg10[%dma_start3A_48, %dma_start3A_49, %dma_start3A_50, %dma_start3A_51] : memref<2x4x32x128xf32, #tpu.memory_space<vmem>> -> memref<1x1x32x128xf32, #tpu.memory_space<vmem>>
      %dma_start3A_53 = tpu.memref_squeeze %dma_start3A_52 : memref<1x1x32x128xf32, #tpu.memory_space<vmem>> -> memref<32x128xf32, #tpu.memory_space<vmem>>
      %dma_start3A_54 = arith.constant 0 : i32
      %dma_start3A_55 = tpu.memref_slice %arg5[%dma_start3A_54, %multiple_of3A_47] : memref<32x1000000xf32, #tpu.memory_space<hbm>> -> memref<32x128xf32, #tpu.memory_space<hbm>>
      %dma_start3A_56 = arith.constant 0 : i32
      %dma_start3A_57 = arith.constant 0 : i32
      %dma_start3A_58 = tpu.memref_slice %arg10[%dma_start3A_48, %dma_start3A_49, %dma_start3A_56, %dma_start3A_57] : memref<2x4x32x128xf32, #tpu.memory_space<vmem>> -> memref<1x1x32x128xf32, #tpu.memory_space<vmem>>
      %dma_start3A_59 = tpu.memref_squeeze %dma_start3A_58 : memref<1x1x32x128xf32, #tpu.memory_space<vmem>> -> memref<32x128xf32, #tpu.memory_space<vmem>>
      %dma_start3A_60 = arith.constant 0 : i32
      %dma_start3A_61 = tpu.memref_slice %arg5[%dma_start3A_60, %multiple_of3A_47] : memref<32x1000000xf32, #tpu.memory_space<hbm>> -> memref<32x128xf32, #tpu.memory_space<hbm>>
      tpu.enqueue_dma source(%dma_start3A_61 : memref<32x128xf32, #tpu.memory_space<hbm>>) target(%dma_start3A_59 : memref<32x128xf32, #tpu.memory_space<vmem>>) target_semaphore(%arg14 : memref<!tpu.dma_semaphore, #tpu.memory_space<semaphore_mem>>)
      %slice3A_62 = vector.extract_strided_slice %shift_left3A_20 {offsets = [1], sizes = [1], strides = [1]} : vector<16xi32> to vector<1xi32>
      %squeeze3A_63 = vector.extract %slice3A_62[0] : i32 from vector<1xi32>
      %multiple_of3A_64 = tpu.assume_multiple %squeeze3A_63, 128 : i32
      %dma_start3A_65 = arith.constant 0 : i32
      %dma_start3A_66 = arith.constant 1 : i32
      %dma_start3A_67 = arith.constant 0 : i32
      %dma_start3A_68 = arith.constant 0 : i32
      %dma_start3A_69 = tpu.memref_slice %arg9[%dma_start3A_65, %dma_start3A_66, %dma_start3A_67, %dma_start3A_68] : memref<2x4x32x128xf32, #tpu.memory_space<vmem>> -> memref<1x1x32x128xf32, #tpu.memory_space<vmem>>
      %dma_start3A_70 = tpu.memref_squeeze %dma_start3A_69 : memref<1x1x32x128xf32, #tpu.memory_space<vmem>> -> memref<32x128xf32, #tpu.memory_space<vmem>>
      %dma_start3A_71 = arith.constant 0 : i32
      %dma_start3A_72 = tpu.memref_slice %arg4[%dma_start3A_71, %multiple_of3A_64] : memref<32x1000000xf32, #tpu.memory_space<hbm>> -> memref<32x128xf32, #tpu.memory_space<hbm>>
      %dma_start3A_73 = arith.constant 0 : i32
      %dma_start3A_74 = arith.constant 0 : i32
      %dma_start3A_75 = tpu.memref_slice %arg9[%dma_start3A_65, %dma_start3A_66, %dma_start3A_73, %dma_start3A_74] : memref<2x4x32x128xf32, #tpu.memory_space<vmem>> -> memref<1x1x32x128xf32, #tpu.memory_space<vmem>>
      %dma_start3A_76 = tpu.memref_squeeze %dma_start3A_75 : memref<1x1x32x128xf32, #tpu.memory_space<vmem>> -> memref<32x128xf32, #tpu.memory_space<vmem>>
      %dma_start3A_77 = arith.constant 0 : i32
      %dma_start3A_78 = tpu.memref_slice %arg4[%dma_start3A_77, %multiple_of3A_64] : memref<32x1000000xf32, #tpu.memory_space<hbm>> -> memref<32x128xf32, #tpu.memory_space<hbm>>
      tpu.enqueue_dma source(%dma_start3A_78 : memref<32x128xf32, #tpu.memory_space<hbm>>) target(%dma_start3A_76 : memref<32x128xf32, #tpu.memory_space<vmem>>) target_semaphore(%arg14 : memref<!tpu.dma_semaphore, #tpu.memory_space<semaphore_mem>>)
      %slice3A_79 = vector.extract_strided_slice %shift_left3A_26 {offsets = [1], sizes = [1], strides = [1]} : vector<16xi32> to vector<1xi32>
      %squeeze3A_80 = vector.extract %slice3A_79[0] : i32 from vector<1xi32>
      %multiple_of3A_81 = tpu.assume_multiple %squeeze3A_80, 128 : i32
      %dma_start3A_82 = arith.constant 0 : i32
      %dma_start3A_83 = arith.constant 1 : i32
      %dma_start3A_84 = arith.constant 0 : i32
      %dma_start3A_85 = arith.constant 0 : i32
      %dma_start3A_86 = tpu.memref_slice %arg10[%dma_start3A_82, %dma_start3A_83, %dma_start3A_84, %dma_start3A_85] : memref<2x4x32x128xf32, #tpu.memory_space<vmem>> -> memref<1x1x32x128xf32, #tpu.memory_space<vmem>>
      %dma_start3A_87 = tpu.memref_squeeze %dma_start3A_86 : memref<1x1x32x128xf32, #tpu.memory_space<vmem>> -> memref<32x128xf32, #tpu.memory_space<vmem>>
      %dma_start3A_88 = arith.constant 0 : i32
      %dma_start3A_89 = tpu.memref_slice %arg5[%dma_start3A_88, %multiple_of3A_81] : memref<32x1000000xf32, #tpu.memory_space<hbm>> -> memref<32x128xf32, #tpu.memory_space<hbm>>
      %dma_start3A_90 = arith.constant 0 : i32
      %dma_start3A_91 = arith.constant 0 : i32
      %dma_start3A_92 = tpu.memref_slice %arg10[%dma_start3A_82, %dma_start3A_83, %dma_start3A_90, %dma_start3A_91] : memref<2x4x32x128xf32, #tpu.memory_space<vmem>> -> memref<1x1x32x128xf32, #tpu.memory_space<vmem>>
      %dma_start3A_93 = tpu.memref_squeeze %dma_start3A_92 : memref<1x1x32x128xf32, #tpu.memory_space<vmem>> -> memref<32x128xf32, #tpu.memory_space<vmem>>
      %dma_start3A_94 = arith.constant 0 : i32
      %dma_start3A_95 = tpu.memref_slice %arg5[%dma_start3A_94, %multiple_of3A_81] : memref<32x1000000xf32, #tpu.memory_space<hbm>> -> memref<32x128xf32, #tpu.memory_space<hbm>>
      tpu.enqueue_dma source(%dma_start3A_95 : memref<32x128xf32, #tpu.memory_space<hbm>>) target(%dma_start3A_93 : memref<32x128xf32, #tpu.memory_space<vmem>>) target_semaphore(%arg14 : memref<!tpu.dma_semaphore, #tpu.memory_space<semaphore_mem>>)
      %slice3A_96 = vector.extract_strided_slice %shift_left3A_20 {offsets = [2], sizes = [1], strides = [1]} : vector<16xi32> to vector<1xi32>
      %squeeze3A_97 = vector.extract %slice3A_96[0] : i32 from vector<1xi32>
      %multiple_of3A_98 = tpu.assume_multiple %squeeze3A_97, 128 : i32
      %dma_start3A_99 = arith.constant 0 : i32
      %dma_start3A_100 = arith.constant 2 : i32
      %dma_start3A_101 = arith.constant 0 : i32
      %dma_start3A_102 = arith.constant 0 : i32
      %dma_start3A_103 = tpu.memref_slice %arg9[%dma_start3A_99, %dma_start3A_100, %dma_start3A_101, %dma_start3A_102] : memref<2x4x32x128xf32, #tpu.memory_space<vmem>> -> memref<1x1x32x128xf32, #tpu.memory_space<vmem>>
      %dma_start3A_104 = tpu.memref_squeeze %dma_start3A_103 : memref<1x1x32x128xf32, #tpu.memory_space<vmem>> -> memref<32x128xf32, #tpu.memory_space<vmem>>
      %dma_start3A_105 = arith.constant 0 : i32
      %dma_start3A_106 = tpu.memref_slice %arg4[%dma_start3A_105, %multiple_of3A_98] : memref<32x1000000xf32, #tpu.memory_space<hbm>> -> memref<32x128xf32, #tpu.memory_space<hbm>>
      %dma_start3A_107 = arith.constant 0 : i32
      %dma_start3A_108 = arith.constant 0 : i32
      %dma_start3A_109 = tpu.memref_slice %arg9[%dma_start3A_99, %dma_start3A_100, %dma_start3A_107, %dma_start3A_108] : memref<2x4x32x128xf32, #tpu.memory_space<vmem>> -> memref<1x1x32x128xf32, #tpu.memory_space<vmem>>
      %dma_start3A_110 = tpu.memref_squeeze %dma_start3A_109 : memref<1x1x32x128xf32, #tpu.memory_space<vmem>> -> memref<32x128xf32, #tpu.memory_space<vmem>>
      %dma_start3A_111 = arith.constant 0 : i32
      %dma_start3A_112 = tpu.memref_slice %arg4[%dma_start3A_111, %multiple_of3A_98] : memref<32x1000000xf32, #tpu.memory_space<hbm>> -> memref<32x128xf32, #tpu.memory_space<hbm>>
      tpu.enqueue_dma source(%dma_start3A_112 : memref<32x128xf32, #tpu.memory_space<hbm>>) target(%dma_start3A_110 : memref<32x128xf32, #tpu.memory_space<vmem>>) target_semaphore(%arg14 : memref<!tpu.dma_semaphore, #tpu.memory_space<semaphore_mem>>)
      %slice3A_113 = vector.extract_strided_slice %shift_left3A_26 {offsets = [2], sizes = [1], strides = [1]} : vector<16xi32> to vector<1xi32>
      %squeeze3A_114 = vector.extract %slice3A_113[0] : i32 from vector<1xi32>
      %multiple_of3A_115 = tpu.assume_multiple %squeeze3A_114, 128 : i32
      %dma_start3A_116 = arith.constant 0 : i32
      %dma_start3A_117 = arith.constant 2 : i32
      %dma_start3A_118 = arith.constant 0 : i32
      %dma_start3A_119 = arith.constant 0 : i32
      %dma_start3A_120 = tpu.memref_slice %arg10[%dma_start3A_116, %dma_start3A_117, %dma_start3A_118, %dma_start3A_119] : memref<2x4x32x128xf32, #tpu.memory_space<vmem>> -> memref<1x1x32x128xf32, #tpu.memory_space<vmem>>
      %dma_start3A_121 = tpu.memref_squeeze %dma_start3A_120 : memref<1x1x32x128xf32, #tpu.memory_space<vmem>> -> memref<32x128xf32, #tpu.memory_space<vmem>>
      %dma_start3A_122 = arith.constant 0 : i32
      %dma_start3A_123 = tpu.memref_slice %arg5[%dma_start3A_122, %multiple_of3A_115] : memref<32x1000000xf32, #tpu.memory_space<hbm>> -> memref<32x128xf32, #tpu.memory_space<hbm>>
      %dma_start3A_124 = arith.constant 0 : i32
      %dma_start3A_125 = arith.constant 0 : i32
      %dma_start3A_126 = tpu.memref_slice %arg10[%dma_start3A_116, %dma_start3A_117, %dma_start3A_124, %dma_start3A_125] : memref<2x4x32x128xf32, #tpu.memory_space<vmem>> -> memref<1x1x32x128xf32, #tpu.memory_space<vmem>>
      %dma_start3A_127 = tpu.memref_squeeze %dma_start3A_126 : memref<1x1x32x128xf32, #tpu.memory_space<vmem>> -> memref<32x128xf32, #tpu.memory_space<vmem>>
      %dma_start3A_128 = arith.constant 0 : i32
      %dma_start3A_129 = tpu.memref_slice %arg5[%dma_start3A_128, %multiple_of3A_115] : memref<32x1000000xf32, #tpu.memory_space<hbm>> -> memref<32x128xf32, #tpu.memory_space<hbm>>
      tpu.enqueue_dma source(%dma_start3A_129 : memref<32x128xf32, #tpu.memory_space<hbm>>) target(%dma_start3A_127 : memref<32x128xf32, #tpu.memory_space<vmem>>) target_semaphore(%arg14 : memref<!tpu.dma_semaphore, #tpu.memory_space<semaphore_mem>>)
      %slice3A_130 = vector.extract_strided_slice %shift_left3A_20 {offsets = [3], sizes = [1], strides = [1]} : vector<16xi32> to vector<1xi32>
      %squeeze3A_131 = vector.extract %slice3A_130[0] : i32 from vector<1xi32>
      %multiple_of3A_132 = tpu.assume_multiple %squeeze3A_131, 128 : i32
      %dma_start3A_133 = arith.constant 0 : i32
      %dma_start3A_134 = arith.constant 3 : i32
      %dma_start3A_135 = arith.constant 0 : i32
      %dma_start3A_136 = arith.constant 0 : i32
      %dma_start3A_137 = tpu.memref_slice %arg9[%dma_start3A_133, %dma_start3A_134, %dma_start3A_135, %dma_start3A_136] : memref<2x4x32x128xf32, #tpu.memory_space<vmem>> -> memref<1x1x32x128xf32, #tpu.memory_space<vmem>>
      %dma_start3A_138 = tpu.memref_squeeze %dma_start3A_137 : memref<1x1x32x128xf32, #tpu.memory_space<vmem>> -> memref<32x128xf32, #tpu.memory_space<vmem>>
      %dma_start3A_139 = arith.constant 0 : i32
      %dma_start3A_140 = tpu.memref_slice %arg4[%dma_start3A_139, %multiple_of3A_132] : memref<32x1000000xf32, #tpu.memory_space<hbm>> -> memref<32x128xf32, #tpu.memory_space<hbm>>
      %dma_start3A_141 = arith.constant 0 : i32
      %dma_start3A_142 = arith.constant 0 : i32
      %dma_start3A_143 = tpu.memref_slice %arg9[%dma_start3A_133, %dma_start3A_134, %dma_start3A_141, %dma_start3A_142] : memref<2x4x32x128xf32, #tpu.memory_space<vmem>> -> memref<1x1x32x128xf32, #tpu.memory_space<vmem>>
      %dma_start3A_144 = tpu.memref_squeeze %dma_start3A_143 : memref<1x1x32x128xf32, #tpu.memory_space<vmem>> -> memref<32x128xf32, #tpu.memory_space<vmem>>
      %dma_start3A_145 = arith.constant 0 : i32
      %dma_start3A_146 = tpu.memref_slice %arg4[%dma_start3A_145, %multiple_of3A_132] : memref<32x1000000xf32, #tpu.memory_space<hbm>> -> memref<32x128xf32, #tpu.memory_space<hbm>>
      tpu.enqueue_dma source(%dma_start3A_146 : memref<32x128xf32, #tpu.memory_space<hbm>>) target(%dma_start3A_144 : memref<32x128xf32, #tpu.memory_space<vmem>>) target_semaphore(%arg14 : memref<!tpu.dma_semaphore, #tpu.memory_space<semaphore_mem>>)
      %slice3A_147 = vector.extract_strided_slice %shift_left3A_26 {offsets = [3], sizes = [1], strides = [1]} : vector<16xi32> to vector<1xi32>
      %squeeze3A_148 = vector.extract %slice3A_147[0] : i32 from vector<1xi32>
      %multiple_of3A_149 = tpu.assume_multiple %squeeze3A_148, 128 : i32
      %dma_start3A_150 = arith.constant 0 : i32
      %dma_start3A_151 = arith.constant 3 : i32
      %dma_start3A_152 = arith.constant 0 : i32
      %dma_start3A_153 = arith.constant 0 : i32
      %dma_start3A_154 = tpu.memref_slice %arg10[%dma_start3A_150, %dma_start3A_151, %dma_start3A_152, %dma_start3A_153] : memref<2x4x32x128xf32, #tpu.memory_space<vmem>> -> memref<1x1x32x128xf32, #tpu.memory_space<vmem>>
      %dma_start3A_155 = tpu.memref_squeeze %dma_start3A_154 : memref<1x1x32x128xf32, #tpu.memory_space<vmem>> -> memref<32x128xf32, #tpu.memory_space<vmem>>
      %dma_start3A_156 = arith.constant 0 : i32
      %dma_start3A_157 = tpu.memref_slice %arg5[%dma_start3A_156, %multiple_of3A_149] : memref<32x1000000xf32, #tpu.memory_space<hbm>> -> memref<32x128xf32, #tpu.memory_space<hbm>>
      %dma_start3A_158 = arith.constant 0 : i32
      %dma_start3A_159 = arith.constant 0 : i32
      %dma_start3A_160 = tpu.memref_slice %arg10[%dma_start3A_150, %dma_start3A_151, %dma_start3A_158, %dma_start3A_159] : memref<2x4x32x128xf32, #tpu.memory_space<vmem>> -> memref<1x1x32x128xf32, #tpu.memory_space<vmem>>
      %dma_start3A_161 = tpu.memref_squeeze %dma_start3A_160 : memref<1x1x32x128xf32, #tpu.memory_space<vmem>> -> memref<32x128xf32, #tpu.memory_space<vmem>>
      %dma_start3A_162 = arith.constant 0 : i32
      %dma_start3A_163 = tpu.memref_slice %arg5[%dma_start3A_162, %multiple_of3A_149] : memref<32x1000000xf32, #tpu.memory_space<hbm>> -> memref<32x128xf32, #tpu.memory_space<hbm>>
      tpu.enqueue_dma source(%dma_start3A_163 : memref<32x128xf32, #tpu.memory_space<hbm>>) target(%dma_start3A_161 : memref<32x128xf32, #tpu.memory_space<vmem>>) target_semaphore(%arg14 : memref<!tpu.dma_semaphore, #tpu.memory_space<semaphore_mem>>)
      %slice3A_164 = vector.extract_strided_slice %shift_left3A_20 {offsets = [4], sizes = [1], strides = [1]} : vector<16xi32> to vector<1xi32>
      %squeeze3A_165 = vector.extract %slice3A_164[0] : i32 from vector<1xi32>
      %multiple_of3A_166 = tpu.assume_multiple %squeeze3A_165, 128 : i32
      %dma_start3A_167 = arith.constant 1 : i32
      %dma_start3A_168 = arith.constant 0 : i32
      %dma_start3A_169 = arith.constant 0 : i32
      %dma_start3A_170 = arith.constant 0 : i32
      %dma_start3A_171 = tpu.memref_slice %arg9[%dma_start3A_167, %dma_start3A_168, %dma_start3A_169, %dma_start3A_170] : memref<2x4x32x128xf32, #tpu.memory_space<vmem>> -> memref<1x1x32x128xf32, #tpu.memory_space<vmem>>
      %dma_start3A_172 = tpu.memref_squeeze %dma_start3A_171 : memref<1x1x32x128xf32, #tpu.memory_space<vmem>> -> memref<32x128xf32, #tpu.memory_space<vmem>>
      %dma_start3A_173 = arith.constant 0 : i32
      %dma_start3A_174 = tpu.memref_slice %arg4[%dma_start3A_173, %multiple_of3A_166] : memref<32x1000000xf32, #tpu.memory_space<hbm>> -> memref<32x128xf32, #tpu.memory_space<hbm>>
      %dma_start3A_175 = arith.constant 0 : i32
      %dma_start3A_176 = arith.constant 0 : i32
      %dma_start3A_177 = tpu.memref_slice %arg9[%dma_start3A_167, %dma_start3A_168, %dma_start3A_175, %dma_start3A_176] : memref<2x4x32x128xf32, #tpu.memory_space<vmem>> -> memref<1x1x32x128xf32, #tpu.memory_space<vmem>>
      %dma_start3A_178 = tpu.memref_squeeze %dma_start3A_177 : memref<1x1x32x128xf32, #tpu.memory_space<vmem>> -> memref<32x128xf32, #tpu.memory_space<vmem>>
      %dma_start3A_179 = arith.constant 0 : i32
      %dma_start3A_180 = tpu.memref_slice %arg4[%dma_start3A_179, %multiple_of3A_166] : memref<32x1000000xf32, #tpu.memory_space<hbm>> -> memref<32x128xf32, #tpu.memory_space<hbm>>
      tpu.enqueue_dma source(%dma_start3A_180 : memref<32x128xf32, #tpu.memory_space<hbm>>) target(%dma_start3A_178 : memref<32x128xf32, #tpu.memory_space<vmem>>) target_semaphore(%arg15 : memref<!tpu.dma_semaphore, #tpu.memory_space<semaphore_mem>>)
      %slice3A_181 = vector.extract_strided_slice %shift_left3A_26 {offsets = [4], sizes = [1], strides = [1]} : vector<16xi32> to vector<1xi32>
      %squeeze3A_182 = vector.extract %slice3A_181[0] : i32 from vector<1xi32>
      %multiple_of3A_183 = tpu.assume_multiple %squeeze3A_182, 128 : i32
      %dma_start3A_184 = arith.constant 1 : i32
      %dma_start3A_185 = arith.constant 0 : i32
      %dma_start3A_186 = arith.constant 0 : i32
      %dma_start3A_187 = arith.constant 0 : i32
      %dma_start3A_188 = tpu.memref_slice %arg10[%dma_start3A_184, %dma_start3A_185, %dma_start3A_186, %dma_start3A_187] : memref<2x4x32x128xf32, #tpu.memory_space<vmem>> -> memref<1x1x32x128xf32, #tpu.memory_space<vmem>>
      %dma_start3A_189 = tpu.memref_squeeze %dma_start3A_188 : memref<1x1x32x128xf32, #tpu.memory_space<vmem>> -> memref<32x128xf32, #tpu.memory_space<vmem>>
      %dma_start3A_190 = arith.constant 0 : i32
      %dma_start3A_191 = tpu.memref_slice %arg5[%dma_start3A_190, %multiple_of3A_183] : memref<32x1000000xf32, #tpu.memory_space<hbm>> -> memref<32x128xf32, #tpu.memory_space<hbm>>
      %dma_start3A_192 = arith.constant 0 : i32
      %dma_start3A_193 = arith.constant 0 : i32
      %dma_start3A_194 = tpu.memref_slice %arg10[%dma_start3A_184, %dma_start3A_185, %dma_start3A_192, %dma_start3A_193] : memref<2x4x32x128xf32, #tpu.memory_space<vmem>> -> memref<1x1x32x128xf32, #tpu.memory_space<vmem>>
      %dma_start3A_195 = tpu.memref_squeeze %dma_start3A_194 : memref<1x1x32x128xf32, #tpu.memory_space<vmem>> -> memref<32x128xf32, #tpu.memory_space<vmem>>
      %dma_start3A_196 = arith.constant 0 : i32
      %dma_start3A_197 = tpu.memref_slice %arg5[%dma_start3A_196, %multiple_of3A_183] : memref<32x1000000xf32, #tpu.memory_space<hbm>> -> memref<32x128xf32, #tpu.memory_space<hbm>>
      tpu.enqueue_dma source(%dma_start3A_197 : memref<32x128xf32, #tpu.memory_space<hbm>>) target(%dma_start3A_195 : memref<32x128xf32, #tpu.memory_space<vmem>>) target_semaphore(%arg15 : memref<!tpu.dma_semaphore, #tpu.memory_space<semaphore_mem>>)
      %slice3A_198 = vector.extract_strided_slice %shift_left3A_20 {offsets = [5], sizes = [1], strides = [1]} : vector<16xi32> to vector<1xi32>
      %squeeze3A_199 = vector.extract %slice3A_198[0] : i32 from vector<1xi32>
      %multiple_of3A_200 = tpu.assume_multiple %squeeze3A_199, 128 : i32
      %dma_start3A_201 = arith.constant 1 : i32
      %dma_start3A_202 = arith.constant 1 : i32
      %dma_start3A_203 = arith.constant 0 : i32
      %dma_start3A_204 = arith.constant 0 : i32
      %dma_start3A_205 = tpu.memref_slice %arg9[%dma_start3A_201, %dma_start3A_202, %dma_start3A_203, %dma_start3A_204] : memref<2x4x32x128xf32, #tpu.memory_space<vmem>> -> memref<1x1x32x128xf32, #tpu.memory_space<vmem>>
      %dma_start3A_206 = tpu.memref_squeeze %dma_start3A_205 : memref<1x1x32x128xf32, #tpu.memory_space<vmem>> -> memref<32x128xf32, #tpu.memory_space<vmem>>
      %dma_start3A_207 = arith.constant 0 : i32
      %dma_start3A_208 = tpu.memref_slice %arg4[%dma_start3A_207, %multiple_of3A_200] : memref<32x1000000xf32, #tpu.memory_space<hbm>> -> memref<32x128xf32, #tpu.memory_space<hbm>>
      %dma_start3A_209 = arith.constant 0 : i32
      %dma_start3A_210 = arith.constant 0 : i32
      %dma_start3A_211 = tpu.memref_slice %arg9[%dma_start3A_201, %dma_start3A_202, %dma_start3A_209, %dma_start3A_210] : memref<2x4x32x128xf32, #tpu.memory_space<vmem>> -> memref<1x1x32x128xf32, #tpu.memory_space<vmem>>
      %dma_start3A_212 = tpu.memref_squeeze %dma_start3A_211 : memref<1x1x32x128xf32, #tpu.memory_space<vmem>> -> memref<32x128xf32, #tpu.memory_space<vmem>>
      %dma_start3A_213 = arith.constant 0 : i32
      %dma_start3A_214 = tpu.memref_slice %arg4[%dma_start3A_213, %multiple_of3A_200] : memref<32x1000000xf32, #tpu.memory_space<hbm>> -> memref<32x128xf32, #tpu.memory_space<hbm>>
      tpu.enqueue_dma source(%dma_start3A_214 : memref<32x128xf32, #tpu.memory_space<hbm>>) target(%dma_start3A_212 : memref<32x128xf32, #tpu.memory_space<vmem>>) target_semaphore(%arg15 : memref<!tpu.dma_semaphore, #tpu.memory_space<semaphore_mem>>)
      %slice3A_215 = vector.extract_strided_slice %shift_left3A_26 {offsets = [5], sizes = [1], strides = [1]} : vector<16xi32> to vector<1xi32>
      %squeeze3A_216 = vector.extract %slice3A_215[0] : i32 from vector<1xi32>
      %multiple_of3A_217 = tpu.assume_multiple %squeeze3A_216, 128 : i32
      %dma_start3A_218 = arith.constant 1 : i32
      %dma_start3A_219 = arith.constant 1 : i32
      %dma_start3A_220 = arith.constant 0 : i32
      %dma_start3A_221 = arith.constant 0 : i32
      %dma_start3A_222 = tpu.memref_slice %arg10[%dma_start3A_218, %dma_start3A_219, %dma_start3A_220, %dma_start3A_221] : memref<2x4x32x128xf32, #tpu.memory_space<vmem>> -> memref<1x1x32x128xf32, #tpu.memory_space<vmem>>
      %dma_start3A_223 = tpu.memref_squeeze %dma_start3A_222 : memref<1x1x32x128xf32, #tpu.memory_space<vmem>> -> memref<32x128xf32, #tpu.memory_space<vmem>>
      %dma_start3A_224 = arith.constant 0 : i32
      %dma_start3A_225 = tpu.memref_slice %arg5[%dma_start3A_224, %multiple_of3A_217] : memref<32x1000000xf32, #tpu.memory_space<hbm>> -> memref<32x128xf32, #tpu.memory_space<hbm>>
      %dma_start3A_226 = arith.constant 0 : i32
      %dma_start3A_227 = arith.constant 0 : i32
      %dma_start3A_228 = tpu.memref_slice %arg10[%dma_start3A_218, %dma_start3A_219, %dma_start3A_226, %dma_start3A_227] : memref<2x4x32x128xf32, #tpu.memory_space<vmem>> -> memref<1x1x32x128xf32, #tpu.memory_space<vmem>>
      %dma_start3A_229 = tpu.memref_squeeze %dma_start3A_228 : memref<1x1x32x128xf32, #tpu.memory_space<vmem>> -> memref<32x128xf32, #tpu.memory_space<vmem>>
      %dma_start3A_230 = arith.constant 0 : i32
      %dma_start3A_231 = tpu.memref_slice %arg5[%dma_start3A_230, %multiple_of3A_217] : memref<32x1000000xf32, #tpu.memory_space<hbm>> -> memref<32x128xf32, #tpu.memory_space<hbm>>
      tpu.enqueue_dma source(%dma_start3A_231 : memref<32x128xf32, #tpu.memory_space<hbm>>) target(%dma_start3A_229 : memref<32x128xf32, #tpu.memory_space<vmem>>) target_semaphore(%arg15 : memref<!tpu.dma_semaphore, #tpu.memory_space<semaphore_mem>>)
      %slice3A_232 = vector.extract_strided_slice %shift_left3A_20 {offsets = [6], sizes = [1], strides = [1]} : vector<16xi32> to vector<1xi32>
      %squeeze3A_233 = vector.extract %slice3A_232[0] : i32 from vector<1xi32>
      %multiple_of3A_234 = tpu.assume_multiple %squeeze3A_233, 128 : i32
      %dma_start3A_235 = arith.constant 1 : i32
      %dma_start3A_236 = arith.constant 2 : i32
      %dma_start3A_237 = arith.constant 0 : i32
      %dma_start3A_238 = arith.constant 0 : i32
      %dma_start3A_239 = tpu.memref_slice %arg9[%dma_start3A_235, %dma_start3A_236, %dma_start3A_237, %dma_start3A_238] : memref<2x4x32x128xf32, #tpu.memory_space<vmem>> -> memref<1x1x32x128xf32, #tpu.memory_space<vmem>>
      %dma_start3A_240 = tpu.memref_squeeze %dma_start3A_239 : memref<1x1x32x128xf32, #tpu.memory_space<vmem>> -> memref<32x128xf32, #tpu.memory_space<vmem>>
      %dma_start3A_241 = arith.constant 0 : i32
      %dma_start3A_242 = tpu.memref_slice %arg4[%dma_start3A_241, %multiple_of3A_234] : memref<32x1000000xf32, #tpu.memory_space<hbm>> -> memref<32x128xf32, #tpu.memory_space<hbm>>
      %dma_start3A_243 = arith.constant 0 : i32
      %dma_start3A_244 = arith.constant 0 : i32
      %dma_start3A_245 = tpu.memref_slice %arg9[%dma_start3A_235, %dma_start3A_236, %dma_start3A_243, %dma_start3A_244] : memref<2x4x32x128xf32, #tpu.memory_space<vmem>> -> memref<1x1x32x128xf32, #tpu.memory_space<vmem>>
      %dma_start3A_246 = tpu.memref_squeeze %dma_start3A_245 : memref<1x1x32x128xf32, #tpu.memory_space<vmem>> -> memref<32x128xf32, #tpu.memory_space<vmem>>
      %dma_start3A_247 = arith.constant 0 : i32
      %dma_start3A_248 = tpu.memref_slice %arg4[%dma_start3A_247, %multiple_of3A_234] : memref<32x1000000xf32, #tpu.memory_space<hbm>> -> memref<32x128xf32, #tpu.memory_space<hbm>>
      tpu.enqueue_dma source(%dma_start3A_248 : memref<32x128xf32, #tpu.memory_space<hbm>>) target(%dma_start3A_246 : memref<32x128xf32, #tpu.memory_space<vmem>>) target_semaphore(%arg15 : memref<!tpu.dma_semaphore, #tpu.memory_space<semaphore_mem>>)
      %slice3A_249 = vector.extract_strided_slice %shift_left3A_26 {offsets = [6], sizes = [1], strides = [1]} : vector<16xi32> to vector<1xi32>
      %squeeze3A_250 = vector.extract %slice3A_249[0] : i32 from vector<1xi32>
      %multiple_of3A_251 = tpu.assume_multiple %squeeze3A_250, 128 : i32
      %dma_start3A_252 = arith.constant 1 : i32
      %dma_start3A_253 = arith.constant 2 : i32
      %dma_start3A_254 = arith.constant 0 : i32
      %dma_start3A_255 = arith.constant 0 : i32
      %dma_start3A_256 = tpu.memref_slice %arg10[%dma_start3A_252, %dma_start3A_253, %dma_start3A_254, %dma_start3A_255] : memref<2x4x32x128xf32, #tpu.memory_space<vmem>> -> memref<1x1x32x128xf32, #tpu.memory_space<vmem>>
      %dma_start3A_257 = tpu.memref_squeeze %dma_start3A_256 : memref<1x1x32x128xf32, #tpu.memory_space<vmem>> -> memref<32x128xf32, #tpu.memory_space<vmem>>
      %dma_start3A_258 = arith.constant 0 : i32
      %dma_start3A_259 = tpu.memref_slice %arg5[%dma_start3A_258, %multiple_of3A_251] : memref<32x1000000xf32, #tpu.memory_space<hbm>> -> memref<32x128xf32, #tpu.memory_space<hbm>>
      %dma_start3A_260 = arith.constant 0 : i32
      %dma_start3A_261 = arith.constant 0 : i32
      %dma_start3A_262 = tpu.memref_slice %arg10[%dma_start3A_252, %dma_start3A_253, %dma_start3A_260, %dma_start3A_261] : memref<2x4x32x128xf32, #tpu.memory_space<vmem>> -> memref<1x1x32x128xf32, #tpu.memory_space<vmem>>
      %dma_start3A_263 = tpu.memref_squeeze %dma_start3A_262 : memref<1x1x32x128xf32, #tpu.memory_space<vmem>> -> memref<32x128xf32, #tpu.memory_space<vmem>>
      %dma_start3A_264 = arith.constant 0 : i32
      %dma_start3A_265 = tpu.memref_slice %arg5[%dma_start3A_264, %multiple_of3A_251] : memref<32x1000000xf32, #tpu.memory_space<hbm>> -> memref<32x128xf32, #tpu.memory_space<hbm>>
      tpu.enqueue_dma source(%dma_start3A_265 : memref<32x128xf32, #tpu.memory_space<hbm>>) target(%dma_start3A_263 : memref<32x128xf32, #tpu.memory_space<vmem>>) target_semaphore(%arg15 : memref<!tpu.dma_semaphore, #tpu.memory_space<semaphore_mem>>)
      %slice3A_266 = vector.extract_strided_slice %shift_left3A_20 {offsets = [7], sizes = [1], strides = [1]} : vector<16xi32> to vector<1xi32>
      %squeeze3A_267 = vector.extract %slice3A_266[0] : i32 from vector<1xi32>
      %multiple_of3A_268 = tpu.assume_multiple %squeeze3A_267, 128 : i32
      %dma_start3A_269 = arith.constant 1 : i32
      %dma_start3A_270 = arith.constant 3 : i32
      %dma_start3A_271 = arith.constant 0 : i32
      %dma_start3A_272 = arith.constant 0 : i32
      %dma_start3A_273 = tpu.memref_slice %arg9[%dma_start3A_269, %dma_start3A_270, %dma_start3A_271, %dma_start3A_272] : memref<2x4x32x128xf32, #tpu.memory_space<vmem>> -> memref<1x1x32x128xf32, #tpu.memory_space<vmem>>
      %dma_start3A_274 = tpu.memref_squeeze %dma_start3A_273 : memref<1x1x32x128xf32, #tpu.memory_space<vmem>> -> memref<32x128xf32, #tpu.memory_space<vmem>>
      %dma_start3A_275 = arith.constant 0 : i32
      %dma_start3A_276 = tpu.memref_slice %arg4[%dma_start3A_275, %multiple_of3A_268] : memref<32x1000000xf32, #tpu.memory_space<hbm>> -> memref<32x128xf32, #tpu.memory_space<hbm>>
      %dma_start3A_277 = arith.constant 0 : i32
      %dma_start3A_278 = arith.constant 0 : i32
      %dma_start3A_279 = tpu.memref_slice %arg9[%dma_start3A_269, %dma_start3A_270, %dma_start3A_277, %dma_start3A_278] : memref<2x4x32x128xf32, #tpu.memory_space<vmem>> -> memref<1x1x32x128xf32, #tpu.memory_space<vmem>>
      %dma_start3A_280 = tpu.memref_squeeze %dma_start3A_279 : memref<1x1x32x128xf32, #tpu.memory_space<vmem>> -> memref<32x128xf32, #tpu.memory_space<vmem>>
      %dma_start3A_281 = arith.constant 0 : i32
      %dma_start3A_282 = tpu.memref_slice %arg4[%dma_start3A_281, %multiple_of3A_268] : memref<32x1000000xf32, #tpu.memory_space<hbm>> -> memref<32x128xf32, #tpu.memory_space<hbm>>
      tpu.enqueue_dma source(%dma_start3A_282 : memref<32x128xf32, #tpu.memory_space<hbm>>) target(%dma_start3A_280 : memref<32x128xf32, #tpu.memory_space<vmem>>) target_semaphore(%arg15 : memref<!tpu.dma_semaphore, #tpu.memory_space<semaphore_mem>>)
      %slice3A_283 = vector.extract_strided_slice %shift_left3A_26 {offsets = [7], sizes = [1], strides = [1]} : vector<16xi32> to vector<1xi32>
      %squeeze3A_284 = vector.extract %slice3A_283[0] : i32 from vector<1xi32>
      %multiple_of3A_285 = tpu.assume_multiple %squeeze3A_284, 128 : i32
      %dma_start3A_286 = arith.constant 1 : i32
      %dma_start3A_287 = arith.constant 3 : i32
      %dma_start3A_288 = arith.constant 0 : i32
      %dma_start3A_289 = arith.constant 0 : i32
      %dma_start3A_290 = tpu.memref_slice %arg10[%dma_start3A_286, %dma_start3A_287, %dma_start3A_288, %dma_start3A_289] : memref<2x4x32x128xf32, #tpu.memory_space<vmem>> -> memref<1x1x32x128xf32, #tpu.memory_space<vmem>>
      %dma_start3A_291 = tpu.memref_squeeze %dma_start3A_290 : memref<1x1x32x128xf32, #tpu.memory_space<vmem>> -> memref<32x128xf32, #tpu.memory_space<vmem>>
      %dma_start3A_292 = arith.constant 0 : i32
      %dma_start3A_293 = tpu.memref_slice %arg5[%dma_start3A_292, %multiple_of3A_285] : memref<32x1000000xf32, #tpu.memory_space<hbm>> -> memref<32x128xf32, #tpu.memory_space<hbm>>
      %dma_start3A_294 = arith.constant 0 : i32
      %dma_start3A_295 = arith.constant 0 : i32
      %dma_start3A_296 = tpu.memref_slice %arg10[%dma_start3A_286, %dma_start3A_287, %dma_start3A_294, %dma_start3A_295] : memref<2x4x32x128xf32, #tpu.memory_space<vmem>> -> memref<1x1x32x128xf32, #tpu.memory_space<vmem>>
      %dma_start3A_297 = tpu.memref_squeeze %dma_start3A_296 : memref<1x1x32x128xf32, #tpu.memory_space<vmem>> -> memref<32x128xf32, #tpu.memory_space<vmem>>
      %dma_start3A_298 = arith.constant 0 : i32
      %dma_start3A_299 = tpu.memref_slice %arg5[%dma_start3A_298, %multiple_of3A_285] : memref<32x1000000xf32, #tpu.memory_space<hbm>> -> memref<32x128xf32, #tpu.memory_space<hbm>>
      tpu.enqueue_dma source(%dma_start3A_299 : memref<32x128xf32, #tpu.memory_space<hbm>>) target(%dma_start3A_297 : memref<32x128xf32, #tpu.memory_space<vmem>>) target_semaphore(%arg15 : memref<!tpu.dma_semaphore, #tpu.memory_space<semaphore_mem>>)
      %dma_wait3A = arith.constant 0 : i32
      %dma_wait3A_300 = arith.constant 0 : i32
      %dma_wait3A_301 = arith.constant 0 : i32
      %dma_wait3A_302 = arith.constant 0 : i32
      %dma_wait3A_303 = tpu.memref_slice %arg9[%dma_wait3A, %dma_wait3A_300, %dma_wait3A_301, %dma_wait3A_302] : memref<2x4x32x128xf32, #tpu.memory_space<vmem>> -> memref<1x1x32x128xf32, #tpu.memory_space<vmem>>
      %dma_wait3A_304 = tpu.memref_squeeze %dma_wait3A_303 : memref<1x1x32x128xf32, #tpu.memory_space<vmem>> -> memref<32x128xf32, #tpu.memory_space<vmem>>
      %dma_wait3A_305 = arith.constant 0 : i32
      %dma_wait3A_306 = tpu.memref_slice %arg4[%dma_wait3A_305, %multiple_of3A] : memref<32x1000000xf32, #tpu.memory_space<hbm>> -> memref<32x128xf32, #tpu.memory_space<hbm>>
      %dma_wait3A_307 = arith.constant 0 : i32
      %dma_wait3A_308 = arith.constant 0 : i32
      %dma_wait3A_309 = tpu.memref_slice %arg9[%dma_wait3A, %dma_wait3A_300, %dma_wait3A_307, %dma_wait3A_308] : memref<2x4x32x128xf32, #tpu.memory_space<vmem>> -> memref<1x1x32x128xf32, #tpu.memory_space<vmem>>
      %dma_wait3A_310 = tpu.memref_squeeze %dma_wait3A_309 : memref<1x1x32x128xf32, #tpu.memory_space<vmem>> -> memref<32x128xf32, #tpu.memory_space<vmem>>
      %dma_wait3A_311 = arith.constant 0 : i32
      %dma_wait3A_312 = tpu.memref_slice %arg4[%dma_wait3A_311, %multiple_of3A] : memref<32x1000000xf32, #tpu.memory_space<hbm>> -> memref<32x128xf32, #tpu.memory_space<hbm>>
      tpu.wait_dma2 semaphore(%arg14 : memref<!tpu.dma_semaphore, #tpu.memory_space<semaphore_mem>>) src(%dma_wait3A_312 : memref<32x128xf32, #tpu.memory_space<hbm>>) dst(%dma_wait3A_310 : memref<32x128xf32, #tpu.memory_space<vmem>>)
      %dma_wait3A_313 = arith.constant 0 : i32
      %dma_wait3A_314 = arith.constant 0 : i32
      %dma_wait3A_315 = arith.constant 0 : i32
      %dma_wait3A_316 = arith.constant 0 : i32
      %dma_wait3A_317 = tpu.memref_slice %arg10[%dma_wait3A_313, %dma_wait3A_314, %dma_wait3A_315, %dma_wait3A_316] : memref<2x4x32x128xf32, #tpu.memory_space<vmem>> -> memref<1x1x32x128xf32, #tpu.memory_space<vmem>>
      %dma_wait3A_318 = tpu.memref_squeeze %dma_wait3A_317 : memref<1x1x32x128xf32, #tpu.memory_space<vmem>> -> memref<32x128xf32, #tpu.memory_space<vmem>>
      %dma_wait3A_319 = arith.constant 0 : i32
      %dma_wait3A_320 = tpu.memref_slice %arg5[%dma_wait3A_319, %multiple_of3A_47] : memref<32x1000000xf32, #tpu.memory_space<hbm>> -> memref<32x128xf32, #tpu.memory_space<hbm>>
      %dma_wait3A_321 = arith.constant 0 : i32
      %dma_wait3A_322 = arith.constant 0 : i32
      %dma_wait3A_323 = tpu.memref_slice %arg10[%dma_wait3A_313, %dma_wait3A_314, %dma_wait3A_321, %dma_wait3A_322] : memref<2x4x32x128xf32, #tpu.memory_space<vmem>> -> memref<1x1x32x128xf32, #tpu.memory_space<vmem>>
      %dma_wait3A_324 = tpu.memref_squeeze %dma_wait3A_323 : memref<1x1x32x128xf32, #tpu.memory_space<vmem>> -> memref<32x128xf32, #tpu.memory_space<vmem>>
      %dma_wait3A_325 = arith.constant 0 : i32
      %dma_wait3A_326 = tpu.memref_slice %arg5[%dma_wait3A_325, %multiple_of3A_47] : memref<32x1000000xf32, #tpu.memory_space<hbm>> -> memref<32x128xf32, #tpu.memory_space<hbm>>
      tpu.wait_dma2 semaphore(%arg14 : memref<!tpu.dma_semaphore, #tpu.memory_space<semaphore_mem>>) src(%dma_wait3A_326 : memref<32x128xf32, #tpu.memory_space<hbm>>) dst(%dma_wait3A_324 : memref<32x128xf32, #tpu.memory_space<vmem>>)
      %dma_wait3A_327 = arith.constant 0 : i32
      %dma_wait3A_328 = arith.constant 1 : i32
      %dma_wait3A_329 = arith.constant 0 : i32
      %dma_wait3A_330 = arith.constant 0 : i32
      %dma_wait3A_331 = tpu.memref_slice %arg9[%dma_wait3A_327, %dma_wait3A_328, %dma_wait3A_329, %dma_wait3A_330] : memref<2x4x32x128xf32, #tpu.memory_space<vmem>> -> memref<1x1x32x128xf32, #tpu.memory_space<vmem>>
      %dma_wait3A_332 = tpu.memref_squeeze %dma_wait3A_331 : memref<1x1x32x128xf32, #tpu.memory_space<vmem>> -> memref<32x128xf32, #tpu.memory_space<vmem>>
      %dma_wait3A_333 = arith.constant 0 : i32
      %dma_wait3A_334 = tpu.memref_slice %arg4[%dma_wait3A_333, %multiple_of3A_64] : memref<32x1000000xf32, #tpu.memory_space<hbm>> -> memref<32x128xf32, #tpu.memory_space<hbm>>
      %dma_wait3A_335 = arith.constant 0 : i32
      %dma_wait3A_336 = arith.constant 0 : i32
      %dma_wait3A_337 = tpu.memref_slice %arg9[%dma_wait3A_327, %dma_wait3A_328, %dma_wait3A_335, %dma_wait3A_336] : memref<2x4x32x128xf32, #tpu.memory_space<vmem>> -> memref<1x1x32x128xf32, #tpu.memory_space<vmem>>
      %dma_wait3A_338 = tpu.memref_squeeze %dma_wait3A_337 : memref<1x1x32x128xf32, #tpu.memory_space<vmem>> -> memref<32x128xf32, #tpu.memory_space<vmem>>
      %dma_wait3A_339 = arith.constant 0 : i32
      %dma_wait3A_340 = tpu.memref_slice %arg4[%dma_wait3A_339, %multiple_of3A_64] : memref<32x1000000xf32, #tpu.memory_space<hbm>> -> memref<32x128xf32, #tpu.memory_space<hbm>>
      tpu.wait_dma2 semaphore(%arg14 : memref<!tpu.dma_semaphore, #tpu.memory_space<semaphore_mem>>) src(%dma_wait3A_340 : memref<32x128xf32, #tpu.memory_space<hbm>>) dst(%dma_wait3A_338 : memref<32x128xf32, #tpu.memory_space<vmem>>)
      %dma_wait3A_341 = arith.constant 0 : i32
      %dma_wait3A_342 = arith.constant 1 : i32
      %dma_wait3A_343 = arith.constant 0 : i32
      %dma_wait3A_344 = arith.constant 0 : i32
      %dma_wait3A_345 = tpu.memref_slice %arg10[%dma_wait3A_341, %dma_wait3A_342, %dma_wait3A_343, %dma_wait3A_344] : memref<2x4x32x128xf32, #tpu.memory_space<vmem>> -> memref<1x1x32x128xf32, #tpu.memory_space<vmem>>
      %dma_wait3A_346 = tpu.memref_squeeze %dma_wait3A_345 : memref<1x1x32x128xf32, #tpu.memory_space<vmem>> -> memref<32x128xf32, #tpu.memory_space<vmem>>
      %dma_wait3A_347 = arith.constant 0 : i32
      %dma_wait3A_348 = tpu.memref_slice %arg5[%dma_wait3A_347, %multiple_of3A_81] : memref<32x1000000xf32, #tpu.memory_space<hbm>> -> memref<32x128xf32, #tpu.memory_space<hbm>>
      %dma_wait3A_349 = arith.constant 0 : i32
      %dma_wait3A_350 = arith.constant 0 : i32
      %dma_wait3A_351 = tpu.memref_slice %arg10[%dma_wait3A_341, %dma_wait3A_342, %dma_wait3A_349, %dma_wait3A_350] : memref<2x4x32x128xf32, #tpu.memory_space<vmem>> -> memref<1x1x32x128xf32, #tpu.memory_space<vmem>>
      %dma_wait3A_352 = tpu.memref_squeeze %dma_wait3A_351 : memref<1x1x32x128xf32, #tpu.memory_space<vmem>> -> memref<32x128xf32, #tpu.memory_space<vmem>>
      %dma_wait3A_353 = arith.constant 0 : i32
      %dma_wait3A_354 = tpu.memref_slice %arg5[%dma_wait3A_353, %multiple_of3A_81] : memref<32x1000000xf32, #tpu.memory_space<hbm>> -> memref<32x128xf32, #tpu.memory_space<hbm>>
      tpu.wait_dma2 semaphore(%arg14 : memref<!tpu.dma_semaphore, #tpu.memory_space<semaphore_mem>>) src(%dma_wait3A_354 : memref<32x128xf32, #tpu.memory_space<hbm>>) dst(%dma_wait3A_352 : memref<32x128xf32, #tpu.memory_space<vmem>>)
      %dma_wait3A_355 = arith.constant 0 : i32
      %dma_wait3A_356 = arith.constant 2 : i32
      %dma_wait3A_357 = arith.constant 0 : i32
      %dma_wait3A_358 = arith.constant 0 : i32
      %dma_wait3A_359 = tpu.memref_slice %arg9[%dma_wait3A_355, %dma_wait3A_356, %dma_wait3A_357, %dma_wait3A_358] : memref<2x4x32x128xf32, #tpu.memory_space<vmem>> -> memref<1x1x32x128xf32, #tpu.memory_space<vmem>>
      %dma_wait3A_360 = tpu.memref_squeeze %dma_wait3A_359 : memref<1x1x32x128xf32, #tpu.memory_space<vmem>> -> memref<32x128xf32, #tpu.memory_space<vmem>>
      %dma_wait3A_361 = arith.constant 0 : i32
      %dma_wait3A_362 = tpu.memref_slice %arg4[%dma_wait3A_361, %multiple_of3A_98] : memref<32x1000000xf32, #tpu.memory_space<hbm>> -> memref<32x128xf32, #tpu.memory_space<hbm>>
      %dma_wait3A_363 = arith.constant 0 : i32
      %dma_wait3A_364 = arith.constant 0 : i32
      %dma_wait3A_365 = tpu.memref_slice %arg9[%dma_wait3A_355, %dma_wait3A_356, %dma_wait3A_363, %dma_wait3A_364] : memref<2x4x32x128xf32, #tpu.memory_space<vmem>> -> memref<1x1x32x128xf32, #tpu.memory_space<vmem>>
      %dma_wait3A_366 = tpu.memref_squeeze %dma_wait3A_365 : memref<1x1x32x128xf32, #tpu.memory_space<vmem>> -> memref<32x128xf32, #tpu.memory_space<vmem>>
      %dma_wait3A_367 = arith.constant 0 : i32
      %dma_wait3A_368 = tpu.memref_slice %arg4[%dma_wait3A_367, %multiple_of3A_98] : memref<32x1000000xf32, #tpu.memory_space<hbm>> -> memref<32x128xf32, #tpu.memory_space<hbm>>
      tpu.wait_dma2 semaphore(%arg14 : memref<!tpu.dma_semaphore, #tpu.memory_space<semaphore_mem>>) src(%dma_wait3A_368 : memref<32x128xf32, #tpu.memory_space<hbm>>) dst(%dma_wait3A_366 : memref<32x128xf32, #tpu.memory_space<vmem>>)
      %dma_wait3A_369 = arith.constant 0 : i32
      %dma_wait3A_370 = arith.constant 2 : i32
      %dma_wait3A_371 = arith.constant 0 : i32
      %dma_wait3A_372 = arith.constant 0 : i32
      %dma_wait3A_373 = tpu.memref_slice %arg10[%dma_wait3A_369, %dma_wait3A_370, %dma_wait3A_371, %dma_wait3A_372] : memref<2x4x32x128xf32, #tpu.memory_space<vmem>> -> memref<1x1x32x128xf32, #tpu.memory_space<vmem>>
      %dma_wait3A_374 = tpu.memref_squeeze %dma_wait3A_373 : memref<1x1x32x128xf32, #tpu.memory_space<vmem>> -> memref<32x128xf32, #tpu.memory_space<vmem>>
      %dma_wait3A_375 = arith.constant 0 : i32
      %dma_wait3A_376 = tpu.memref_slice %arg5[%dma_wait3A_375, %multiple_of3A_115] : memref<32x1000000xf32, #tpu.memory_space<hbm>> -> memref<32x128xf32, #tpu.memory_space<hbm>>
      %dma_wait3A_377 = arith.constant 0 : i32
      %dma_wait3A_378 = arith.constant 0 : i32
      %dma_wait3A_379 = tpu.memref_slice %arg10[%dma_wait3A_369, %dma_wait3A_370, %dma_wait3A_377, %dma_wait3A_378] : memref<2x4x32x128xf32, #tpu.memory_space<vmem>> -> memref<1x1x32x128xf32, #tpu.memory_space<vmem>>
      %dma_wait3A_380 = tpu.memref_squeeze %dma_wait3A_379 : memref<1x1x32x128xf32, #tpu.memory_space<vmem>> -> memref<32x128xf32, #tpu.memory_space<vmem>>
      %dma_wait3A_381 = arith.constant 0 : i32
      %dma_wait3A_382 = tpu.memref_slice %arg5[%dma_wait3A_381, %multiple_of3A_115] : memref<32x1000000xf32, #tpu.memory_space<hbm>> -> memref<32x128xf32, #tpu.memory_space<hbm>>
      tpu.wait_dma2 semaphore(%arg14 : memref<!tpu.dma_semaphore, #tpu.memory_space<semaphore_mem>>) src(%dma_wait3A_382 : memref<32x128xf32, #tpu.memory_space<hbm>>) dst(%dma_wait3A_380 : memref<32x128xf32, #tpu.memory_space<vmem>>)
      %dma_wait3A_383 = arith.constant 0 : i32
      %dma_wait3A_384 = arith.constant 3 : i32
      %dma_wait3A_385 = arith.constant 0 : i32
      %dma_wait3A_386 = arith.constant 0 : i32
      %dma_wait3A_387 = tpu.memref_slice %arg9[%dma_wait3A_383, %dma_wait3A_384, %dma_wait3A_385, %dma_wait3A_386] : memref<2x4x32x128xf32, #tpu.memory_space<vmem>> -> memref<1x1x32x128xf32, #tpu.memory_space<vmem>>
      %dma_wait3A_388 = tpu.memref_squeeze %dma_wait3A_387 : memref<1x1x32x128xf32, #tpu.memory_space<vmem>> -> memref<32x128xf32, #tpu.memory_space<vmem>>
      %dma_wait3A_389 = arith.constant 0 : i32
      %dma_wait3A_390 = tpu.memref_slice %arg4[%dma_wait3A_389, %multiple_of3A_132] : memref<32x1000000xf32, #tpu.memory_space<hbm>> -> memref<32x128xf32, #tpu.memory_space<hbm>>
      %dma_wait3A_391 = arith.constant 0 : i32
      %dma_wait3A_392 = arith.constant 0 : i32
      %dma_wait3A_393 = tpu.memref_slice %arg9[%dma_wait3A_383, %dma_wait3A_384, %dma_wait3A_391, %dma_wait3A_392] : memref<2x4x32x128xf32, #tpu.memory_space<vmem>> -> memref<1x1x32x128xf32, #tpu.memory_space<vmem>>
      %dma_wait3A_394 = tpu.memref_squeeze %dma_wait3A_393 : memref<1x1x32x128xf32, #tpu.memory_space<vmem>> -> memref<32x128xf32, #tpu.memory_space<vmem>>
      %dma_wait3A_395 = arith.constant 0 : i32
      %dma_wait3A_396 = tpu.memref_slice %arg4[%dma_wait3A_395, %multiple_of3A_132] : memref<32x1000000xf32, #tpu.memory_space<hbm>> -> memref<32x128xf32, #tpu.memory_space<hbm>>
      tpu.wait_dma2 semaphore(%arg14 : memref<!tpu.dma_semaphore, #tpu.memory_space<semaphore_mem>>) src(%dma_wait3A_396 : memref<32x128xf32, #tpu.memory_space<hbm>>) dst(%dma_wait3A_394 : memref<32x128xf32, #tpu.memory_space<vmem>>)
      %dma_wait3A_397 = arith.constant 0 : i32
      %dma_wait3A_398 = arith.constant 3 : i32
      %dma_wait3A_399 = arith.constant 0 : i32
      %dma_wait3A_400 = arith.constant 0 : i32
      %dma_wait3A_401 = tpu.memref_slice %arg10[%dma_wait3A_397, %dma_wait3A_398, %dma_wait3A_399, %dma_wait3A_400] : memref<2x4x32x128xf32, #tpu.memory_space<vmem>> -> memref<1x1x32x128xf32, #tpu.memory_space<vmem>>
      %dma_wait3A_402 = tpu.memref_squeeze %dma_wait3A_401 : memref<1x1x32x128xf32, #tpu.memory_space<vmem>> -> memref<32x128xf32, #tpu.memory_space<vmem>>
      %dma_wait3A_403 = arith.constant 0 : i32
      %dma_wait3A_404 = tpu.memref_slice %arg5[%dma_wait3A_403, %multiple_of3A_149] : memref<32x1000000xf32, #tpu.memory_space<hbm>> -> memref<32x128xf32, #tpu.memory_space<hbm>>
      %dma_wait3A_405 = arith.constant 0 : i32
      %dma_wait3A_406 = arith.constant 0 : i32
      %dma_wait3A_407 = tpu.memref_slice %arg10[%dma_wait3A_397, %dma_wait3A_398, %dma_wait3A_405, %dma_wait3A_406] : memref<2x4x32x128xf32, #tpu.memory_space<vmem>> -> memref<1x1x32x128xf32, #tpu.memory_space<vmem>>
      %dma_wait3A_408 = tpu.memref_squeeze %dma_wait3A_407 : memref<1x1x32x128xf32, #tpu.memory_space<vmem>> -> memref<32x128xf32, #tpu.memory_space<vmem>>
      %dma_wait3A_409 = arith.constant 0 : i32
      %dma_wait3A_410 = tpu.memref_slice %arg5[%dma_wait3A_409, %multiple_of3A_149] : memref<32x1000000xf32, #tpu.memory_space<hbm>> -> memref<32x128xf32, #tpu.memory_space<hbm>>
      tpu.wait_dma2 semaphore(%arg14 : memref<!tpu.dma_semaphore, #tpu.memory_space<semaphore_mem>>) src(%dma_wait3A_410 : memref<32x128xf32, #tpu.memory_space<hbm>>) dst(%dma_wait3A_408 : memref<32x128xf32, #tpu.memory_space<vmem>>)
      %broadcast_in_dim3A = arith.constant 0 : i32
      %broadcast_in_dim3A_411 = vector.broadcast %broadcast_in_dim3A : i32 to vector<16xi32>
      %broadcast_in_dim3A_412 = arith.constant 0 : i32
      %broadcast_in_dim3A_413 = vector.broadcast %broadcast_in_dim3A_412 : i32 to vector<16xi32>
      %broadcast_in_dim3A_414 = arith.constant 0 : i32
      %broadcast_in_dim3A_415 = vector.broadcast %broadcast_in_dim3A_414 : i32 to vector<16xi32>
      %slice3A_416 = vector.extract_strided_slice %and3A_28 {offsets = [0], sizes = [1], strides = [1]} : vector<16xi32> to vector<1xi32>
      %squeeze3A_417 = vector.extract %slice3A_416[0] : i32 from vector<1xi32>
      %add3A_418 = vector.broadcast %squeeze3A_417 : i32 to vector<16xi32>
      %add3A_419 = arith.addi %broadcast_in_dim3A_415, %add3A_418 : vector<16xi32>
      %broadcast_in_dim3A_420 = arith.constant 0 : i32
      %broadcast_in_dim3A_421 = vector.broadcast %broadcast_in_dim3A_420 : i32 to vector<16xi32>
      %slice3A_422 = vector.extract_strided_slice %and3A_31 {offsets = [0], sizes = [1], strides = [1]} : vector<16xi32> to vector<1xi32>
      %squeeze3A_423 = vector.extract %slice3A_422[0] : i32 from vector<1xi32>
      %add3A_424 = vector.broadcast %squeeze3A_423 : i32 to vector<16xi32>
      %add3A_425 = arith.addi %broadcast_in_dim3A_421, %add3A_424 : vector<16xi32>
      %broadcast_in_dim3A_426 = arith.constant 0 : i32
      %broadcast_in_dim3A_427 = vector.broadcast %broadcast_in_dim3A_426 : i32 to vector<16xi32>
      %gather3A = tpu.vector_load_idx %arg9[%broadcast_in_dim3A_411, %broadcast_in_dim3A_413, %iota3A, %add3A_419] : memref<2x4x32x128xf32, #tpu.memory_space<vmem>>[vector<16xi32>, vector<16xi32>, vector<16xi32>, vector<16xi32>], vector<16xf32>,
      tpu.vector_store_idx %arg11[%iota3A, %broadcast_in_dim3A_427], %gather3A : memref<32x16xf32, #tpu.memory_space<vmem>>[vector<16xi32>, vector<16xi32>], vector<16xf32>,
      %gather3A_428 = tpu.vector_load_idx %arg10[%broadcast_in_dim3A_411, %broadcast_in_dim3A_413, %iota3A, %add3A_425] : memref<2x4x32x128xf32, #tpu.memory_space<vmem>>[vector<16xi32>, vector<16xi32>, vector<16xi32>, vector<16xi32>], vector<16xf32>,
      tpu.vector_store_idx %arg12[%iota3A, %broadcast_in_dim3A_427], %gather3A_428 : memref<32x16xf32, #tpu.memory_space<vmem>>[vector<16xi32>, vector<16xi32>], vector<16xf32>,
      %gather3A_429 = tpu.vector_load_idx %arg9[%broadcast_in_dim3A_411, %broadcast_in_dim3A_413, %add3A_5, %add3A_419] : memref<2x4x32x128xf32, #tpu.memory_space<vmem>>[vector<16xi32>, vector<16xi32>, vector<16xi32>, vector<16xi32>], vector<16xf32>,
      tpu.vector_store_idx %arg11[%add3A_5, %broadcast_in_dim3A_427], %gather3A_429 : memref<32x16xf32, #tpu.memory_space<vmem>>[vector<16xi32>, vector<16xi32>], vector<16xf32>,
      %gather3A_430 = tpu.vector_load_idx %arg10[%broadcast_in_dim3A_411, %broadcast_in_dim3A_413, %add3A_5, %add3A_425] : memref<2x4x32x128xf32, #tpu.memory_space<vmem>>[vector<16xi32>, vector<16xi32>, vector<16xi32>, vector<16xi32>], vector<16xf32>,
      tpu.vector_store_idx %arg12[%add3A_5, %broadcast_in_dim3A_427], %gather3A_430 : memref<32x16xf32, #tpu.memory_space<vmem>>[vector<16xi32>, vector<16xi32>], vector<16xf32>,
      %broadcast_in_dim3A_431 = arith.constant 1 : i32
      %broadcast_in_dim3A_432 = vector.broadcast %broadcast_in_dim3A_431 : i32 to vector<16xi32>
      %broadcast_in_dim3A_433 = arith.constant 0 : i32
      %broadcast_in_dim3A_434 = vector.broadcast %broadcast_in_dim3A_433 : i32 to vector<16xi32>
      %slice3A_435 = vector.extract_strided_slice %and3A_28 {offsets = [1], sizes = [1], strides = [1]} : vector<16xi32> to vector<1xi32>
      %squeeze3A_436 = vector.extract %slice3A_435[0] : i32 from vector<1xi32>
      %add3A_437 = vector.broadcast %squeeze3A_436 : i32 to vector<16xi32>
      %add3A_438 = arith.addi %broadcast_in_dim3A_434, %add3A_437 : vector<16xi32>
      %broadcast_in_dim3A_439 = arith.constant 0 : i32
      %broadcast_in_dim3A_440 = vector.broadcast %broadcast_in_dim3A_439 : i32 to vector<16xi32>
      %slice3A_441 = vector.extract_strided_slice %and3A_31 {offsets = [1], sizes = [1], strides = [1]} : vector<16xi32> to vector<1xi32>
      %squeeze3A_442 = vector.extract %slice3A_441[0] : i32 from vector<1xi32>
      %add3A_443 = vector.broadcast %squeeze3A_442 : i32 to vector<16xi32>
      %add3A_444 = arith.addi %broadcast_in_dim3A_440, %add3A_443 : vector<16xi32>
      %broadcast_in_dim3A_445 = arith.constant 1 : i32
      %broadcast_in_dim3A_446 = vector.broadcast %broadcast_in_dim3A_445 : i32 to vector<16xi32>
      %gather3A_447 = tpu.vector_load_idx %arg9[%broadcast_in_dim3A_411, %broadcast_in_dim3A_432, %iota3A, %add3A_438] : memref<2x4x32x128xf32, #tpu.memory_space<vmem>>[vector<16xi32>, vector<16xi32>, vector<16xi32>, vector<16xi32>], vector<16xf32>,
      tpu.vector_store_idx %arg11[%iota3A, %broadcast_in_dim3A_446], %gather3A_447 : memref<32x16xf32, #tpu.memory_space<vmem>>[vector<16xi32>, vector<16xi32>], vector<16xf32>,
      %gather3A_448 = tpu.vector_load_idx %arg10[%broadcast_in_dim3A_411, %broadcast_in_dim3A_432, %iota3A, %add3A_444] : memref<2x4x32x128xf32, #tpu.memory_space<vmem>>[vector<16xi32>, vector<16xi32>, vector<16xi32>, vector<16xi32>], vector<16xf32>,
      tpu.vector_store_idx %arg12[%iota3A, %broadcast_in_dim3A_446], %gather3A_448 : memref<32x16xf32, #tpu.memory_space<vmem>>[vector<16xi32>, vector<16xi32>], vector<16xf32>,
      %gather3A_449 = tpu.vector_load_idx %arg9[%broadcast_in_dim3A_411, %broadcast_in_dim3A_432, %add3A_5, %add3A_438] : memref<2x4x32x128xf32, #tpu.memory_space<vmem>>[vector<16xi32>, vector<16xi32>, vector<16xi32>, vector<16xi32>], vector<16xf32>,
      tpu.vector_store_idx %arg11[%add3A_5, %broadcast_in_dim3A_446], %gather3A_449 : memref<32x16xf32, #tpu.memory_space<vmem>>[vector<16xi32>, vector<16xi32>], vector<16xf32>,
      %gather3A_450 = tpu.vector_load_idx %arg10[%broadcast_in_dim3A_411, %broadcast_in_dim3A_432, %add3A_5, %add3A_444] : memref<2x4x32x128xf32, #tpu.memory_space<vmem>>[vector<16xi32>, vector<16xi32>, vector<16xi32>, vector<16xi32>], vector<16xf32>,
      tpu.vector_store_idx %arg12[%add3A_5, %broadcast_in_dim3A_446], %gather3A_450 : memref<32x16xf32, #tpu.memory_space<vmem>>[vector<16xi32>, vector<16xi32>], vector<16xf32>,
      %broadcast_in_dim3A_451 = arith.constant 2 : i32
      %broadcast_in_dim3A_452 = vector.broadcast %broadcast_in_dim3A_451 : i32 to vector<16xi32>
      %broadcast_in_dim3A_453 = arith.constant 0 : i32
      %broadcast_in_dim3A_454 = vector.broadcast %broadcast_in_dim3A_453 : i32 to vector<16xi32>
      %slice3A_455 = vector.extract_strided_slice %and3A_28 {offsets = [2], sizes = [1], strides = [1]} : vector<16xi32> to vector<1xi32>
      %squeeze3A_456 = vector.extract %slice3A_455[0] : i32 from vector<1xi32>
      %add3A_457 = vector.broadcast %squeeze3A_456 : i32 to vector<16xi32>
      %add3A_458 = arith.addi %broadcast_in_dim3A_454, %add3A_457 : vector<16xi32>
      %broadcast_in_dim3A_459 = arith.constant 0 : i32
      %broadcast_in_dim3A_460 = vector.broadcast %broadcast_in_dim3A_459 : i32 to vector<16xi32>
      %slice3A_461 = vector.extract_strided_slice %and3A_31 {offsets = [2], sizes = [1], strides = [1]} : vector<16xi32> to vector<1xi32>
      %squeeze3A_462 = vector.extract %slice3A_461[0] : i32 from vector<1xi32>
      %add3A_463 = vector.broadcast %squeeze3A_462 : i32 to vector<16xi32>
      %add3A_464 = arith.addi %broadcast_in_dim3A_460, %add3A_463 : vector<16xi32>
      %broadcast_in_dim3A_465 = arith.constant 2 : i32
      %broadcast_in_dim3A_466 = vector.broadcast %broadcast_in_dim3A_465 : i32 to vector<16xi32>
      %gather3A_467 = tpu.vector_load_idx %arg9[%broadcast_in_dim3A_411, %broadcast_in_dim3A_452, %iota3A, %add3A_458] : memref<2x4x32x128xf32, #tpu.memory_space<vmem>>[vector<16xi32>, vector<16xi32>, vector<16xi32>, vector<16xi32>], vector<16xf32>,
      tpu.vector_store_idx %arg11[%iota3A, %broadcast_in_dim3A_466], %gather3A_467 : memref<32x16xf32, #tpu.memory_space<vmem>>[vector<16xi32>, vector<16xi32>], vector<16xf32>,
      %gather3A_468 = tpu.vector_load_idx %arg10[%broadcast_in_dim3A_411, %broadcast_in_dim3A_452, %iota3A, %add3A_464] : memref<2x4x32x128xf32, #tpu.memory_space<vmem>>[vector<16xi32>, vector<16xi32>, vector<16xi32>, vector<16xi32>], vector<16xf32>,
      tpu.vector_store_idx %arg12[%iota3A, %broadcast_in_dim3A_466], %gather3A_468 : memref<32x16xf32, #tpu.memory_space<vmem>>[vector<16xi32>, vector<16xi32>], vector<16xf32>,
      %gather3A_469 = tpu.vector_load_idx %arg9[%broadcast_in_dim3A_411, %broadcast_in_dim3A_452, %add3A_5, %add3A_458] : memref<2x4x32x128xf32, #tpu.memory_space<vmem>>[vector<16xi32>, vector<16xi32>, vector<16xi32>, vector<16xi32>], vector<16xf32>,
      tpu.vector_store_idx %arg11[%add3A_5, %broadcast_in_dim3A_466], %gather3A_469 : memref<32x16xf32, #tpu.memory_space<vmem>>[vector<16xi32>, vector<16xi32>], vector<16xf32>,
      %gather3A_470 = tpu.vector_load_idx %arg10[%broadcast_in_dim3A_411, %broadcast_in_dim3A_452, %add3A_5, %add3A_464] : memref<2x4x32x128xf32, #tpu.memory_space<vmem>>[vector<16xi32>, vector<16xi32>, vector<16xi32>, vector<16xi32>], vector<16xf32>,
      tpu.vector_store_idx %arg12[%add3A_5, %broadcast_in_dim3A_466], %gather3A_470 : memref<32x16xf32, #tpu.memory_space<vmem>>[vector<16xi32>, vector<16xi32>], vector<16xf32>,
      %broadcast_in_dim3A_471 = arith.constant 3 : i32
      %broadcast_in_dim3A_472 = vector.broadcast %broadcast_in_dim3A_471 : i32 to vector<16xi32>
      %broadcast_in_dim3A_473 = arith.constant 0 : i32
      %broadcast_in_dim3A_474 = vector.broadcast %broadcast_in_dim3A_473 : i32 to vector<16xi32>
      %slice3A_475 = vector.extract_strided_slice %and3A_28 {offsets = [3], sizes = [1], strides = [1]} : vector<16xi32> to vector<1xi32>
      %squeeze3A_476 = vector.extract %slice3A_475[0] : i32 from vector<1xi32>
      %add3A_477 = vector.broadcast %squeeze3A_476 : i32 to vector<16xi32>
      %add3A_478 = arith.addi %broadcast_in_dim3A_474, %add3A_477 : vector<16xi32>
      %broadcast_in_dim3A_479 = arith.constant 0 : i32
      %broadcast_in_dim3A_480 = vector.broadcast %broadcast_in_dim3A_479 : i32 to vector<16xi32>
      %slice3A_481 = vector.extract_strided_slice %and3A_31 {offsets = [3], sizes = [1], strides = [1]} : vector<16xi32> to vector<1xi32>
      %squeeze3A_482 = vector.extract %slice3A_481[0] : i32 from vector<1xi32>
      %add3A_483 = vector.broadcast %squeeze3A_482 : i32 to vector<16xi32>
      %add3A_484 = arith.addi %broadcast_in_dim3A_480, %add3A_483 : vector<16xi32>
      %broadcast_in_dim3A_485 = arith.constant 3 : i32
      %broadcast_in_dim3A_486 = vector.broadcast %broadcast_in_dim3A_485 : i32 to vector<16xi32>
      %gather3A_487 = tpu.vector_load_idx %arg9[%broadcast_in_dim3A_411, %broadcast_in_dim3A_472, %iota3A, %add3A_478] : memref<2x4x32x128xf32, #tpu.memory_space<vmem>>[vector<16xi32>, vector<16xi32>, vector<16xi32>, vector<16xi32>], vector<16xf32>,
      tpu.vector_store_idx %arg11[%iota3A, %broadcast_in_dim3A_486], %gather3A_487 : memref<32x16xf32, #tpu.memory_space<vmem>>[vector<16xi32>, vector<16xi32>], vector<16xf32>,
      %gather3A_488 = tpu.vector_load_idx %arg10[%broadcast_in_dim3A_411, %broadcast_in_dim3A_472, %iota3A, %add3A_484] : memref<2x4x32x128xf32, #tpu.memory_space<vmem>>[vector<16xi32>, vector<16xi32>, vector<16xi32>, vector<16xi32>], vector<16xf32>,
      tpu.vector_store_idx %arg12[%iota3A, %broadcast_in_dim3A_486], %gather3A_488 : memref<32x16xf32, #tpu.memory_space<vmem>>[vector<16xi32>, vector<16xi32>], vector<16xf32>,
      %gather3A_489 = tpu.vector_load_idx %arg9[%broadcast_in_dim3A_411, %broadcast_in_dim3A_472, %add3A_5, %add3A_478] : memref<2x4x32x128xf32, #tpu.memory_space<vmem>>[vector<16xi32>, vector<16xi32>, vector<16xi32>, vector<16xi32>], vector<16xf32>,
      tpu.vector_store_idx %arg11[%add3A_5, %broadcast_in_dim3A_486], %gather3A_489 : memref<32x16xf32, #tpu.memory_space<vmem>>[vector<16xi32>, vector<16xi32>], vector<16xf32>,
      %gather3A_490 = tpu.vector_load_idx %arg10[%broadcast_in_dim3A_411, %broadcast_in_dim3A_472, %add3A_5, %add3A_484] : memref<2x4x32x128xf32, #tpu.memory_space<vmem>>[vector<16xi32>, vector<16xi32>, vector<16xi32>, vector<16xi32>], vector<16xf32>,
      tpu.vector_store_idx %arg12[%add3A_5, %broadcast_in_dim3A_486], %gather3A_490 : memref<32x16xf32, #tpu.memory_space<vmem>>[vector<16xi32>, vector<16xi32>], vector<16xf32>,
      %slice3A_491 = vector.extract_strided_slice %shift_left3A_20 {offsets = [8], sizes = [1], strides = [1]} : vector<16xi32> to vector<1xi32>
      %squeeze3A_492 = vector.extract %slice3A_491[0] : i32 from vector<1xi32>
      %multiple_of3A_493 = tpu.assume_multiple %squeeze3A_492, 128 : i32
      %dma_start3A_494 = arith.constant 0 : i32
      %dma_start3A_495 = arith.constant 0 : i32
      %dma_start3A_496 = arith.constant 0 : i32
      %dma_start3A_497 = arith.constant 0 : i32
      %dma_start3A_498 = tpu.memref_slice %arg9[%dma_start3A_494, %dma_start3A_495, %dma_start3A_496, %dma_start3A_497] : memref<2x4x32x128xf32, #tpu.memory_space<vmem>> -> memref<1x1x32x128xf32, #tpu.memory_space<vmem>>
      %dma_start3A_499 = tpu.memref_squeeze %dma_start3A_498 : memref<1x1x32x128xf32, #tpu.memory_space<vmem>> -> memref<32x128xf32, #tpu.memory_space<vmem>>
      %dma_start3A_500 = arith.constant 0 : i32
      %dma_start3A_501 = tpu.memref_slice %arg4[%dma_start3A_500, %multiple_of3A_493] : memref<32x1000000xf32, #tpu.memory_space<hbm>> -> memref<32x128xf32, #tpu.memory_space<hbm>>
      %dma_start3A_502 = arith.constant 0 : i32
      %dma_start3A_503 = arith.constant 0 : i32
      %dma_start3A_504 = tpu.memref_slice %arg9[%dma_start3A_494, %dma_start3A_495, %dma_start3A_502, %dma_start3A_503] : memref<2x4x32x128xf32, #tpu.memory_space<vmem>> -> memref<1x1x32x128xf32, #tpu.memory_space<vmem>>
      %dma_start3A_505 = tpu.memref_squeeze %dma_start3A_504 : memref<1x1x32x128xf32, #tpu.memory_space<vmem>> -> memref<32x128xf32, #tpu.memory_space<vmem>>
      %dma_start3A_506 = arith.constant 0 : i32
      %dma_start3A_507 = tpu.memref_slice %arg4[%dma_start3A_506, %multiple_of3A_493] : memref<32x1000000xf32, #tpu.memory_space<hbm>> -> memref<32x128xf32, #tpu.memory_space<hbm>>
      tpu.enqueue_dma source(%dma_start3A_507 : memref<32x128xf32, #tpu.memory_space<hbm>>) target(%dma_start3A_505 : memref<32x128xf32, #tpu.memory_space<vmem>>) target_semaphore(%arg14 : memref<!tpu.dma_semaphore, #tpu.memory_space<semaphore_mem>>)
      %slice3A_508 = vector.extract_strided_slice %shift_left3A_26 {offsets = [8], sizes = [1], strides = [1]} : vector<16xi32> to vector<1xi32>
      %squeeze3A_509 = vector.extract %slice3A_508[0] : i32 from vector<1xi32>
      %multiple_of3A_510 = tpu.assume_multiple %squeeze3A_509, 128 : i32
      %dma_start3A_511 = arith.constant 0 : i32
      %dma_start3A_512 = arith.constant 0 : i32
      %dma_start3A_513 = arith.constant 0 : i32
      %dma_start3A_514 = arith.constant 0 : i32
      %dma_start3A_515 = tpu.memref_slice %arg10[%dma_start3A_511, %dma_start3A_512, %dma_start3A_513, %dma_start3A_514] : memref<2x4x32x128xf32, #tpu.memory_space<vmem>> -> memref<1x1x32x128xf32, #tpu.memory_space<vmem>>
      %dma_start3A_516 = tpu.memref_squeeze %dma_start3A_515 : memref<1x1x32x128xf32, #tpu.memory_space<vmem>> -> memref<32x128xf32, #tpu.memory_space<vmem>>
      %dma_start3A_517 = arith.constant 0 : i32
      %dma_start3A_518 = tpu.memref_slice %arg5[%dma_start3A_517, %multiple_of3A_510] : memref<32x1000000xf32, #tpu.memory_space<hbm>> -> memref<32x128xf32, #tpu.memory_space<hbm>>
      %dma_start3A_519 = arith.constant 0 : i32
      %dma_start3A_520 = arith.constant 0 : i32
      %dma_start3A_521 = tpu.memref_slice %arg10[%dma_start3A_511, %dma_start3A_512, %dma_start3A_519, %dma_start3A_520] : memref<2x4x32x128xf32, #tpu.memory_space<vmem>> -> memref<1x1x32x128xf32, #tpu.memory_space<vmem>>
      %dma_start3A_522 = tpu.memref_squeeze %dma_start3A_521 : memref<1x1x32x128xf32, #tpu.memory_space<vmem>> -> memref<32x128xf32, #tpu.memory_space<vmem>>
      %dma_start3A_523 = arith.constant 0 : i32
      %dma_start3A_524 = tpu.memref_slice %arg5[%dma_start3A_523, %multiple_of3A_510] : memref<32x1000000xf32, #tpu.memory_space<hbm>> -> memref<32x128xf32, #tpu.memory_space<hbm>>
      tpu.enqueue_dma source(%dma_start3A_524 : memref<32x128xf32, #tpu.memory_space<hbm>>) target(%dma_start3A_522 : memref<32x128xf32, #tpu.memory_space<vmem>>) target_semaphore(%arg14 : memref<!tpu.dma_semaphore, #tpu.memory_space<semaphore_mem>>)
      %slice3A_525 = vector.extract_strided_slice %shift_left3A_20 {offsets = [9], sizes = [1], strides = [1]} : vector<16xi32> to vector<1xi32>
      %squeeze3A_526 = vector.extract %slice3A_525[0] : i32 from vector<1xi32>
      %multiple_of3A_527 = tpu.assume_multiple %squeeze3A_526, 128 : i32
      %dma_start3A_528 = arith.constant 0 : i32
      %dma_start3A_529 = arith.constant 1 : i32
      %dma_start3A_530 = arith.constant 0 : i32
      %dma_start3A_531 = arith.constant 0 : i32
      %dma_start3A_532 = tpu.memref_slice %arg9[%dma_start3A_528, %dma_start3A_529, %dma_start3A_530, %dma_start3A_531] : memref<2x4x32x128xf32, #tpu.memory_space<vmem>> -> memref<1x1x32x128xf32, #tpu.memory_space<vmem>>
      %dma_start3A_533 = tpu.memref_squeeze %dma_start3A_532 : memref<1x1x32x128xf32, #tpu.memory_space<vmem>> -> memref<32x128xf32, #tpu.memory_space<vmem>>
      %dma_start3A_534 = arith.constant 0 : i32
      %dma_start3A_535 = tpu.memref_slice %arg4[%dma_start3A_534, %multiple_of3A_527] : memref<32x1000000xf32, #tpu.memory_space<hbm>> -> memref<32x128xf32, #tpu.memory_space<hbm>>
      %dma_start3A_536 = arith.constant 0 : i32
      %dma_start3A_537 = arith.constant 0 : i32
      %dma_start3A_538 = tpu.memref_slice %arg9[%dma_start3A_528, %dma_start3A_529, %dma_start3A_536, %dma_start3A_537] : memref<2x4x32x128xf32, #tpu.memory_space<vmem>> -> memref<1x1x32x128xf32, #tpu.memory_space<vmem>>
      %dma_start3A_539 = tpu.memref_squeeze %dma_start3A_538 : memref<1x1x32x128xf32, #tpu.memory_space<vmem>> -> memref<32x128xf32, #tpu.memory_space<vmem>>
      %dma_start3A_540 = arith.constant 0 : i32
      %dma_start3A_541 = tpu.memref_slice %arg4[%dma_start3A_540, %multiple_of3A_527] : memref<32x1000000xf32, #tpu.memory_space<hbm>> -> memref<32x128xf32, #tpu.memory_space<hbm>>
      tpu.enqueue_dma source(%dma_start3A_541 : memref<32x128xf32, #tpu.memory_space<hbm>>) target(%dma_start3A_539 : memref<32x128xf32, #tpu.memory_space<vmem>>) target_semaphore(%arg14 : memref<!tpu.dma_semaphore, #tpu.memory_space<semaphore_mem>>)
      %slice3A_542 = vector.extract_strided_slice %shift_left3A_26 {offsets = [9], sizes = [1], strides = [1]} : vector<16xi32> to vector<1xi32>
      %squeeze3A_543 = vector.extract %slice3A_542[0] : i32 from vector<1xi32>
      %multiple_of3A_544 = tpu.assume_multiple %squeeze3A_543, 128 : i32
      %dma_start3A_545 = arith.constant 0 : i32
      %dma_start3A_546 = arith.constant 1 : i32
      %dma_start3A_547 = arith.constant 0 : i32
      %dma_start3A_548 = arith.constant 0 : i32
      %dma_start3A_549 = tpu.memref_slice %arg10[%dma_start3A_545, %dma_start3A_546, %dma_start3A_547, %dma_start3A_548] : memref<2x4x32x128xf32, #tpu.memory_space<vmem>> -> memref<1x1x32x128xf32, #tpu.memory_space<vmem>>
      %dma_start3A_550 = tpu.memref_squeeze %dma_start3A_549 : memref<1x1x32x128xf32, #tpu.memory_space<vmem>> -> memref<32x128xf32, #tpu.memory_space<vmem>>
      %dma_start3A_551 = arith.constant 0 : i32
      %dma_start3A_552 = tpu.memref_slice %arg5[%dma_start3A_551, %multiple_of3A_544] : memref<32x1000000xf32, #tpu.memory_space<hbm>> -> memref<32x128xf32, #tpu.memory_space<hbm>>
      %dma_start3A_553 = arith.constant 0 : i32
      %dma_start3A_554 = arith.constant 0 : i32
      %dma_start3A_555 = tpu.memref_slice %arg10[%dma_start3A_545, %dma_start3A_546, %dma_start3A_553, %dma_start3A_554] : memref<2x4x32x128xf32, #tpu.memory_space<vmem>> -> memref<1x1x32x128xf32, #tpu.memory_space<vmem>>
      %dma_start3A_556 = tpu.memref_squeeze %dma_start3A_555 : memref<1x1x32x128xf32, #tpu.memory_space<vmem>> -> memref<32x128xf32, #tpu.memory_space<vmem>>
      %dma_start3A_557 = arith.constant 0 : i32
      %dma_start3A_558 = tpu.memref_slice %arg5[%dma_start3A_557, %multiple_of3A_544] : memref<32x1000000xf32, #tpu.memory_space<hbm>> -> memref<32x128xf32, #tpu.memory_space<hbm>>
      tpu.enqueue_dma source(%dma_start3A_558 : memref<32x128xf32, #tpu.memory_space<hbm>>) target(%dma_start3A_556 : memref<32x128xf32, #tpu.memory_space<vmem>>) target_semaphore(%arg14 : memref<!tpu.dma_semaphore, #tpu.memory_space<semaphore_mem>>)
      %slice3A_559 = vector.extract_strided_slice %shift_left3A_20 {offsets = [10], sizes = [1], strides = [1]} : vector<16xi32> to vector<1xi32>
      %squeeze3A_560 = vector.extract %slice3A_559[0] : i32 from vector<1xi32>
      %multiple_of3A_561 = tpu.assume_multiple %squeeze3A_560, 128 : i32
      %dma_start3A_562 = arith.constant 0 : i32
      %dma_start3A_563 = arith.constant 2 : i32
      %dma_start3A_564 = arith.constant 0 : i32
      %dma_start3A_565 = arith.constant 0 : i32
      %dma_start3A_566 = tpu.memref_slice %arg9[%dma_start3A_562, %dma_start3A_563, %dma_start3A_564, %dma_start3A_565] : memref<2x4x32x128xf32, #tpu.memory_space<vmem>> -> memref<1x1x32x128xf32, #tpu.memory_space<vmem>>
      %dma_start3A_567 = tpu.memref_squeeze %dma_start3A_566 : memref<1x1x32x128xf32, #tpu.memory_space<vmem>> -> memref<32x128xf32, #tpu.memory_space<vmem>>
      %dma_start3A_568 = arith.constant 0 : i32
      %dma_start3A_569 = tpu.memref_slice %arg4[%dma_start3A_568, %multiple_of3A_561] : memref<32x1000000xf32, #tpu.memory_space<hbm>> -> memref<32x128xf32, #tpu.memory_space<hbm>>
      %dma_start3A_570 = arith.constant 0 : i32
      %dma_start3A_571 = arith.constant 0 : i32
      %dma_start3A_572 = tpu.memref_slice %arg9[%dma_start3A_562, %dma_start3A_563, %dma_start3A_570, %dma_start3A_571] : memref<2x4x32x128xf32, #tpu.memory_space<vmem>> -> memref<1x1x32x128xf32, #tpu.memory_space<vmem>>
      %dma_start3A_573 = tpu.memref_squeeze %dma_start3A_572 : memref<1x1x32x128xf32, #tpu.memory_space<vmem>> -> memref<32x128xf32, #tpu.memory_space<vmem>>
      %dma_start3A_574 = arith.constant 0 : i32
      %dma_start3A_575 = tpu.memref_slice %arg4[%dma_start3A_574, %multiple_of3A_561] : memref<32x1000000xf32, #tpu.memory_space<hbm>> -> memref<32x128xf32, #tpu.memory_space<hbm>>
      tpu.enqueue_dma source(%dma_start3A_575 : memref<32x128xf32, #tpu.memory_space<hbm>>) target(%dma_start3A_573 : memref<32x128xf32, #tpu.memory_space<vmem>>) target_semaphore(%arg14 : memref<!tpu.dma_semaphore, #tpu.memory_space<semaphore_mem>>)
      %slice3A_576 = vector.extract_strided_slice %shift_left3A_26 {offsets = [10], sizes = [1], strides = [1]} : vector<16xi32> to vector<1xi32>
      %squeeze3A_577 = vector.extract %slice3A_576[0] : i32 from vector<1xi32>
      %multiple_of3A_578 = tpu.assume_multiple %squeeze3A_577, 128 : i32
      %dma_start3A_579 = arith.constant 0 : i32
      %dma_start3A_580 = arith.constant 2 : i32
      %dma_start3A_581 = arith.constant 0 : i32
      %dma_start3A_582 = arith.constant 0 : i32
      %dma_start3A_583 = tpu.memref_slice %arg10[%dma_start3A_579, %dma_start3A_580, %dma_start3A_581, %dma_start3A_582] : memref<2x4x32x128xf32, #tpu.memory_space<vmem>> -> memref<1x1x32x128xf32, #tpu.memory_space<vmem>>
      %dma_start3A_584 = tpu.memref_squeeze %dma_start3A_583 : memref<1x1x32x128xf32, #tpu.memory_space<vmem>> -> memref<32x128xf32, #tpu.memory_space<vmem>>
      %dma_start3A_585 = arith.constant 0 : i32
      %dma_start3A_586 = tpu.memref_slice %arg5[%dma_start3A_585, %multiple_of3A_578] : memref<32x1000000xf32, #tpu.memory_space<hbm>> -> memref<32x128xf32, #tpu.memory_space<hbm>>
      %dma_start3A_587 = arith.constant 0 : i32
      %dma_start3A_588 = arith.constant 0 : i32
      %dma_start3A_589 = tpu.memref_slice %arg10[%dma_start3A_579, %dma_start3A_580, %dma_start3A_587, %dma_start3A_588] : memref<2x4x32x128xf32, #tpu.memory_space<vmem>> -> memref<1x1x32x128xf32, #tpu.memory_space<vmem>>
      %dma_start3A_590 = tpu.memref_squeeze %dma_start3A_589 : memref<1x1x32x128xf32, #tpu.memory_space<vmem>> -> memref<32x128xf32, #tpu.memory_space<vmem>>
      %dma_start3A_591 = arith.constant 0 : i32
      %dma_start3A_592 = tpu.memref_slice %arg5[%dma_start3A_591, %multiple_of3A_578] : memref<32x1000000xf32, #tpu.memory_space<hbm>> -> memref<32x128xf32, #tpu.memory_space<hbm>>
      tpu.enqueue_dma source(%dma_start3A_592 : memref<32x128xf32, #tpu.memory_space<hbm>>) target(%dma_start3A_590 : memref<32x128xf32, #tpu.memory_space<vmem>>) target_semaphore(%arg14 : memref<!tpu.dma_semaphore, #tpu.memory_space<semaphore_mem>>)
      %slice3A_593 = vector.extract_strided_slice %shift_left3A_20 {offsets = [11], sizes = [1], strides = [1]} : vector<16xi32> to vector<1xi32>
      %squeeze3A_594 = vector.extract %slice3A_593[0] : i32 from vector<1xi32>
      %multiple_of3A_595 = tpu.assume_multiple %squeeze3A_594, 128 : i32
      %dma_start3A_596 = arith.constant 0 : i32
      %dma_start3A_597 = arith.constant 3 : i32
      %dma_start3A_598 = arith.constant 0 : i32
      %dma_start3A_599 = arith.constant 0 : i32
      %dma_start3A_600 = tpu.memref_slice %arg9[%dma_start3A_596, %dma_start3A_597, %dma_start3A_598, %dma_start3A_599] : memref<2x4x32x128xf32, #tpu.memory_space<vmem>> -> memref<1x1x32x128xf32, #tpu.memory_space<vmem>>
      %dma_start3A_601 = tpu.memref_squeeze %dma_start3A_600 : memref<1x1x32x128xf32, #tpu.memory_space<vmem>> -> memref<32x128xf32, #tpu.memory_space<vmem>>
      %dma_start3A_602 = arith.constant 0 : i32
      %dma_start3A_603 = tpu.memref_slice %arg4[%dma_start3A_602, %multiple_of3A_595] : memref<32x1000000xf32, #tpu.memory_space<hbm>> -> memref<32x128xf32, #tpu.memory_space<hbm>>
      %dma_start3A_604 = arith.constant 0 : i32
      %dma_start3A_605 = arith.constant 0 : i32
      %dma_start3A_606 = tpu.memref_slice %arg9[%dma_start3A_596, %dma_start3A_597, %dma_start3A_604, %dma_start3A_605] : memref<2x4x32x128xf32, #tpu.memory_space<vmem>> -> memref<1x1x32x128xf32, #tpu.memory_space<vmem>>
      %dma_start3A_607 = tpu.memref_squeeze %dma_start3A_606 : memref<1x1x32x128xf32, #tpu.memory_space<vmem>> -> memref<32x128xf32, #tpu.memory_space<vmem>>
      %dma_start3A_608 = arith.constant 0 : i32
      %dma_start3A_609 = tpu.memref_slice %arg4[%dma_start3A_608, %multiple_of3A_595] : memref<32x1000000xf32, #tpu.memory_space<hbm>> -> memref<32x128xf32, #tpu.memory_space<hbm>>
      tpu.enqueue_dma source(%dma_start3A_609 : memref<32x128xf32, #tpu.memory_space<hbm>>) target(%dma_start3A_607 : memref<32x128xf32, #tpu.memory_space<vmem>>) target_semaphore(%arg14 : memref<!tpu.dma_semaphore, #tpu.memory_space<semaphore_mem>>)
      %slice3A_610 = vector.extract_strided_slice %shift_left3A_26 {offsets = [11], sizes = [1], strides = [1]} : vector<16xi32> to vector<1xi32>
      %squeeze3A_611 = vector.extract %slice3A_610[0] : i32 from vector<1xi32>
      %multiple_of3A_612 = tpu.assume_multiple %squeeze3A_611, 128 : i32
      %dma_start3A_613 = arith.constant 0 : i32
      %dma_start3A_614 = arith.constant 3 : i32
      %dma_start3A_615 = arith.constant 0 : i32
      %dma_start3A_616 = arith.constant 0 : i32
      %dma_start3A_617 = tpu.memref_slice %arg10[%dma_start3A_613, %dma_start3A_614, %dma_start3A_615, %dma_start3A_616] : memref<2x4x32x128xf32, #tpu.memory_space<vmem>> -> memref<1x1x32x128xf32, #tpu.memory_space<vmem>>
      %dma_start3A_618 = tpu.memref_squeeze %dma_start3A_617 : memref<1x1x32x128xf32, #tpu.memory_space<vmem>> -> memref<32x128xf32, #tpu.memory_space<vmem>>
      %dma_start3A_619 = arith.constant 0 : i32
      %dma_start3A_620 = tpu.memref_slice %arg5[%dma_start3A_619, %multiple_of3A_612] : memref<32x1000000xf32, #tpu.memory_space<hbm>> -> memref<32x128xf32, #tpu.memory_space<hbm>>
      %dma_start3A_621 = arith.constant 0 : i32
      %dma_start3A_622 = arith.constant 0 : i32
      %dma_start3A_623 = tpu.memref_slice %arg10[%dma_start3A_613, %dma_start3A_614, %dma_start3A_621, %dma_start3A_622] : memref<2x4x32x128xf32, #tpu.memory_space<vmem>> -> memref<1x1x32x128xf32, #tpu.memory_space<vmem>>
      %dma_start3A_624 = tpu.memref_squeeze %dma_start3A_623 : memref<1x1x32x128xf32, #tpu.memory_space<vmem>> -> memref<32x128xf32, #tpu.memory_space<vmem>>
      %dma_start3A_625 = arith.constant 0 : i32
      %dma_start3A_626 = tpu.memref_slice %arg5[%dma_start3A_625, %multiple_of3A_612] : memref<32x1000000xf32, #tpu.memory_space<hbm>> -> memref<32x128xf32, #tpu.memory_space<hbm>>
      tpu.enqueue_dma source(%dma_start3A_626 : memref<32x128xf32, #tpu.memory_space<hbm>>) target(%dma_start3A_624 : memref<32x128xf32, #tpu.memory_space<vmem>>) target_semaphore(%arg14 : memref<!tpu.dma_semaphore, #tpu.memory_space<semaphore_mem>>)
      %dma_wait3A_627 = arith.constant 1 : i32
      %dma_wait3A_628 = arith.constant 0 : i32
      %dma_wait3A_629 = arith.constant 0 : i32
      %dma_wait3A_630 = arith.constant 0 : i32
      %dma_wait3A_631 = tpu.memref_slice %arg9[%dma_wait3A_627, %dma_wait3A_628, %dma_wait3A_629, %dma_wait3A_630] : memref<2x4x32x128xf32, #tpu.memory_space<vmem>> -> memref<1x1x32x128xf32, #tpu.memory_space<vmem>>
      %dma_wait3A_632 = tpu.memref_squeeze %dma_wait3A_631 : memref<1x1x32x128xf32, #tpu.memory_space<vmem>> -> memref<32x128xf32, #tpu.memory_space<vmem>>
      %dma_wait3A_633 = arith.constant 0 : i32
      %dma_wait3A_634 = tpu.memref_slice %arg4[%dma_wait3A_633, %multiple_of3A_166] : memref<32x1000000xf32, #tpu.memory_space<hbm>> -> memref<32x128xf32, #tpu.memory_space<hbm>>
      %dma_wait3A_635 = arith.constant 0 : i32
      %dma_wait3A_636 = arith.constant 0 : i32
      %dma_wait3A_637 = tpu.memref_slice %arg9[%dma_wait3A_627, %dma_wait3A_628, %dma_wait3A_635, %dma_wait3A_636] : memref<2x4x32x128xf32, #tpu.memory_space<vmem>> -> memref<1x1x32x128xf32, #tpu.memory_space<vmem>>
      %dma_wait3A_638 = tpu.memref_squeeze %dma_wait3A_637 : memref<1x1x32x128xf32, #tpu.memory_space<vmem>> -> memref<32x128xf32, #tpu.memory_space<vmem>>
      %dma_wait3A_639 = arith.constant 0 : i32
      %dma_wait3A_640 = tpu.memref_slice %arg4[%dma_wait3A_639, %multiple_of3A_166] : memref<32x1000000xf32, #tpu.memory_space<hbm>> -> memref<32x128xf32, #tpu.memory_space<hbm>>
      tpu.wait_dma2 semaphore(%arg15 : memref<!tpu.dma_semaphore, #tpu.memory_space<semaphore_mem>>) src(%dma_wait3A_640 : memref<32x128xf32, #tpu.memory_space<hbm>>) dst(%dma_wait3A_638 : memref<32x128xf32, #tpu.memory_space<vmem>>)
      %dma_wait3A_641 = arith.constant 1 : i32
      %dma_wait3A_642 = arith.constant 0 : i32
      %dma_wait3A_643 = arith.constant 0 : i32
      %dma_wait3A_644 = arith.constant 0 : i32
      %dma_wait3A_645 = tpu.memref_slice %arg10[%dma_wait3A_641, %dma_wait3A_642, %dma_wait3A_643, %dma_wait3A_644] : memref<2x4x32x128xf32, #tpu.memory_space<vmem>> -> memref<1x1x32x128xf32, #tpu.memory_space<vmem>>
      %dma_wait3A_646 = tpu.memref_squeeze %dma_wait3A_645 : memref<1x1x32x128xf32, #tpu.memory_space<vmem>> -> memref<32x128xf32, #tpu.memory_space<vmem>>
      %dma_wait3A_647 = arith.constant 0 : i32
      %dma_wait3A_648 = tpu.memref_slice %arg5[%dma_wait3A_647, %multiple_of3A_183] : memref<32x1000000xf32, #tpu.memory_space<hbm>> -> memref<32x128xf32, #tpu.memory_space<hbm>>
      %dma_wait3A_649 = arith.constant 0 : i32
      %dma_wait3A_650 = arith.constant 0 : i32
      %dma_wait3A_651 = tpu.memref_slice %arg10[%dma_wait3A_641, %dma_wait3A_642, %dma_wait3A_649, %dma_wait3A_650] : memref<2x4x32x128xf32, #tpu.memory_space<vmem>> -> memref<1x1x32x128xf32, #tpu.memory_space<vmem>>
      %dma_wait3A_652 = tpu.memref_squeeze %dma_wait3A_651 : memref<1x1x32x128xf32, #tpu.memory_space<vmem>> -> memref<32x128xf32, #tpu.memory_space<vmem>>
      %dma_wait3A_653 = arith.constant 0 : i32
      %dma_wait3A_654 = tpu.memref_slice %arg5[%dma_wait3A_653, %multiple_of3A_183] : memref<32x1000000xf32, #tpu.memory_space<hbm>> -> memref<32x128xf32, #tpu.memory_space<hbm>>
      tpu.wait_dma2 semaphore(%arg15 : memref<!tpu.dma_semaphore, #tpu.memory_space<semaphore_mem>>) src(%dma_wait3A_654 : memref<32x128xf32, #tpu.memory_space<hbm>>) dst(%dma_wait3A_652 : memref<32x128xf32, #tpu.memory_space<vmem>>)
      %dma_wait3A_655 = arith.constant 1 : i32
      %dma_wait3A_656 = arith.constant 1 : i32
      %dma_wait3A_657 = arith.constant 0 : i32
      %dma_wait3A_658 = arith.constant 0 : i32
      %dma_wait3A_659 = tpu.memref_slice %arg9[%dma_wait3A_655, %dma_wait3A_656, %dma_wait3A_657, %dma_wait3A_658] : memref<2x4x32x128xf32, #tpu.memory_space<vmem>> -> memref<1x1x32x128xf32, #tpu.memory_space<vmem>>
      %dma_wait3A_660 = tpu.memref_squeeze %dma_wait3A_659 : memref<1x1x32x128xf32, #tpu.memory_space<vmem>> -> memref<32x128xf32, #tpu.memory_space<vmem>>
      %dma_wait3A_661 = arith.constant 0 : i32
      %dma_wait3A_662 = tpu.memref_slice %arg4[%dma_wait3A_661, %multiple_of3A_200] : memref<32x1000000xf32, #tpu.memory_space<hbm>> -> memref<32x128xf32, #tpu.memory_space<hbm>>
      %dma_wait3A_663 = arith.constant 0 : i32
      %dma_wait3A_664 = arith.constant 0 : i32
      %dma_wait3A_665 = tpu.memref_slice %arg9[%dma_wait3A_655, %dma_wait3A_656, %dma_wait3A_663, %dma_wait3A_664] : memref<2x4x32x128xf32, #tpu.memory_space<vmem>> -> memref<1x1x32x128xf32, #tpu.memory_space<vmem>>
      %dma_wait3A_666 = tpu.memref_squeeze %dma_wait3A_665 : memref<1x1x32x128xf32, #tpu.memory_space<vmem>> -> memref<32x128xf32, #tpu.memory_space<vmem>>
      %dma_wait3A_667 = arith.constant 0 : i32
      %dma_wait3A_668 = tpu.memref_slice %arg4[%dma_wait3A_667, %multiple_of3A_200] : memref<32x1000000xf32, #tpu.memory_space<hbm>> -> memref<32x128xf32, #tpu.memory_space<hbm>>
      tpu.wait_dma2 semaphore(%arg15 : memref<!tpu.dma_semaphore, #tpu.memory_space<semaphore_mem>>) src(%dma_wait3A_668 : memref<32x128xf32, #tpu.memory_space<hbm>>) dst(%dma_wait3A_666 : memref<32x128xf32, #tpu.memory_space<vmem>>)
      %dma_wait3A_669 = arith.constant 1 : i32
      %dma_wait3A_670 = arith.constant 1 : i32
      %dma_wait3A_671 = arith.constant 0 : i32
      %dma_wait3A_672 = arith.constant 0 : i32
      %dma_wait3A_673 = tpu.memref_slice %arg10[%dma_wait3A_669, %dma_wait3A_670, %dma_wait3A_671, %dma_wait3A_672] : memref<2x4x32x128xf32, #tpu.memory_space<vmem>> -> memref<1x1x32x128xf32, #tpu.memory_space<vmem>>
      %dma_wait3A_674 = tpu.memref_squeeze %dma_wait3A_673 : memref<1x1x32x128xf32, #tpu.memory_space<vmem>> -> memref<32x128xf32, #tpu.memory_space<vmem>>
      %dma_wait3A_675 = arith.constant 0 : i32
      %dma_wait3A_676 = tpu.memref_slice %arg5[%dma_wait3A_675, %multiple_of3A_217] : memref<32x1000000xf32, #tpu.memory_space<hbm>> -> memref<32x128xf32, #tpu.memory_space<hbm>>
      %dma_wait3A_677 = arith.constant 0 : i32
      %dma_wait3A_678 = arith.constant 0 : i32
      %dma_wait3A_679 = tpu.memref_slice %arg10[%dma_wait3A_669, %dma_wait3A_670, %dma_wait3A_677, %dma_wait3A_678] : memref<2x4x32x128xf32, #tpu.memory_space<vmem>> -> memref<1x1x32x128xf32, #tpu.memory_space<vmem>>
      %dma_wait3A_680 = tpu.memref_squeeze %dma_wait3A_679 : memref<1x1x32x128xf32, #tpu.memory_space<vmem>> -> memref<32x128xf32, #tpu.memory_space<vmem>>
      %dma_wait3A_681 = arith.constant 0 : i32
      %dma_wait3A_682 = tpu.memref_slice %arg5[%dma_wait3A_681, %multiple_of3A_217] : memref<32x1000000xf32, #tpu.memory_space<hbm>> -> memref<32x128xf32, #tpu.memory_space<hbm>>
      tpu.wait_dma2 semaphore(%arg15 : memref<!tpu.dma_semaphore, #tpu.memory_space<semaphore_mem>>) src(%dma_wait3A_682 : memref<32x128xf32, #tpu.memory_space<hbm>>) dst(%dma_wait3A_680 : memref<32x128xf32, #tpu.memory_space<vmem>>)
      %dma_wait3A_683 = arith.constant 1 : i32
      %dma_wait3A_684 = arith.constant 2 : i32
      %dma_wait3A_685 = arith.constant 0 : i32
      %dma_wait3A_686 = arith.constant 0 : i32
      %dma_wait3A_687 = tpu.memref_slice %arg9[%dma_wait3A_683, %dma_wait3A_684, %dma_wait3A_685, %dma_wait3A_686] : memref<2x4x32x128xf32, #tpu.memory_space<vmem>> -> memref<1x1x32x128xf32, #tpu.memory_space<vmem>>
      %dma_wait3A_688 = tpu.memref_squeeze %dma_wait3A_687 : memref<1x1x32x128xf32, #tpu.memory_space<vmem>> -> memref<32x128xf32, #tpu.memory_space<vmem>>
      %dma_wait3A_689 = arith.constant 0 : i32
      %dma_wait3A_690 = tpu.memref_slice %arg4[%dma_wait3A_689, %multiple_of3A_234] : memref<32x1000000xf32, #tpu.memory_space<hbm>> -> memref<32x128xf32, #tpu.memory_space<hbm>>
      %dma_wait3A_691 = arith.constant 0 : i32
      %dma_wait3A_692 = arith.constant 0 : i32
      %dma_wait3A_693 = tpu.memref_slice %arg9[%dma_wait3A_683, %dma_wait3A_684, %dma_wait3A_691, %dma_wait3A_692] : memref<2x4x32x128xf32, #tpu.memory_space<vmem>> -> memref<1x1x32x128xf32, #tpu.memory_space<vmem>>
      %dma_wait3A_694 = tpu.memref_squeeze %dma_wait3A_693 : memref<1x1x32x128xf32, #tpu.memory_space<vmem>> -> memref<32x128xf32, #tpu.memory_space<vmem>>
      %dma_wait3A_695 = arith.constant 0 : i32
      %dma_wait3A_696 = tpu.memref_slice %arg4[%dma_wait3A_695, %multiple_of3A_234] : memref<32x1000000xf32, #tpu.memory_space<hbm>> -> memref<32x128xf32, #tpu.memory_space<hbm>>
      tpu.wait_dma2 semaphore(%arg15 : memref<!tpu.dma_semaphore, #tpu.memory_space<semaphore_mem>>) src(%dma_wait3A_696 : memref<32x128xf32, #tpu.memory_space<hbm>>) dst(%dma_wait3A_694 : memref<32x128xf32, #tpu.memory_space<vmem>>)
      %dma_wait3A_697 = arith.constant 1 : i32
      %dma_wait3A_698 = arith.constant 2 : i32
      %dma_wait3A_699 = arith.constant 0 : i32
      %dma_wait3A_700 = arith.constant 0 : i32
      %dma_wait3A_701 = tpu.memref_slice %arg10[%dma_wait3A_697, %dma_wait3A_698, %dma_wait3A_699, %dma_wait3A_700] : memref<2x4x32x128xf32, #tpu.memory_space<vmem>> -> memref<1x1x32x128xf32, #tpu.memory_space<vmem>>
      %dma_wait3A_702 = tpu.memref_squeeze %dma_wait3A_701 : memref<1x1x32x128xf32, #tpu.memory_space<vmem>> -> memref<32x128xf32, #tpu.memory_space<vmem>>
      %dma_wait3A_703 = arith.constant 0 : i32
      %dma_wait3A_704 = tpu.memref_slice %arg5[%dma_wait3A_703, %multiple_of3A_251] : memref<32x1000000xf32, #tpu.memory_space<hbm>> -> memref<32x128xf32, #tpu.memory_space<hbm>>
      %dma_wait3A_705 = arith.constant 0 : i32
      %dma_wait3A_706 = arith.constant 0 : i32
      %dma_wait3A_707 = tpu.memref_slice %arg10[%dma_wait3A_697, %dma_wait3A_698, %dma_wait3A_705, %dma_wait3A_706] : memref<2x4x32x128xf32, #tpu.memory_space<vmem>> -> memref<1x1x32x128xf32, #tpu.memory_space<vmem>>
      %dma_wait3A_708 = tpu.memref_squeeze %dma_wait3A_707 : memref<1x1x32x128xf32, #tpu.memory_space<vmem>> -> memref<32x128xf32, #tpu.memory_space<vmem>>
      %dma_wait3A_709 = arith.constant 0 : i32
      %dma_wait3A_710 = tpu.memref_slice %arg5[%dma_wait3A_709, %multiple_of3A_251] : memref<32x1000000xf32, #tpu.memory_space<hbm>> -> memref<32x128xf32, #tpu.memory_space<hbm>>
      tpu.wait_dma2 semaphore(%arg15 : memref<!tpu.dma_semaphore, #tpu.memory_space<semaphore_mem>>) src(%dma_wait3A_710 : memref<32x128xf32, #tpu.memory_space<hbm>>) dst(%dma_wait3A_708 : memref<32x128xf32, #tpu.memory_space<vmem>>)
      %dma_wait3A_711 = arith.constant 1 : i32
      %dma_wait3A_712 = arith.constant 3 : i32
      %dma_wait3A_713 = arith.constant 0 : i32
      %dma_wait3A_714 = arith.constant 0 : i32
      %dma_wait3A_715 = tpu.memref_slice %arg9[%dma_wait3A_711, %dma_wait3A_712, %dma_wait3A_713, %dma_wait3A_714] : memref<2x4x32x128xf32, #tpu.memory_space<vmem>> -> memref<1x1x32x128xf32, #tpu.memory_space<vmem>>
      %dma_wait3A_716 = tpu.memref_squeeze %dma_wait3A_715 : memref<1x1x32x128xf32, #tpu.memory_space<vmem>> -> memref<32x128xf32, #tpu.memory_space<vmem>>
      %dma_wait3A_717 = arith.constant 0 : i32
      %dma_wait3A_718 = tpu.memref_slice %arg4[%dma_wait3A_717, %multiple_of3A_268] : memref<32x1000000xf32, #tpu.memory_space<hbm>> -> memref<32x128xf32, #tpu.memory_space<hbm>>
      %dma_wait3A_719 = arith.constant 0 : i32
      %dma_wait3A_720 = arith.constant 0 : i32
      %dma_wait3A_721 = tpu.memref_slice %arg9[%dma_wait3A_711, %dma_wait3A_712, %dma_wait3A_719, %dma_wait3A_720] : memref<2x4x32x128xf32, #tpu.memory_space<vmem>> -> memref<1x1x32x128xf32, #tpu.memory_space<vmem>>
      %dma_wait3A_722 = tpu.memref_squeeze %dma_wait3A_721 : memref<1x1x32x128xf32, #tpu.memory_space<vmem>> -> memref<32x128xf32, #tpu.memory_space<vmem>>
      %dma_wait3A_723 = arith.constant 0 : i32
      %dma_wait3A_724 = tpu.memref_slice %arg4[%dma_wait3A_723, %multiple_of3A_268] : memref<32x1000000xf32, #tpu.memory_space<hbm>> -> memref<32x128xf32, #tpu.memory_space<hbm>>
      tpu.wait_dma2 semaphore(%arg15 : memref<!tpu.dma_semaphore, #tpu.memory_space<semaphore_mem>>) src(%dma_wait3A_724 : memref<32x128xf32, #tpu.memory_space<hbm>>) dst(%dma_wait3A_722 : memref<32x128xf32, #tpu.memory_space<vmem>>)
      %dma_wait3A_725 = arith.constant 1 : i32
      %dma_wait3A_726 = arith.constant 3 : i32
      %dma_wait3A_727 = arith.constant 0 : i32
      %dma_wait3A_728 = arith.constant 0 : i32
      %dma_wait3A_729 = tpu.memref_slice %arg10[%dma_wait3A_725, %dma_wait3A_726, %dma_wait3A_727, %dma_wait3A_728] : memref<2x4x32x128xf32, #tpu.memory_space<vmem>> -> memref<1x1x32x128xf32, #tpu.memory_space<vmem>>
      %dma_wait3A_730 = tpu.memref_squeeze %dma_wait3A_729 : memref<1x1x32x128xf32, #tpu.memory_space<vmem>> -> memref<32x128xf32, #tpu.memory_space<vmem>>
      %dma_wait3A_731 = arith.constant 0 : i32
      %dma_wait3A_732 = tpu.memref_slice %arg5[%dma_wait3A_731, %multiple_of3A_285] : memref<32x1000000xf32, #tpu.memory_space<hbm>> -> memref<32x128xf32, #tpu.memory_space<hbm>>
      %dma_wait3A_733 = arith.constant 0 : i32
      %dma_wait3A_734 = arith.constant 0 : i32
      %dma_wait3A_735 = tpu.memref_slice %arg10[%dma_wait3A_725, %dma_wait3A_726, %dma_wait3A_733, %dma_wait3A_734] : memref<2x4x32x128xf32, #tpu.memory_space<vmem>> -> memref<1x1x32x128xf32, #tpu.memory_space<vmem>>
      %dma_wait3A_736 = tpu.memref_squeeze %dma_wait3A_735 : memref<1x1x32x128xf32, #tpu.memory_space<vmem>> -> memref<32x128xf32, #tpu.memory_space<vmem>>
      %dma_wait3A_737 = arith.constant 0 : i32
      %dma_wait3A_738 = tpu.memref_slice %arg5[%dma_wait3A_737, %multiple_of3A_285] : memref<32x1000000xf32, #tpu.memory_space<hbm>> -> memref<32x128xf32, #tpu.memory_space<hbm>>
      tpu.wait_dma2 semaphore(%arg15 : memref<!tpu.dma_semaphore, #tpu.memory_space<semaphore_mem>>) src(%dma_wait3A_738 : memref<32x128xf32, #tpu.memory_space<hbm>>) dst(%dma_wait3A_736 : memref<32x128xf32, #tpu.memory_space<vmem>>)
      %broadcast_in_dim3A_739 = arith.constant 1 : i32
      %broadcast_in_dim3A_740 = vector.broadcast %broadcast_in_dim3A_739 : i32 to vector<16xi32>
      %broadcast_in_dim3A_741 = arith.constant 0 : i32
      %broadcast_in_dim3A_742 = vector.broadcast %broadcast_in_dim3A_741 : i32 to vector<16xi32>
      %broadcast_in_dim3A_743 = arith.constant 0 : i32
      %broadcast_in_dim3A_744 = vector.broadcast %broadcast_in_dim3A_743 : i32 to vector<16xi32>
      %slice3A_745 = vector.extract_strided_slice %and3A_28 {offsets = [4], sizes = [1], strides = [1]} : vector<16xi32> to vector<1xi32>
      %squeeze3A_746 = vector.extract %slice3A_745[0] : i32 from vector<1xi32>
      %add3A_747 = vector.broadcast %squeeze3A_746 : i32 to vector<16xi32>
      %add3A_748 = arith.addi %broadcast_in_dim3A_744, %add3A_747 : vector<16xi32>
      %broadcast_in_dim3A_749 = arith.constant 0 : i32
      %broadcast_in_dim3A_750 = vector.broadcast %broadcast_in_dim3A_749 : i32 to vector<16xi32>
      %slice3A_751 = vector.extract_strided_slice %and3A_31 {offsets = [4], sizes = [1], strides = [1]} : vector<16xi32> to vector<1xi32>
      %squeeze3A_752 = vector.extract %slice3A_751[0] : i32 from vector<1xi32>
      %add3A_753 = vector.broadcast %squeeze3A_752 : i32 to vector<16xi32>
      %add3A_754 = arith.addi %broadcast_in_dim3A_750, %add3A_753 : vector<16xi32>
      %broadcast_in_dim3A_755 = arith.constant 4 : i32
      %broadcast_in_dim3A_756 = vector.broadcast %broadcast_in_dim3A_755 : i32 to vector<16xi32>
      %gather3A_757 = tpu.vector_load_idx %arg9[%broadcast_in_dim3A_740, %broadcast_in_dim3A_742, %iota3A, %add3A_748] : memref<2x4x32x128xf32, #tpu.memory_space<vmem>>[vector<16xi32>, vector<16xi32>, vector<16xi32>, vector<16xi32>], vector<16xf32>,
      tpu.vector_store_idx %arg11[%iota3A, %broadcast_in_dim3A_756], %gather3A_757 : memref<32x16xf32, #tpu.memory_space<vmem>>[vector<16xi32>, vector<16xi32>], vector<16xf32>,
      %gather3A_758 = tpu.vector_load_idx %arg10[%broadcast_in_dim3A_740, %broadcast_in_dim3A_742, %iota3A, %add3A_754] : memref<2x4x32x128xf32, #tpu.memory_space<vmem>>[vector<16xi32>, vector<16xi32>, vector<16xi32>, vector<16xi32>], vector<16xf32>,
      tpu.vector_store_idx %arg12[%iota3A, %broadcast_in_dim3A_756], %gather3A_758 : memref<32x16xf32, #tpu.memory_space<vmem>>[vector<16xi32>, vector<16xi32>], vector<16xf32>,
      %gather3A_759 = tpu.vector_load_idx %arg9[%broadcast_in_dim3A_740, %broadcast_in_dim3A_742, %add3A_5, %add3A_748] : memref<2x4x32x128xf32, #tpu.memory_space<vmem>>[vector<16xi32>, vector<16xi32>, vector<16xi32>, vector<16xi32>], vector<16xf32>,
      tpu.vector_store_idx %arg11[%add3A_5, %broadcast_in_dim3A_756], %gather3A_759 : memref<32x16xf32, #tpu.memory_space<vmem>>[vector<16xi32>, vector<16xi32>], vector<16xf32>,
      %gather3A_760 = tpu.vector_load_idx %arg10[%broadcast_in_dim3A_740, %broadcast_in_dim3A_742, %add3A_5, %add3A_754] : memref<2x4x32x128xf32, #tpu.memory_space<vmem>>[vector<16xi32>, vector<16xi32>, vector<16xi32>, vector<16xi32>], vector<16xf32>,
      tpu.vector_store_idx %arg12[%add3A_5, %broadcast_in_dim3A_756], %gather3A_760 : memref<32x16xf32, #tpu.memory_space<vmem>>[vector<16xi32>, vector<16xi32>], vector<16xf32>,
      %broadcast_in_dim3A_761 = arith.constant 1 : i32
      %broadcast_in_dim3A_762 = vector.broadcast %broadcast_in_dim3A_761 : i32 to vector<16xi32>
      %broadcast_in_dim3A_763 = arith.constant 0 : i32
      %broadcast_in_dim3A_764 = vector.broadcast %broadcast_in_dim3A_763 : i32 to vector<16xi32>
      %slice3A_765 = vector.extract_strided_slice %and3A_28 {offsets = [5], sizes = [1], strides = [1]} : vector<16xi32> to vector<1xi32>
      %squeeze3A_766 = vector.extract %slice3A_765[0] : i32 from vector<1xi32>
      %add3A_767 = vector.broadcast %squeeze3A_766 : i32 to vector<16xi32>
      %add3A_768 = arith.addi %broadcast_in_dim3A_764, %add3A_767 : vector<16xi32>
      %broadcast_in_dim3A_769 = arith.constant 0 : i32
      %broadcast_in_dim3A_770 = vector.broadcast %broadcast_in_dim3A_769 : i32 to vector<16xi32>
      %slice3A_771 = vector.extract_strided_slice %and3A_31 {offsets = [5], sizes = [1], strides = [1]} : vector<16xi32> to vector<1xi32>
      %squeeze3A_772 = vector.extract %slice3A_771[0] : i32 from vector<1xi32>
      %add3A_773 = vector.broadcast %squeeze3A_772 : i32 to vector<16xi32>
      %add3A_774 = arith.addi %broadcast_in_dim3A_770, %add3A_773 : vector<16xi32>
      %broadcast_in_dim3A_775 = arith.constant 5 : i32
      %broadcast_in_dim3A_776 = vector.broadcast %broadcast_in_dim3A_775 : i32 to vector<16xi32>
      %gather3A_777 = tpu.vector_load_idx %arg9[%broadcast_in_dim3A_740, %broadcast_in_dim3A_762, %iota3A, %add3A_768] : memref<2x4x32x128xf32, #tpu.memory_space<vmem>>[vector<16xi32>, vector<16xi32>, vector<16xi32>, vector<16xi32>], vector<16xf32>,
      tpu.vector_store_idx %arg11[%iota3A, %broadcast_in_dim3A_776], %gather3A_777 : memref<32x16xf32, #tpu.memory_space<vmem>>[vector<16xi32>, vector<16xi32>], vector<16xf32>,
      %gather3A_778 = tpu.vector_load_idx %arg10[%broadcast_in_dim3A_740, %broadcast_in_dim3A_762, %iota3A, %add3A_774] : memref<2x4x32x128xf32, #tpu.memory_space<vmem>>[vector<16xi32>, vector<16xi32>, vector<16xi32>, vector<16xi32>], vector<16xf32>,
      tpu.vector_store_idx %arg12[%iota3A, %broadcast_in_dim3A_776], %gather3A_778 : memref<32x16xf32, #tpu.memory_space<vmem>>[vector<16xi32>, vector<16xi32>], vector<16xf32>,
      %gather3A_779 = tpu.vector_load_idx %arg9[%broadcast_in_dim3A_740, %broadcast_in_dim3A_762, %add3A_5, %add3A_768] : memref<2x4x32x128xf32, #tpu.memory_space<vmem>>[vector<16xi32>, vector<16xi32>, vector<16xi32>, vector<16xi32>], vector<16xf32>,
      tpu.vector_store_idx %arg11[%add3A_5, %broadcast_in_dim3A_776], %gather3A_779 : memref<32x16xf32, #tpu.memory_space<vmem>>[vector<16xi32>, vector<16xi32>], vector<16xf32>,
      %gather3A_780 = tpu.vector_load_idx %arg10[%broadcast_in_dim3A_740, %broadcast_in_dim3A_762, %add3A_5, %add3A_774] : memref<2x4x32x128xf32, #tpu.memory_space<vmem>>[vector<16xi32>, vector<16xi32>, vector<16xi32>, vector<16xi32>], vector<16xf32>,
      tpu.vector_store_idx %arg12[%add3A_5, %broadcast_in_dim3A_776], %gather3A_780 : memref<32x16xf32, #tpu.memory_space<vmem>>[vector<16xi32>, vector<16xi32>], vector<16xf32>,
      %broadcast_in_dim3A_781 = arith.constant 2 : i32
      %broadcast_in_dim3A_782 = vector.broadcast %broadcast_in_dim3A_781 : i32 to vector<16xi32>
      %broadcast_in_dim3A_783 = arith.constant 0 : i32
      %broadcast_in_dim3A_784 = vector.broadcast %broadcast_in_dim3A_783 : i32 to vector<16xi32>
      %slice3A_785 = vector.extract_strided_slice %and3A_28 {offsets = [6], sizes = [1], strides = [1]} : vector<16xi32> to vector<1xi32>
      %squeeze3A_786 = vector.extract %slice3A_785[0] : i32 from vector<1xi32>
      %add3A_787 = vector.broadcast %squeeze3A_786 : i32 to vector<16xi32>
      %add3A_788 = arith.addi %broadcast_in_dim3A_784, %add3A_787 : vector<16xi32>
      %broadcast_in_dim3A_789 = arith.constant 0 : i32
      %broadcast_in_dim3A_790 = vector.broadcast %broadcast_in_dim3A_789 : i32 to vector<16xi32>
      %slice3A_791 = vector.extract_strided_slice %and3A_31 {offsets = [6], sizes = [1], strides = [1]} : vector<16xi32> to vector<1xi32>
      %squeeze3A_792 = vector.extract %slice3A_791[0] : i32 from vector<1xi32>
      %add3A_793 = vector.broadcast %squeeze3A_792 : i32 to vector<16xi32>
      %add3A_794 = arith.addi %broadcast_in_dim3A_790, %add3A_793 : vector<16xi32>
      %broadcast_in_dim3A_795 = arith.constant 6 : i32
      %broadcast_in_dim3A_796 = vector.broadcast %broadcast_in_dim3A_795 : i32 to vector<16xi32>
      %gather3A_797 = tpu.vector_load_idx %arg9[%broadcast_in_dim3A_740, %broadcast_in_dim3A_782, %iota3A, %add3A_788] : memref<2x4x32x128xf32, #tpu.memory_space<vmem>>[vector<16xi32>, vector<16xi32>, vector<16xi32>, vector<16xi32>], vector<16xf32>,
      tpu.vector_store_idx %arg11[%iota3A, %broadcast_in_dim3A_796], %gather3A_797 : memref<32x16xf32, #tpu.memory_space<vmem>>[vector<16xi32>, vector<16xi32>], vector<16xf32>,
      %gather3A_798 = tpu.vector_load_idx %arg10[%broadcast_in_dim3A_740, %broadcast_in_dim3A_782, %iota3A, %add3A_794] : memref<2x4x32x128xf32, #tpu.memory_space<vmem>>[vector<16xi32>, vector<16xi32>, vector<16xi32>, vector<16xi32>], vector<16xf32>,
      tpu.vector_store_idx %arg12[%iota3A, %broadcast_in_dim3A_796], %gather3A_798 : memref<32x16xf32, #tpu.memory_space<vmem>>[vector<16xi32>, vector<16xi32>], vector<16xf32>,
      %gather3A_799 = tpu.vector_load_idx %arg9[%broadcast_in_dim3A_740, %broadcast_in_dim3A_782, %add3A_5, %add3A_788] : memref<2x4x32x128xf32, #tpu.memory_space<vmem>>[vector<16xi32>, vector<16xi32>, vector<16xi32>, vector<16xi32>], vector<16xf32>,
      tpu.vector_store_idx %arg11[%add3A_5, %broadcast_in_dim3A_796], %gather3A_799 : memref<32x16xf32, #tpu.memory_space<vmem>>[vector<16xi32>, vector<16xi32>], vector<16xf32>,
      %gather3A_800 = tpu.vector_load_idx %arg10[%broadcast_in_dim3A_740, %broadcast_in_dim3A_782, %add3A_5, %add3A_794] : memref<2x4x32x128xf32, #tpu.memory_space<vmem>>[vector<16xi32>, vector<16xi32>, vector<16xi32>, vector<16xi32>], vector<16xf32>,
      tpu.vector_store_idx %arg12[%add3A_5, %broadcast_in_dim3A_796], %gather3A_800 : memref<32x16xf32, #tpu.memory_space<vmem>>[vector<16xi32>, vector<16xi32>], vector<16xf32>,
      %broadcast_in_dim3A_801 = arith.constant 3 : i32
      %broadcast_in_dim3A_802 = vector.broadcast %broadcast_in_dim3A_801 : i32 to vector<16xi32>
      %broadcast_in_dim3A_803 = arith.constant 0 : i32
      %broadcast_in_dim3A_804 = vector.broadcast %broadcast_in_dim3A_803 : i32 to vector<16xi32>
      %slice3A_805 = vector.extract_strided_slice %and3A_28 {offsets = [7], sizes = [1], strides = [1]} : vector<16xi32> to vector<1xi32>
      %squeeze3A_806 = vector.extract %slice3A_805[0] : i32 from vector<1xi32>
      %add3A_807 = vector.broadcast %squeeze3A_806 : i32 to vector<16xi32>
      %add3A_808 = arith.addi %broadcast_in_dim3A_804, %add3A_807 : vector<16xi32>
      %broadcast_in_dim3A_809 = arith.constant 0 : i32
      %broadcast_in_dim3A_810 = vector.broadcast %broadcast_in_dim3A_809 : i32 to vector<16xi32>
      %slice3A_811 = vector.extract_strided_slice %and3A_31 {offsets = [7], sizes = [1], strides = [1]} : vector<16xi32> to vector<1xi32>
      %squeeze3A_812 = vector.extract %slice3A_811[0] : i32 from vector<1xi32>
      %add3A_813 = vector.broadcast %squeeze3A_812 : i32 to vector<16xi32>
      %add3A_814 = arith.addi %broadcast_in_dim3A_810, %add3A_813 : vector<16xi32>
      %broadcast_in_dim3A_815 = arith.constant 7 : i32
      %broadcast_in_dim3A_816 = vector.broadcast %broadcast_in_dim3A_815 : i32 to vector<16xi32>
      %gather3A_817 = tpu.vector_load_idx %arg9[%broadcast_in_dim3A_740, %broadcast_in_dim3A_802, %iota3A, %add3A_808] : memref<2x4x32x128xf32, #tpu.memory_space<vmem>>[vector<16xi32>, vector<16xi32>, vector<16xi32>, vector<16xi32>], vector<16xf32>,
      tpu.vector_store_idx %arg11[%iota3A, %broadcast_in_dim3A_816], %gather3A_817 : memref<32x16xf32, #tpu.memory_space<vmem>>[vector<16xi32>, vector<16xi32>], vector<16xf32>,
      %gather3A_818 = tpu.vector_load_idx %arg10[%broadcast_in_dim3A_740, %broadcast_in_dim3A_802, %iota3A, %add3A_814] : memref<2x4x32x128xf32, #tpu.memory_space<vmem>>[vector<16xi32>, vector<16xi32>, vector<16xi32>, vector<16xi32>], vector<16xf32>,
      tpu.vector_store_idx %arg12[%iota3A, %broadcast_in_dim3A_816], %gather3A_818 : memref<32x16xf32, #tpu.memory_space<vmem>>[vector<16xi32>, vector<16xi32>], vector<16xf32>,
      %gather3A_819 = tpu.vector_load_idx %arg9[%broadcast_in_dim3A_740, %broadcast_in_dim3A_802, %add3A_5, %add3A_808] : memref<2x4x32x128xf32, #tpu.memory_space<vmem>>[vector<16xi32>, vector<16xi32>, vector<16xi32>, vector<16xi32>], vector<16xf32>,
      tpu.vector_store_idx %arg11[%add3A_5, %broadcast_in_dim3A_816], %gather3A_819 : memref<32x16xf32, #tpu.memory_space<vmem>>[vector<16xi32>, vector<16xi32>], vector<16xf32>,
      %gather3A_820 = tpu.vector_load_idx %arg10[%broadcast_in_dim3A_740, %broadcast_in_dim3A_802, %add3A_5, %add3A_814] : memref<2x4x32x128xf32, #tpu.memory_space<vmem>>[vector<16xi32>, vector<16xi32>, vector<16xi32>, vector<16xi32>], vector<16xf32>,
      tpu.vector_store_idx %arg12[%add3A_5, %broadcast_in_dim3A_816], %gather3A_820 : memref<32x16xf32, #tpu.memory_space<vmem>>[vector<16xi32>, vector<16xi32>], vector<16xf32>,
      %slice3A_821 = vector.extract_strided_slice %shift_left3A_20 {offsets = [12], sizes = [1], strides = [1]} : vector<16xi32> to vector<1xi32>
      %squeeze3A_822 = vector.extract %slice3A_821[0] : i32 from vector<1xi32>
      %multiple_of3A_823 = tpu.assume_multiple %squeeze3A_822, 128 : i32
      %dma_start3A_824 = arith.constant 1 : i32
      %dma_start3A_825 = arith.constant 0 : i32
      %dma_start3A_826 = arith.constant 0 : i32
      %dma_start3A_827 = arith.constant 0 : i32
      %dma_start3A_828 = tpu.memref_slice %arg9[%dma_start3A_824, %dma_start3A_825, %dma_start3A_826, %dma_start3A_827] : memref<2x4x32x128xf32, #tpu.memory_space<vmem>> -> memref<1x1x32x128xf32, #tpu.memory_space<vmem>>
      %dma_start3A_829 = tpu.memref_squeeze %dma_start3A_828 : memref<1x1x32x128xf32, #tpu.memory_space<vmem>> -> memref<32x128xf32, #tpu.memory_space<vmem>>
      %dma_start3A_830 = arith.constant 0 : i32
      %dma_start3A_831 = tpu.memref_slice %arg4[%dma_start3A_830, %multiple_of3A_823] : memref<32x1000000xf32, #tpu.memory_space<hbm>> -> memref<32x128xf32, #tpu.memory_space<hbm>>
      %dma_start3A_832 = arith.constant 0 : i32
      %dma_start3A_833 = arith.constant 0 : i32
      %dma_start3A_834 = tpu.memref_slice %arg9[%dma_start3A_824, %dma_start3A_825, %dma_start3A_832, %dma_start3A_833] : memref<2x4x32x128xf32, #tpu.memory_space<vmem>> -> memref<1x1x32x128xf32, #tpu.memory_space<vmem>>
      %dma_start3A_835 = tpu.memref_squeeze %dma_start3A_834 : memref<1x1x32x128xf32, #tpu.memory_space<vmem>> -> memref<32x128xf32, #tpu.memory_space<vmem>>
      %dma_start3A_836 = arith.constant 0 : i32
      %dma_start3A_837 = tpu.memref_slice %arg4[%dma_start3A_836, %multiple_of3A_823] : memref<32x1000000xf32, #tpu.memory_space<hbm>> -> memref<32x128xf32, #tpu.memory_space<hbm>>
      tpu.enqueue_dma source(%dma_start3A_837 : memref<32x128xf32, #tpu.memory_space<hbm>>) target(%dma_start3A_835 : memref<32x128xf32, #tpu.memory_space<vmem>>) target_semaphore(%arg15 : memref<!tpu.dma_semaphore, #tpu.memory_space<semaphore_mem>>)
      %slice3A_838 = vector.extract_strided_slice %shift_left3A_26 {offsets = [12], sizes = [1], strides = [1]} : vector<16xi32> to vector<1xi32>
      %squeeze3A_839 = vector.extract %slice3A_838[0] : i32 from vector<1xi32>
      %multiple_of3A_840 = tpu.assume_multiple %squeeze3A_839, 128 : i32
      %dma_start3A_841 = arith.constant 1 : i32
      %dma_start3A_842 = arith.constant 0 : i32
      %dma_start3A_843 = arith.constant 0 : i32
      %dma_start3A_844 = arith.constant 0 : i32
      %dma_start3A_845 = tpu.memref_slice %arg10[%dma_start3A_841, %dma_start3A_842, %dma_start3A_843, %dma_start3A_844] : memref<2x4x32x128xf32, #tpu.memory_space<vmem>> -> memref<1x1x32x128xf32, #tpu.memory_space<vmem>>
      %dma_start3A_846 = tpu.memref_squeeze %dma_start3A_845 : memref<1x1x32x128xf32, #tpu.memory_space<vmem>> -> memref<32x128xf32, #tpu.memory_space<vmem>>
      %dma_start3A_847 = arith.constant 0 : i32
      %dma_start3A_848 = tpu.memref_slice %arg5[%dma_start3A_847, %multiple_of3A_840] : memref<32x1000000xf32, #tpu.memory_space<hbm>> -> memref<32x128xf32, #tpu.memory_space<hbm>>
      %dma_start3A_849 = arith.constant 0 : i32
      %dma_start3A_850 = arith.constant 0 : i32
      %dma_start3A_851 = tpu.memref_slice %arg10[%dma_start3A_841, %dma_start3A_842, %dma_start3A_849, %dma_start3A_850] : memref<2x4x32x128xf32, #tpu.memory_space<vmem>> -> memref<1x1x32x128xf32, #tpu.memory_space<vmem>>
      %dma_start3A_852 = tpu.memref_squeeze %dma_start3A_851 : memref<1x1x32x128xf32, #tpu.memory_space<vmem>> -> memref<32x128xf32, #tpu.memory_space<vmem>>
      %dma_start3A_853 = arith.constant 0 : i32
      %dma_start3A_854 = tpu.memref_slice %arg5[%dma_start3A_853, %multiple_of3A_840] : memref<32x1000000xf32, #tpu.memory_space<hbm>> -> memref<32x128xf32, #tpu.memory_space<hbm>>
      tpu.enqueue_dma source(%dma_start3A_854 : memref<32x128xf32, #tpu.memory_space<hbm>>) target(%dma_start3A_852 : memref<32x128xf32, #tpu.memory_space<vmem>>) target_semaphore(%arg15 : memref<!tpu.dma_semaphore, #tpu.memory_space<semaphore_mem>>)
      %slice3A_855 = vector.extract_strided_slice %shift_left3A_20 {offsets = [13], sizes = [1], strides = [1]} : vector<16xi32> to vector<1xi32>
      %squeeze3A_856 = vector.extract %slice3A_855[0] : i32 from vector<1xi32>
      %multiple_of3A_857 = tpu.assume_multiple %squeeze3A_856, 128 : i32
      %dma_start3A_858 = arith.constant 1 : i32
      %dma_start3A_859 = arith.constant 1 : i32
      %dma_start3A_860 = arith.constant 0 : i32
      %dma_start3A_861 = arith.constant 0 : i32
      %dma_start3A_862 = tpu.memref_slice %arg9[%dma_start3A_858, %dma_start3A_859, %dma_start3A_860, %dma_start3A_861] : memref<2x4x32x128xf32, #tpu.memory_space<vmem>> -> memref<1x1x32x128xf32, #tpu.memory_space<vmem>>
      %dma_start3A_863 = tpu.memref_squeeze %dma_start3A_862 : memref<1x1x32x128xf32, #tpu.memory_space<vmem>> -> memref<32x128xf32, #tpu.memory_space<vmem>>
      %dma_start3A_864 = arith.constant 0 : i32
      %dma_start3A_865 = tpu.memref_slice %arg4[%dma_start3A_864, %multiple_of3A_857] : memref<32x1000000xf32, #tpu.memory_space<hbm>> -> memref<32x128xf32, #tpu.memory_space<hbm>>
      %dma_start3A_866 = arith.constant 0 : i32
      %dma_start3A_867 = arith.constant 0 : i32
      %dma_start3A_868 = tpu.memref_slice %arg9[%dma_start3A_858, %dma_start3A_859, %dma_start3A_866, %dma_start3A_867] : memref<2x4x32x128xf32, #tpu.memory_space<vmem>> -> memref<1x1x32x128xf32, #tpu.memory_space<vmem>>
      %dma_start3A_869 = tpu.memref_squeeze %dma_start3A_868 : memref<1x1x32x128xf32, #tpu.memory_space<vmem>> -> memref<32x128xf32, #tpu.memory_space<vmem>>
      %dma_start3A_870 = arith.constant 0 : i32
      %dma_start3A_871 = tpu.memref_slice %arg4[%dma_start3A_870, %multiple_of3A_857] : memref<32x1000000xf32, #tpu.memory_space<hbm>> -> memref<32x128xf32, #tpu.memory_space<hbm>>
      tpu.enqueue_dma source(%dma_start3A_871 : memref<32x128xf32, #tpu.memory_space<hbm>>) target(%dma_start3A_869 : memref<32x128xf32, #tpu.memory_space<vmem>>) target_semaphore(%arg15 : memref<!tpu.dma_semaphore, #tpu.memory_space<semaphore_mem>>)
      %slice3A_872 = vector.extract_strided_slice %shift_left3A_26 {offsets = [13], sizes = [1], strides = [1]} : vector<16xi32> to vector<1xi32>
      %squeeze3A_873 = vector.extract %slice3A_872[0] : i32 from vector<1xi32>
      %multiple_of3A_874 = tpu.assume_multiple %squeeze3A_873, 128 : i32
      %dma_start3A_875 = arith.constant 1 : i32
      %dma_start3A_876 = arith.constant 1 : i32
      %dma_start3A_877 = arith.constant 0 : i32
      %dma_start3A_878 = arith.constant 0 : i32
      %dma_start3A_879 = tpu.memref_slice %arg10[%dma_start3A_875, %dma_start3A_876, %dma_start3A_877, %dma_start3A_878] : memref<2x4x32x128xf32, #tpu.memory_space<vmem>> -> memref<1x1x32x128xf32, #tpu.memory_space<vmem>>
      %dma_start3A_880 = tpu.memref_squeeze %dma_start3A_879 : memref<1x1x32x128xf32, #tpu.memory_space<vmem>> -> memref<32x128xf32, #tpu.memory_space<vmem>>
      %dma_start3A_881 = arith.constant 0 : i32
      %dma_start3A_882 = tpu.memref_slice %arg5[%dma_start3A_881, %multiple_of3A_874] : memref<32x1000000xf32, #tpu.memory_space<hbm>> -> memref<32x128xf32, #tpu.memory_space<hbm>>
      %dma_start3A_883 = arith.constant 0 : i32
      %dma_start3A_884 = arith.constant 0 : i32
      %dma_start3A_885 = tpu.memref_slice %arg10[%dma_start3A_875, %dma_start3A_876, %dma_start3A_883, %dma_start3A_884] : memref<2x4x32x128xf32, #tpu.memory_space<vmem>> -> memref<1x1x32x128xf32, #tpu.memory_space<vmem>>
      %dma_start3A_886 = tpu.memref_squeeze %dma_start3A_885 : memref<1x1x32x128xf32, #tpu.memory_space<vmem>> -> memref<32x128xf32, #tpu.memory_space<vmem>>
      %dma_start3A_887 = arith.constant 0 : i32
      %dma_start3A_888 = tpu.memref_slice %arg5[%dma_start3A_887, %multiple_of3A_874] : memref<32x1000000xf32, #tpu.memory_space<hbm>> -> memref<32x128xf32, #tpu.memory_space<hbm>>
      tpu.enqueue_dma source(%dma_start3A_888 : memref<32x128xf32, #tpu.memory_space<hbm>>) target(%dma_start3A_886 : memref<32x128xf32, #tpu.memory_space<vmem>>) target_semaphore(%arg15 : memref<!tpu.dma_semaphore, #tpu.memory_space<semaphore_mem>>)
      %slice3A_889 = vector.extract_strided_slice %shift_left3A_20 {offsets = [14], sizes = [1], strides = [1]} : vector<16xi32> to vector<1xi32>
      %squeeze3A_890 = vector.extract %slice3A_889[0] : i32 from vector<1xi32>
      %multiple_of3A_891 = tpu.assume_multiple %squeeze3A_890, 128 : i32
      %dma_start3A_892 = arith.constant 1 : i32
      %dma_start3A_893 = arith.constant 2 : i32
      %dma_start3A_894 = arith.constant 0 : i32
      %dma_start3A_895 = arith.constant 0 : i32
      %dma_start3A_896 = tpu.memref_slice %arg9[%dma_start3A_892, %dma_start3A_893, %dma_start3A_894, %dma_start3A_895] : memref<2x4x32x128xf32, #tpu.memory_space<vmem>> -> memref<1x1x32x128xf32, #tpu.memory_space<vmem>>
      %dma_start3A_897 = tpu.memref_squeeze %dma_start3A_896 : memref<1x1x32x128xf32, #tpu.memory_space<vmem>> -> memref<32x128xf32, #tpu.memory_space<vmem>>
      %dma_start3A_898 = arith.constant 0 : i32
      %dma_start3A_899 = tpu.memref_slice %arg4[%dma_start3A_898, %multiple_of3A_891] : memref<32x1000000xf32, #tpu.memory_space<hbm>> -> memref<32x128xf32, #tpu.memory_space<hbm>>
      %dma_start3A_900 = arith.constant 0 : i32
      %dma_start3A_901 = arith.constant 0 : i32
      %dma_start3A_902 = tpu.memref_slice %arg9[%dma_start3A_892, %dma_start3A_893, %dma_start3A_900, %dma_start3A_901] : memref<2x4x32x128xf32, #tpu.memory_space<vmem>> -> memref<1x1x32x128xf32, #tpu.memory_space<vmem>>
      %dma_start3A_903 = tpu.memref_squeeze %dma_start3A_902 : memref<1x1x32x128xf32, #tpu.memory_space<vmem>> -> memref<32x128xf32, #tpu.memory_space<vmem>>
      %dma_start3A_904 = arith.constant 0 : i32
      %dma_start3A_905 = tpu.memref_slice %arg4[%dma_start3A_904, %multiple_of3A_891] : memref<32x1000000xf32, #tpu.memory_space<hbm>> -> memref<32x128xf32, #tpu.memory_space<hbm>>
      tpu.enqueue_dma source(%dma_start3A_905 : memref<32x128xf32, #tpu.memory_space<hbm>>) target(%dma_start3A_903 : memref<32x128xf32, #tpu.memory_space<vmem>>) target_semaphore(%arg15 : memref<!tpu.dma_semaphore, #tpu.memory_space<semaphore_mem>>)
      %slice3A_906 = vector.extract_strided_slice %shift_left3A_26 {offsets = [14], sizes = [1], strides = [1]} : vector<16xi32> to vector<1xi32>
      %squeeze3A_907 = vector.extract %slice3A_906[0] : i32 from vector<1xi32>
      %multiple_of3A_908 = tpu.assume_multiple %squeeze3A_907, 128 : i32
      %dma_start3A_909 = arith.constant 1 : i32
      %dma_start3A_910 = arith.constant 2 : i32
      %dma_start3A_911 = arith.constant 0 : i32
      %dma_start3A_912 = arith.constant 0 : i32
      %dma_start3A_913 = tpu.memref_slice %arg10[%dma_start3A_909, %dma_start3A_910, %dma_start3A_911, %dma_start3A_912] : memref<2x4x32x128xf32, #tpu.memory_space<vmem>> -> memref<1x1x32x128xf32, #tpu.memory_space<vmem>>
      %dma_start3A_914 = tpu.memref_squeeze %dma_start3A_913 : memref<1x1x32x128xf32, #tpu.memory_space<vmem>> -> memref<32x128xf32, #tpu.memory_space<vmem>>
      %dma_start3A_915 = arith.constant 0 : i32
      %dma_start3A_916 = tpu.memref_slice %arg5[%dma_start3A_915, %multiple_of3A_908] : memref<32x1000000xf32, #tpu.memory_space<hbm>> -> memref<32x128xf32, #tpu.memory_space<hbm>>
      %dma_start3A_917 = arith.constant 0 : i32
      %dma_start3A_918 = arith.constant 0 : i32
      %dma_start3A_919 = tpu.memref_slice %arg10[%dma_start3A_909, %dma_start3A_910, %dma_start3A_917, %dma_start3A_918] : memref<2x4x32x128xf32, #tpu.memory_space<vmem>> -> memref<1x1x32x128xf32, #tpu.memory_space<vmem>>
      %dma_start3A_920 = tpu.memref_squeeze %dma_start3A_919 : memref<1x1x32x128xf32, #tpu.memory_space<vmem>> -> memref<32x128xf32, #tpu.memory_space<vmem>>
      %dma_start3A_921 = arith.constant 0 : i32
      %dma_start3A_922 = tpu.memref_slice %arg5[%dma_start3A_921, %multiple_of3A_908] : memref<32x1000000xf32, #tpu.memory_space<hbm>> -> memref<32x128xf32, #tpu.memory_space<hbm>>
      tpu.enqueue_dma source(%dma_start3A_922 : memref<32x128xf32, #tpu.memory_space<hbm>>) target(%dma_start3A_920 : memref<32x128xf32, #tpu.memory_space<vmem>>) target_semaphore(%arg15 : memref<!tpu.dma_semaphore, #tpu.memory_space<semaphore_mem>>)
      %slice3A_923 = vector.extract_strided_slice %shift_left3A_20 {offsets = [15], sizes = [1], strides = [1]} : vector<16xi32> to vector<1xi32>
      %squeeze3A_924 = vector.extract %slice3A_923[0] : i32 from vector<1xi32>
      %multiple_of3A_925 = tpu.assume_multiple %squeeze3A_924, 128 : i32
      %dma_start3A_926 = arith.constant 1 : i32
      %dma_start3A_927 = arith.constant 3 : i32
      %dma_start3A_928 = arith.constant 0 : i32
      %dma_start3A_929 = arith.constant 0 : i32
      %dma_start3A_930 = tpu.memref_slice %arg9[%dma_start3A_926, %dma_start3A_927, %dma_start3A_928, %dma_start3A_929] : memref<2x4x32x128xf32, #tpu.memory_space<vmem>> -> memref<1x1x32x128xf32, #tpu.memory_space<vmem>>
      %dma_start3A_931 = tpu.memref_squeeze %dma_start3A_930 : memref<1x1x32x128xf32, #tpu.memory_space<vmem>> -> memref<32x128xf32, #tpu.memory_space<vmem>>
      %dma_start3A_932 = arith.constant 0 : i32
      %dma_start3A_933 = tpu.memref_slice %arg4[%dma_start3A_932, %multiple_of3A_925] : memref<32x1000000xf32, #tpu.memory_space<hbm>> -> memref<32x128xf32, #tpu.memory_space<hbm>>
      %dma_start3A_934 = arith.constant 0 : i32
      %dma_start3A_935 = arith.constant 0 : i32
      %dma_start3A_936 = tpu.memref_slice %arg9[%dma_start3A_926, %dma_start3A_927, %dma_start3A_934, %dma_start3A_935] : memref<2x4x32x128xf32, #tpu.memory_space<vmem>> -> memref<1x1x32x128xf32, #tpu.memory_space<vmem>>
      %dma_start3A_937 = tpu.memref_squeeze %dma_start3A_936 : memref<1x1x32x128xf32, #tpu.memory_space<vmem>> -> memref<32x128xf32, #tpu.memory_space<vmem>>
      %dma_start3A_938 = arith.constant 0 : i32
      %dma_start3A_939 = tpu.memref_slice %arg4[%dma_start3A_938, %multiple_of3A_925] : memref<32x1000000xf32, #tpu.memory_space<hbm>> -> memref<32x128xf32, #tpu.memory_space<hbm>>
      tpu.enqueue_dma source(%dma_start3A_939 : memref<32x128xf32, #tpu.memory_space<hbm>>) target(%dma_start3A_937 : memref<32x128xf32, #tpu.memory_space<vmem>>) target_semaphore(%arg15 : memref<!tpu.dma_semaphore, #tpu.memory_space<semaphore_mem>>)
      %slice3A_940 = vector.extract_strided_slice %shift_left3A_26 {offsets = [15], sizes = [1], strides = [1]} : vector<16xi32> to vector<1xi32>
      %squeeze3A_941 = vector.extract %slice3A_940[0] : i32 from vector<1xi32>
      %multiple_of3A_942 = tpu.assume_multiple %squeeze3A_941, 128 : i32
      %dma_start3A_943 = arith.constant 1 : i32
      %dma_start3A_944 = arith.constant 3 : i32
      %dma_start3A_945 = arith.constant 0 : i32
      %dma_start3A_946 = arith.constant 0 : i32
      %dma_start3A_947 = tpu.memref_slice %arg10[%dma_start3A_943, %dma_start3A_944, %dma_start3A_945, %dma_start3A_946] : memref<2x4x32x128xf32, #tpu.memory_space<vmem>> -> memref<1x1x32x128xf32, #tpu.memory_space<vmem>>
      %dma_start3A_948 = tpu.memref_squeeze %dma_start3A_947 : memref<1x1x32x128xf32, #tpu.memory_space<vmem>> -> memref<32x128xf32, #tpu.memory_space<vmem>>
      %dma_start3A_949 = arith.constant 0 : i32
      %dma_start3A_950 = tpu.memref_slice %arg5[%dma_start3A_949, %multiple_of3A_942] : memref<32x1000000xf32, #tpu.memory_space<hbm>> -> memref<32x128xf32, #tpu.memory_space<hbm>>
      %dma_start3A_951 = arith.constant 0 : i32
      %dma_start3A_952 = arith.constant 0 : i32
      %dma_start3A_953 = tpu.memref_slice %arg10[%dma_start3A_943, %dma_start3A_944, %dma_start3A_951, %dma_start3A_952] : memref<2x4x32x128xf32, #tpu.memory_space<vmem>> -> memref<1x1x32x128xf32, #tpu.memory_space<vmem>>
      %dma_start3A_954 = tpu.memref_squeeze %dma_start3A_953 : memref<1x1x32x128xf32, #tpu.memory_space<vmem>> -> memref<32x128xf32, #tpu.memory_space<vmem>>
      %dma_start3A_955 = arith.constant 0 : i32
      %dma_start3A_956 = tpu.memref_slice %arg5[%dma_start3A_955, %multiple_of3A_942] : memref<32x1000000xf32, #tpu.memory_space<hbm>> -> memref<32x128xf32, #tpu.memory_space<hbm>>
      tpu.enqueue_dma source(%dma_start3A_956 : memref<32x128xf32, #tpu.memory_space<hbm>>) target(%dma_start3A_954 : memref<32x128xf32, #tpu.memory_space<vmem>>) target_semaphore(%arg15 : memref<!tpu.dma_semaphore, #tpu.memory_space<semaphore_mem>>)
      %dma_wait3A_957 = arith.constant 0 : i32
      %dma_wait3A_958 = arith.constant 0 : i32
      %dma_wait3A_959 = arith.constant 0 : i32
      %dma_wait3A_960 = arith.constant 0 : i32
      %dma_wait3A_961 = tpu.memref_slice %arg9[%dma_wait3A_957, %dma_wait3A_958, %dma_wait3A_959, %dma_wait3A_960] : memref<2x4x32x128xf32, #tpu.memory_space<vmem>> -> memref<1x1x32x128xf32, #tpu.memory_space<vmem>>
      %dma_wait3A_962 = tpu.memref_squeeze %dma_wait3A_961 : memref<1x1x32x128xf32, #tpu.memory_space<vmem>> -> memref<32x128xf32, #tpu.memory_space<vmem>>
      %dma_wait3A_963 = arith.constant 0 : i32
      %dma_wait3A_964 = tpu.memref_slice %arg4[%dma_wait3A_963, %multiple_of3A_493] : memref<32x1000000xf32, #tpu.memory_space<hbm>> -> memref<32x128xf32, #tpu.memory_space<hbm>>
      %dma_wait3A_965 = arith.constant 0 : i32
      %dma_wait3A_966 = arith.constant 0 : i32
      %dma_wait3A_967 = tpu.memref_slice %arg9[%dma_wait3A_957, %dma_wait3A_958, %dma_wait3A_965, %dma_wait3A_966] : memref<2x4x32x128xf32, #tpu.memory_space<vmem>> -> memref<1x1x32x128xf32, #tpu.memory_space<vmem>>
      %dma_wait3A_968 = tpu.memref_squeeze %dma_wait3A_967 : memref<1x1x32x128xf32, #tpu.memory_space<vmem>> -> memref<32x128xf32, #tpu.memory_space<vmem>>
      %dma_wait3A_969 = arith.constant 0 : i32
      %dma_wait3A_970 = tpu.memref_slice %arg4[%dma_wait3A_969, %multiple_of3A_493] : memref<32x1000000xf32, #tpu.memory_space<hbm>> -> memref<32x128xf32, #tpu.memory_space<hbm>>
      tpu.wait_dma2 semaphore(%arg14 : memref<!tpu.dma_semaphore, #tpu.memory_space<semaphore_mem>>) src(%dma_wait3A_970 : memref<32x128xf32, #tpu.memory_space<hbm>>) dst(%dma_wait3A_968 : memref<32x128xf32, #tpu.memory_space<vmem>>)
      %dma_wait3A_971 = arith.constant 0 : i32
      %dma_wait3A_972 = arith.constant 0 : i32
      %dma_wait3A_973 = arith.constant 0 : i32
      %dma_wait3A_974 = arith.constant 0 : i32
      %dma_wait3A_975 = tpu.memref_slice %arg10[%dma_wait3A_971, %dma_wait3A_972, %dma_wait3A_973, %dma_wait3A_974] : memref<2x4x32x128xf32, #tpu.memory_space<vmem>> -> memref<1x1x32x128xf32, #tpu.memory_space<vmem>>
      %dma_wait3A_976 = tpu.memref_squeeze %dma_wait3A_975 : memref<1x1x32x128xf32, #tpu.memory_space<vmem>> -> memref<32x128xf32, #tpu.memory_space<vmem>>
      %dma_wait3A_977 = arith.constant 0 : i32
      %dma_wait3A_978 = tpu.memref_slice %arg5[%dma_wait3A_977, %multiple_of3A_510] : memref<32x1000000xf32, #tpu.memory_space<hbm>> -> memref<32x128xf32, #tpu.memory_space<hbm>>
      %dma_wait3A_979 = arith.constant 0 : i32
      %dma_wait3A_980 = arith.constant 0 : i32
      %dma_wait3A_981 = tpu.memref_slice %arg10[%dma_wait3A_971, %dma_wait3A_972, %dma_wait3A_979, %dma_wait3A_980] : memref<2x4x32x128xf32, #tpu.memory_space<vmem>> -> memref<1x1x32x128xf32, #tpu.memory_space<vmem>>
      %dma_wait3A_982 = tpu.memref_squeeze %dma_wait3A_981 : memref<1x1x32x128xf32, #tpu.memory_space<vmem>> -> memref<32x128xf32, #tpu.memory_space<vmem>>
      %dma_wait3A_983 = arith.constant 0 : i32
      %dma_wait3A_984 = tpu.memref_slice %arg5[%dma_wait3A_983, %multiple_of3A_510] : memref<32x1000000xf32, #tpu.memory_space<hbm>> -> memref<32x128xf32, #tpu.memory_space<hbm>>
      tpu.wait_dma2 semaphore(%arg14 : memref<!tpu.dma_semaphore, #tpu.memory_space<semaphore_mem>>) src(%dma_wait3A_984 : memref<32x128xf32, #tpu.memory_space<hbm>>) dst(%dma_wait3A_982 : memref<32x128xf32, #tpu.memory_space<vmem>>)
      %dma_wait3A_985 = arith.constant 0 : i32
      %dma_wait3A_986 = arith.constant 1 : i32
      %dma_wait3A_987 = arith.constant 0 : i32
      %dma_wait3A_988 = arith.constant 0 : i32
      %dma_wait3A_989 = tpu.memref_slice %arg9[%dma_wait3A_985, %dma_wait3A_986, %dma_wait3A_987, %dma_wait3A_988] : memref<2x4x32x128xf32, #tpu.memory_space<vmem>> -> memref<1x1x32x128xf32, #tpu.memory_space<vmem>>
      %dma_wait3A_990 = tpu.memref_squeeze %dma_wait3A_989 : memref<1x1x32x128xf32, #tpu.memory_space<vmem>> -> memref<32x128xf32, #tpu.memory_space<vmem>>
      %dma_wait3A_991 = arith.constant 0 : i32
      %dma_wait3A_992 = tpu.memref_slice %arg4[%dma_wait3A_991, %multiple_of3A_527] : memref<32x1000000xf32, #tpu.memory_space<hbm>> -> memref<32x128xf32, #tpu.memory_space<hbm>>
      %dma_wait3A_993 = arith.constant 0 : i32
      %dma_wait3A_994 = arith.constant 0 : i32
      %dma_wait3A_995 = tpu.memref_slice %arg9[%dma_wait3A_985, %dma_wait3A_986, %dma_wait3A_993, %dma_wait3A_994] : memref<2x4x32x128xf32, #tpu.memory_space<vmem>> -> memref<1x1x32x128xf32, #tpu.memory_space<vmem>>
      %dma_wait3A_996 = tpu.memref_squeeze %dma_wait3A_995 : memref<1x1x32x128xf32, #tpu.memory_space<vmem>> -> memref<32x128xf32, #tpu.memory_space<vmem>>
      %dma_wait3A_997 = arith.constant 0 : i32
      %dma_wait3A_998 = tpu.memref_slice %arg4[%dma_wait3A_997, %multiple_of3A_527] : memref<32x1000000xf32, #tpu.memory_space<hbm>> -> memref<32x128xf32, #tpu.memory_space<hbm>>
      tpu.wait_dma2 semaphore(%arg14 : memref<!tpu.dma_semaphore, #tpu.memory_space<semaphore_mem>>) src(%dma_wait3A_998 : memref<32x128xf32, #tpu.memory_space<hbm>>) dst(%dma_wait3A_996 : memref<32x128xf32, #tpu.memory_space<vmem>>)
      %dma_wait3A_999 = arith.constant 0 : i32
      %dma_wait3A_1000 = arith.constant 1 : i32
      %dma_wait3A_1001 = arith.constant 0 : i32
      %dma_wait3A_1002 = arith.constant 0 : i32
      %dma_wait3A_1003 = tpu.memref_slice %arg10[%dma_wait3A_999, %dma_wait3A_1000, %dma_wait3A_1001, %dma_wait3A_1002] : memref<2x4x32x128xf32, #tpu.memory_space<vmem>> -> memref<1x1x32x128xf32, #tpu.memory_space<vmem>>
      %dma_wait3A_1004 = tpu.memref_squeeze %dma_wait3A_1003 : memref<1x1x32x128xf32, #tpu.memory_space<vmem>> -> memref<32x128xf32, #tpu.memory_space<vmem>>
      %dma_wait3A_1005 = arith.constant 0 : i32
      %dma_wait3A_1006 = tpu.memref_slice %arg5[%dma_wait3A_1005, %multiple_of3A_544] : memref<32x1000000xf32, #tpu.memory_space<hbm>> -> memref<32x128xf32, #tpu.memory_space<hbm>>
      %dma_wait3A_1007 = arith.constant 0 : i32
      %dma_wait3A_1008 = arith.constant 0 : i32
      %dma_wait3A_1009 = tpu.memref_slice %arg10[%dma_wait3A_999, %dma_wait3A_1000, %dma_wait3A_1007, %dma_wait3A_1008] : memref<2x4x32x128xf32, #tpu.memory_space<vmem>> -> memref<1x1x32x128xf32, #tpu.memory_space<vmem>>
      %dma_wait3A_1010 = tpu.memref_squeeze %dma_wait3A_1009 : memref<1x1x32x128xf32, #tpu.memory_space<vmem>> -> memref<32x128xf32, #tpu.memory_space<vmem>>
      %dma_wait3A_1011 = arith.constant 0 : i32
      %dma_wait3A_1012 = tpu.memref_slice %arg5[%dma_wait3A_1011, %multiple_of3A_544] : memref<32x1000000xf32, #tpu.memory_space<hbm>> -> memref<32x128xf32, #tpu.memory_space<hbm>>
      tpu.wait_dma2 semaphore(%arg14 : memref<!tpu.dma_semaphore, #tpu.memory_space<semaphore_mem>>) src(%dma_wait3A_1012 : memref<32x128xf32, #tpu.memory_space<hbm>>) dst(%dma_wait3A_1010 : memref<32x128xf32, #tpu.memory_space<vmem>>)
      %dma_wait3A_1013 = arith.constant 0 : i32
      %dma_wait3A_1014 = arith.constant 2 : i32
      %dma_wait3A_1015 = arith.constant 0 : i32
      %dma_wait3A_1016 = arith.constant 0 : i32
      %dma_wait3A_1017 = tpu.memref_slice %arg9[%dma_wait3A_1013, %dma_wait3A_1014, %dma_wait3A_1015, %dma_wait3A_1016] : memref<2x4x32x128xf32, #tpu.memory_space<vmem>> -> memref<1x1x32x128xf32, #tpu.memory_space<vmem>>
      %dma_wait3A_1018 = tpu.memref_squeeze %dma_wait3A_1017 : memref<1x1x32x128xf32, #tpu.memory_space<vmem>> -> memref<32x128xf32, #tpu.memory_space<vmem>>
      %dma_wait3A_1019 = arith.constant 0 : i32
      %dma_wait3A_1020 = tpu.memref_slice %arg4[%dma_wait3A_1019, %multiple_of3A_561] : memref<32x1000000xf32, #tpu.memory_space<hbm>> -> memref<32x128xf32, #tpu.memory_space<hbm>>
      %dma_wait3A_1021 = arith.constant 0 : i32
      %dma_wait3A_1022 = arith.constant 0 : i32
      %dma_wait3A_1023 = tpu.memref_slice %arg9[%dma_wait3A_1013, %dma_wait3A_1014, %dma_wait3A_1021, %dma_wait3A_1022] : memref<2x4x32x128xf32, #tpu.memory_space<vmem>> -> memref<1x1x32x128xf32, #tpu.memory_space<vmem>>
      %dma_wait3A_1024 = tpu.memref_squeeze %dma_wait3A_1023 : memref<1x1x32x128xf32, #tpu.memory_space<vmem>> -> memref<32x128xf32, #tpu.memory_space<vmem>>
      %dma_wait3A_1025 = arith.constant 0 : i32
      %dma_wait3A_1026 = tpu.memref_slice %arg4[%dma_wait3A_1025, %multiple_of3A_561] : memref<32x1000000xf32, #tpu.memory_space<hbm>> -> memref<32x128xf32, #tpu.memory_space<hbm>>
      tpu.wait_dma2 semaphore(%arg14 : memref<!tpu.dma_semaphore, #tpu.memory_space<semaphore_mem>>) src(%dma_wait3A_1026 : memref<32x128xf32, #tpu.memory_space<hbm>>) dst(%dma_wait3A_1024 : memref<32x128xf32, #tpu.memory_space<vmem>>)
      %dma_wait3A_1027 = arith.constant 0 : i32
      %dma_wait3A_1028 = arith.constant 2 : i32
      %dma_wait3A_1029 = arith.constant 0 : i32
      %dma_wait3A_1030 = arith.constant 0 : i32
      %dma_wait3A_1031 = tpu.memref_slice %arg10[%dma_wait3A_1027, %dma_wait3A_1028, %dma_wait3A_1029, %dma_wait3A_1030] : memref<2x4x32x128xf32, #tpu.memory_space<vmem>> -> memref<1x1x32x128xf32, #tpu.memory_space<vmem>>
      %dma_wait3A_1032 = tpu.memref_squeeze %dma_wait3A_1031 : memref<1x1x32x128xf32, #tpu.memory_space<vmem>> -> memref<32x128xf32, #tpu.memory_space<vmem>>
      %dma_wait3A_1033 = arith.constant 0 : i32
      %dma_wait3A_1034 = tpu.memref_slice %arg5[%dma_wait3A_1033, %multiple_of3A_578] : memref<32x1000000xf32, #tpu.memory_space<hbm>> -> memref<32x128xf32, #tpu.memory_space<hbm>>
      %dma_wait3A_1035 = arith.constant 0 : i32
      %dma_wait3A_1036 = arith.constant 0 : i32
      %dma_wait3A_1037 = tpu.memref_slice %arg10[%dma_wait3A_1027, %dma_wait3A_1028, %dma_wait3A_1035, %dma_wait3A_1036] : memref<2x4x32x128xf32, #tpu.memory_space<vmem>> -> memref<1x1x32x128xf32, #tpu.memory_space<vmem>>
      %dma_wait3A_1038 = tpu.memref_squeeze %dma_wait3A_1037 : memref<1x1x32x128xf32, #tpu.memory_space<vmem>> -> memref<32x128xf32, #tpu.memory_space<vmem>>
      %dma_wait3A_1039 = arith.constant 0 : i32
      %dma_wait3A_1040 = tpu.memref_slice %arg5[%dma_wait3A_1039, %multiple_of3A_578] : memref<32x1000000xf32, #tpu.memory_space<hbm>> -> memref<32x128xf32, #tpu.memory_space<hbm>>
      tpu.wait_dma2 semaphore(%arg14 : memref<!tpu.dma_semaphore, #tpu.memory_space<semaphore_mem>>) src(%dma_wait3A_1040 : memref<32x128xf32, #tpu.memory_space<hbm>>) dst(%dma_wait3A_1038 : memref<32x128xf32, #tpu.memory_space<vmem>>)
      %dma_wait3A_1041 = arith.constant 0 : i32
      %dma_wait3A_1042 = arith.constant 3 : i32
      %dma_wait3A_1043 = arith.constant 0 : i32
      %dma_wait3A_1044 = arith.constant 0 : i32
      %dma_wait3A_1045 = tpu.memref_slice %arg9[%dma_wait3A_1041, %dma_wait3A_1042, %dma_wait3A_1043, %dma_wait3A_1044] : memref<2x4x32x128xf32, #tpu.memory_space<vmem>> -> memref<1x1x32x128xf32, #tpu.memory_space<vmem>>
      %dma_wait3A_1046 = tpu.memref_squeeze %dma_wait3A_1045 : memref<1x1x32x128xf32, #tpu.memory_space<vmem>> -> memref<32x128xf32, #tpu.memory_space<vmem>>
      %dma_wait3A_1047 = arith.constant 0 : i32
      %dma_wait3A_1048 = tpu.memref_slice %arg4[%dma_wait3A_1047, %multiple_of3A_595] : memref<32x1000000xf32, #tpu.memory_space<hbm>> -> memref<32x128xf32, #tpu.memory_space<hbm>>
      %dma_wait3A_1049 = arith.constant 0 : i32
      %dma_wait3A_1050 = arith.constant 0 : i32
      %dma_wait3A_1051 = tpu.memref_slice %arg9[%dma_wait3A_1041, %dma_wait3A_1042, %dma_wait3A_1049, %dma_wait3A_1050] : memref<2x4x32x128xf32, #tpu.memory_space<vmem>> -> memref<1x1x32x128xf32, #tpu.memory_space<vmem>>
      %dma_wait3A_1052 = tpu.memref_squeeze %dma_wait3A_1051 : memref<1x1x32x128xf32, #tpu.memory_space<vmem>> -> memref<32x128xf32, #tpu.memory_space<vmem>>
      %dma_wait3A_1053 = arith.constant 0 : i32
      %dma_wait3A_1054 = tpu.memref_slice %arg4[%dma_wait3A_1053, %multiple_of3A_595] : memref<32x1000000xf32, #tpu.memory_space<hbm>> -> memref<32x128xf32, #tpu.memory_space<hbm>>
      tpu.wait_dma2 semaphore(%arg14 : memref<!tpu.dma_semaphore, #tpu.memory_space<semaphore_mem>>) src(%dma_wait3A_1054 : memref<32x128xf32, #tpu.memory_space<hbm>>) dst(%dma_wait3A_1052 : memref<32x128xf32, #tpu.memory_space<vmem>>)
      %dma_wait3A_1055 = arith.constant 0 : i32
      %dma_wait3A_1056 = arith.constant 3 : i32
      %dma_wait3A_1057 = arith.constant 0 : i32
      %dma_wait3A_1058 = arith.constant 0 : i32
      %dma_wait3A_1059 = tpu.memref_slice %arg10[%dma_wait3A_1055, %dma_wait3A_1056, %dma_wait3A_1057, %dma_wait3A_1058] : memref<2x4x32x128xf32, #tpu.memory_space<vmem>> -> memref<1x1x32x128xf32, #tpu.memory_space<vmem>>
      %dma_wait3A_1060 = tpu.memref_squeeze %dma_wait3A_1059 : memref<1x1x32x128xf32, #tpu.memory_space<vmem>> -> memref<32x128xf32, #tpu.memory_space<vmem>>
      %dma_wait3A_1061 = arith.constant 0 : i32
      %dma_wait3A_1062 = tpu.memref_slice %arg5[%dma_wait3A_1061, %multiple_of3A_612] : memref<32x1000000xf32, #tpu.memory_space<hbm>> -> memref<32x128xf32, #tpu.memory_space<hbm>>
      %dma_wait3A_1063 = arith.constant 0 : i32
      %dma_wait3A_1064 = arith.constant 0 : i32
      %dma_wait3A_1065 = tpu.memref_slice %arg10[%dma_wait3A_1055, %dma_wait3A_1056, %dma_wait3A_1063, %dma_wait3A_1064] : memref<2x4x32x128xf32, #tpu.memory_space<vmem>> -> memref<1x1x32x128xf32, #tpu.memory_space<vmem>>
      %dma_wait3A_1066 = tpu.memref_squeeze %dma_wait3A_1065 : memref<1x1x32x128xf32, #tpu.memory_space<vmem>> -> memref<32x128xf32, #tpu.memory_space<vmem>>
      %dma_wait3A_1067 = arith.constant 0 : i32
      %dma_wait3A_1068 = tpu.memref_slice %arg5[%dma_wait3A_1067, %multiple_of3A_612] : memref<32x1000000xf32, #tpu.memory_space<hbm>> -> memref<32x128xf32, #tpu.memory_space<hbm>>
      tpu.wait_dma2 semaphore(%arg14 : memref<!tpu.dma_semaphore, #tpu.memory_space<semaphore_mem>>) src(%dma_wait3A_1068 : memref<32x128xf32, #tpu.memory_space<hbm>>) dst(%dma_wait3A_1066 : memref<32x128xf32, #tpu.memory_space<vmem>>)
      %broadcast_in_dim3A_1069 = arith.constant 0 : i32
      %broadcast_in_dim3A_1070 = vector.broadcast %broadcast_in_dim3A_1069 : i32 to vector<16xi32>
      %broadcast_in_dim3A_1071 = arith.constant 0 : i32
      %broadcast_in_dim3A_1072 = vector.broadcast %broadcast_in_dim3A_1071 : i32 to vector<16xi32>
      %broadcast_in_dim3A_1073 = arith.constant 0 : i32
      %broadcast_in_dim3A_1074 = vector.broadcast %broadcast_in_dim3A_1073 : i32 to vector<16xi32>
      %slice3A_1075 = vector.extract_strided_slice %and3A_28 {offsets = [8], sizes = [1], strides = [1]} : vector<16xi32> to vector<1xi32>
      %squeeze3A_1076 = vector.extract %slice3A_1075[0] : i32 from vector<1xi32>
      %add3A_1077 = vector.broadcast %squeeze3A_1076 : i32 to vector<16xi32>
      %add3A_1078 = arith.addi %broadcast_in_dim3A_1074, %add3A_1077 : vector<16xi32>
      %broadcast_in_dim3A_1079 = arith.constant 0 : i32
      %broadcast_in_dim3A_1080 = vector.broadcast %broadcast_in_dim3A_1079 : i32 to vector<16xi32>
      %slice3A_1081 = vector.extract_strided_slice %and3A_31 {offsets = [8], sizes = [1], strides = [1]} : vector<16xi32> to vector<1xi32>
      %squeeze3A_1082 = vector.extract %slice3A_1081[0] : i32 from vector<1xi32>
      %add3A_1083 = vector.broadcast %squeeze3A_1082 : i32 to vector<16xi32>
      %add3A_1084 = arith.addi %broadcast_in_dim3A_1080, %add3A_1083 : vector<16xi32>
      %broadcast_in_dim3A_1085 = arith.constant 8 : i32
      %broadcast_in_dim3A_1086 = vector.broadcast %broadcast_in_dim3A_1085 : i32 to vector<16xi32>
      %gather3A_1087 = tpu.vector_load_idx %arg9[%broadcast_in_dim3A_1070, %broadcast_in_dim3A_1072, %iota3A, %add3A_1078] : memref<2x4x32x128xf32, #tpu.memory_space<vmem>>[vector<16xi32>, vector<16xi32>, vector<16xi32>, vector<16xi32>], vector<16xf32>,
      tpu.vector_store_idx %arg11[%iota3A, %broadcast_in_dim3A_1086], %gather3A_1087 : memref<32x16xf32, #tpu.memory_space<vmem>>[vector<16xi32>, vector<16xi32>], vector<16xf32>,
      %gather3A_1088 = tpu.vector_load_idx %arg10[%broadcast_in_dim3A_1070, %broadcast_in_dim3A_1072, %iota3A, %add3A_1084] : memref<2x4x32x128xf32, #tpu.memory_space<vmem>>[vector<16xi32>, vector<16xi32>, vector<16xi32>, vector<16xi32>], vector<16xf32>,
      tpu.vector_store_idx %arg12[%iota3A, %broadcast_in_dim3A_1086], %gather3A_1088 : memref<32x16xf32, #tpu.memory_space<vmem>>[vector<16xi32>, vector<16xi32>], vector<16xf32>,
      %gather3A_1089 = tpu.vector_load_idx %arg9[%broadcast_in_dim3A_1070, %broadcast_in_dim3A_1072, %add3A_5, %add3A_1078] : memref<2x4x32x128xf32, #tpu.memory_space<vmem>>[vector<16xi32>, vector<16xi32>, vector<16xi32>, vector<16xi32>], vector<16xf32>,
      tpu.vector_store_idx %arg11[%add3A_5, %broadcast_in_dim3A_1086], %gather3A_1089 : memref<32x16xf32, #tpu.memory_space<vmem>>[vector<16xi32>, vector<16xi32>], vector<16xf32>,
      %gather3A_1090 = tpu.vector_load_idx %arg10[%broadcast_in_dim3A_1070, %broadcast_in_dim3A_1072, %add3A_5, %add3A_1084] : memref<2x4x32x128xf32, #tpu.memory_space<vmem>>[vector<16xi32>, vector<16xi32>, vector<16xi32>, vector<16xi32>], vector<16xf32>,
      tpu.vector_store_idx %arg12[%add3A_5, %broadcast_in_dim3A_1086], %gather3A_1090 : memref<32x16xf32, #tpu.memory_space<vmem>>[vector<16xi32>, vector<16xi32>], vector<16xf32>,
      %broadcast_in_dim3A_1091 = arith.constant 1 : i32
      %broadcast_in_dim3A_1092 = vector.broadcast %broadcast_in_dim3A_1091 : i32 to vector<16xi32>
      %broadcast_in_dim3A_1093 = arith.constant 0 : i32
      %broadcast_in_dim3A_1094 = vector.broadcast %broadcast_in_dim3A_1093 : i32 to vector<16xi32>
      %slice3A_1095 = vector.extract_strided_slice %and3A_28 {offsets = [9], sizes = [1], strides = [1]} : vector<16xi32> to vector<1xi32>
      %squeeze3A_1096 = vector.extract %slice3A_1095[0] : i32 from vector<1xi32>
      %add3A_1097 = vector.broadcast %squeeze3A_1096 : i32 to vector<16xi32>
      %add3A_1098 = arith.addi %broadcast_in_dim3A_1094, %add3A_1097 : vector<16xi32>
      %broadcast_in_dim3A_1099 = arith.constant 0 : i32
      %broadcast_in_dim3A_1100 = vector.broadcast %broadcast_in_dim3A_1099 : i32 to vector<16xi32>
      %slice3A_1101 = vector.extract_strided_slice %and3A_31 {offsets = [9], sizes = [1], strides = [1]} : vector<16xi32> to vector<1xi32>
      %squeeze3A_1102 = vector.extract %slice3A_1101[0] : i32 from vector<1xi32>
      %add3A_1103 = vector.broadcast %squeeze3A_1102 : i32 to vector<16xi32>
      %add3A_1104 = arith.addi %broadcast_in_dim3A_1100, %add3A_1103 : vector<16xi32>
      %broadcast_in_dim3A_1105 = arith.constant 9 : i32
      %broadcast_in_dim3A_1106 = vector.broadcast %broadcast_in_dim3A_1105 : i32 to vector<16xi32>
      %gather3A_1107 = tpu.vector_load_idx %arg9[%broadcast_in_dim3A_1070, %broadcast_in_dim3A_1092, %iota3A, %add3A_1098] : memref<2x4x32x128xf32, #tpu.memory_space<vmem>>[vector<16xi32>, vector<16xi32>, vector<16xi32>, vector<16xi32>], vector<16xf32>,
      tpu.vector_store_idx %arg11[%iota3A, %broadcast_in_dim3A_1106], %gather3A_1107 : memref<32x16xf32, #tpu.memory_space<vmem>>[vector<16xi32>, vector<16xi32>], vector<16xf32>,
      %gather3A_1108 = tpu.vector_load_idx %arg10[%broadcast_in_dim3A_1070, %broadcast_in_dim3A_1092, %iota3A, %add3A_1104] : memref<2x4x32x128xf32, #tpu.memory_space<vmem>>[vector<16xi32>, vector<16xi32>, vector<16xi32>, vector<16xi32>], vector<16xf32>,
      tpu.vector_store_idx %arg12[%iota3A, %broadcast_in_dim3A_1106], %gather3A_1108 : memref<32x16xf32, #tpu.memory_space<vmem>>[vector<16xi32>, vector<16xi32>], vector<16xf32>,
      %gather3A_1109 = tpu.vector_load_idx %arg9[%broadcast_in_dim3A_1070, %broadcast_in_dim3A_1092, %add3A_5, %add3A_1098] : memref<2x4x32x128xf32, #tpu.memory_space<vmem>>[vector<16xi32>, vector<16xi32>, vector<16xi32>, vector<16xi32>], vector<16xf32>,
      tpu.vector_store_idx %arg11[%add3A_5, %broadcast_in_dim3A_1106], %gather3A_1109 : memref<32x16xf32, #tpu.memory_space<vmem>>[vector<16xi32>, vector<16xi32>], vector<16xf32>,
      %gather3A_1110 = tpu.vector_load_idx %arg10[%broadcast_in_dim3A_1070, %broadcast_in_dim3A_1092, %add3A_5, %add3A_1104] : memref<2x4x32x128xf32, #tpu.memory_space<vmem>>[vector<16xi32>, vector<16xi32>, vector<16xi32>, vector<16xi32>], vector<16xf32>,
      tpu.vector_store_idx %arg12[%add3A_5, %broadcast_in_dim3A_1106], %gather3A_1110 : memref<32x16xf32, #tpu.memory_space<vmem>>[vector<16xi32>, vector<16xi32>], vector<16xf32>,
      %broadcast_in_dim3A_1111 = arith.constant 2 : i32
      %broadcast_in_dim3A_1112 = vector.broadcast %broadcast_in_dim3A_1111 : i32 to vector<16xi32>
      %broadcast_in_dim3A_1113 = arith.constant 0 : i32
      %broadcast_in_dim3A_1114 = vector.broadcast %broadcast_in_dim3A_1113 : i32 to vector<16xi32>
      %slice3A_1115 = vector.extract_strided_slice %and3A_28 {offsets = [10], sizes = [1], strides = [1]} : vector<16xi32> to vector<1xi32>
      %squeeze3A_1116 = vector.extract %slice3A_1115[0] : i32 from vector<1xi32>
      %add3A_1117 = vector.broadcast %squeeze3A_1116 : i32 to vector<16xi32>
      %add3A_1118 = arith.addi %broadcast_in_dim3A_1114, %add3A_1117 : vector<16xi32>
      %broadcast_in_dim3A_1119 = arith.constant 0 : i32
      %broadcast_in_dim3A_1120 = vector.broadcast %broadcast_in_dim3A_1119 : i32 to vector<16xi32>
      %slice3A_1121 = vector.extract_strided_slice %and3A_31 {offsets = [10], sizes = [1], strides = [1]} : vector<16xi32> to vector<1xi32>
      %squeeze3A_1122 = vector.extract %slice3A_1121[0] : i32 from vector<1xi32>
      %add3A_1123 = vector.broadcast %squeeze3A_1122 : i32 to vector<16xi32>
      %add3A_1124 = arith.addi %broadcast_in_dim3A_1120, %add3A_1123 : vector<16xi32>
      %broadcast_in_dim3A_1125 = arith.constant 10 : i32
      %broadcast_in_dim3A_1126 = vector.broadcast %broadcast_in_dim3A_1125 : i32 to vector<16xi32>
      %gather3A_1127 = tpu.vector_load_idx %arg9[%broadcast_in_dim3A_1070, %broadcast_in_dim3A_1112, %iota3A, %add3A_1118] : memref<2x4x32x128xf32, #tpu.memory_space<vmem>>[vector<16xi32>, vector<16xi32>, vector<16xi32>, vector<16xi32>], vector<16xf32>,
      tpu.vector_store_idx %arg11[%iota3A, %broadcast_in_dim3A_1126], %gather3A_1127 : memref<32x16xf32, #tpu.memory_space<vmem>>[vector<16xi32>, vector<16xi32>], vector<16xf32>,
      %gather3A_1128 = tpu.vector_load_idx %arg10[%broadcast_in_dim3A_1070, %broadcast_in_dim3A_1112, %iota3A, %add3A_1124] : memref<2x4x32x128xf32, #tpu.memory_space<vmem>>[vector<16xi32>, vector<16xi32>, vector<16xi32>, vector<16xi32>], vector<16xf32>,
      tpu.vector_store_idx %arg12[%iota3A, %broadcast_in_dim3A_1126], %gather3A_1128 : memref<32x16xf32, #tpu.memory_space<vmem>>[vector<16xi32>, vector<16xi32>], vector<16xf32>,
      %gather3A_1129 = tpu.vector_load_idx %arg9[%broadcast_in_dim3A_1070, %broadcast_in_dim3A_1112, %add3A_5, %add3A_1118] : memref<2x4x32x128xf32, #tpu.memory_space<vmem>>[vector<16xi32>, vector<16xi32>, vector<16xi32>, vector<16xi32>], vector<16xf32>,
      tpu.vector_store_idx %arg11[%add3A_5, %broadcast_in_dim3A_1126], %gather3A_1129 : memref<32x16xf32, #tpu.memory_space<vmem>>[vector<16xi32>, vector<16xi32>], vector<16xf32>,
      %gather3A_1130 = tpu.vector_load_idx %arg10[%broadcast_in_dim3A_1070, %broadcast_in_dim3A_1112, %add3A_5, %add3A_1124] : memref<2x4x32x128xf32, #tpu.memory_space<vmem>>[vector<16xi32>, vector<16xi32>, vector<16xi32>, vector<16xi32>], vector<16xf32>,
      tpu.vector_store_idx %arg12[%add3A_5, %broadcast_in_dim3A_1126], %gather3A_1130 : memref<32x16xf32, #tpu.memory_space<vmem>>[vector<16xi32>, vector<16xi32>], vector<16xf32>,
      %broadcast_in_dim3A_1131 = arith.constant 3 : i32
      %broadcast_in_dim3A_1132 = vector.broadcast %broadcast_in_dim3A_1131 : i32 to vector<16xi32>
      %broadcast_in_dim3A_1133 = arith.constant 0 : i32
      %broadcast_in_dim3A_1134 = vector.broadcast %broadcast_in_dim3A_1133 : i32 to vector<16xi32>
      %slice3A_1135 = vector.extract_strided_slice %and3A_28 {offsets = [11], sizes = [1], strides = [1]} : vector<16xi32> to vector<1xi32>
      %squeeze3A_1136 = vector.extract %slice3A_1135[0] : i32 from vector<1xi32>
      %add3A_1137 = vector.broadcast %squeeze3A_1136 : i32 to vector<16xi32>
      %add3A_1138 = arith.addi %broadcast_in_dim3A_1134, %add3A_1137 : vector<16xi32>
      %broadcast_in_dim3A_1139 = arith.constant 0 : i32
      %broadcast_in_dim3A_1140 = vector.broadcast %broadcast_in_dim3A_1139 : i32 to vector<16xi32>
      %slice3A_1141 = vector.extract_strided_slice %and3A_31 {offsets = [11], sizes = [1], strides = [1]} : vector<16xi32> to vector<1xi32>
      %squeeze3A_1142 = vector.extract %slice3A_1141[0] : i32 from vector<1xi32>
      %add3A_1143 = vector.broadcast %squeeze3A_1142 : i32 to vector<16xi32>
      %add3A_1144 = arith.addi %broadcast_in_dim3A_1140, %add3A_1143 : vector<16xi32>
      %broadcast_in_dim3A_1145 = arith.constant 11 : i32
      %broadcast_in_dim3A_1146 = vector.broadcast %broadcast_in_dim3A_1145 : i32 to vector<16xi32>
      %gather3A_1147 = tpu.vector_load_idx %arg9[%broadcast_in_dim3A_1070, %broadcast_in_dim3A_1132, %iota3A, %add3A_1138] : memref<2x4x32x128xf32, #tpu.memory_space<vmem>>[vector<16xi32>, vector<16xi32>, vector<16xi32>, vector<16xi32>], vector<16xf32>,
      tpu.vector_store_idx %arg11[%iota3A, %broadcast_in_dim3A_1146], %gather3A_1147 : memref<32x16xf32, #tpu.memory_space<vmem>>[vector<16xi32>, vector<16xi32>], vector<16xf32>,
      %gather3A_1148 = tpu.vector_load_idx %arg10[%broadcast_in_dim3A_1070, %broadcast_in_dim3A_1132, %iota3A, %add3A_1144] : memref<2x4x32x128xf32, #tpu.memory_space<vmem>>[vector<16xi32>, vector<16xi32>, vector<16xi32>, vector<16xi32>], vector<16xf32>,
      tpu.vector_store_idx %arg12[%iota3A, %broadcast_in_dim3A_1146], %gather3A_1148 : memref<32x16xf32, #tpu.memory_space<vmem>>[vector<16xi32>, vector<16xi32>], vector<16xf32>,
      %gather3A_1149 = tpu.vector_load_idx %arg9[%broadcast_in_dim3A_1070, %broadcast_in_dim3A_1132, %add3A_5, %add3A_1138] : memref<2x4x32x128xf32, #tpu.memory_space<vmem>>[vector<16xi32>, vector<16xi32>, vector<16xi32>, vector<16xi32>], vector<16xf32>,
      tpu.vector_store_idx %arg11[%add3A_5, %broadcast_in_dim3A_1146], %gather3A_1149 : memref<32x16xf32, #tpu.memory_space<vmem>>[vector<16xi32>, vector<16xi32>], vector<16xf32>,
      %gather3A_1150 = tpu.vector_load_idx %arg10[%broadcast_in_dim3A_1070, %broadcast_in_dim3A_1132, %add3A_5, %add3A_1144] : memref<2x4x32x128xf32, #tpu.memory_space<vmem>>[vector<16xi32>, vector<16xi32>, vector<16xi32>, vector<16xi32>], vector<16xf32>,
      tpu.vector_store_idx %arg12[%add3A_5, %broadcast_in_dim3A_1146], %gather3A_1150 : memref<32x16xf32, #tpu.memory_space<vmem>>[vector<16xi32>, vector<16xi32>], vector<16xf32>,
      %dma_wait3A_1151 = arith.constant 1 : i32
      %dma_wait3A_1152 = arith.constant 0 : i32
      %dma_wait3A_1153 = arith.constant 0 : i32
      %dma_wait3A_1154 = arith.constant 0 : i32
      %dma_wait3A_1155 = tpu.memref_slice %arg9[%dma_wait3A_1151, %dma_wait3A_1152, %dma_wait3A_1153, %dma_wait3A_1154] : memref<2x4x32x128xf32, #tpu.memory_space<vmem>> -> memref<1x1x32x128xf32, #tpu.memory_space<vmem>>
      %dma_wait3A_1156 = tpu.memref_squeeze %dma_wait3A_1155 : memref<1x1x32x128xf32, #tpu.memory_space<vmem>> -> memref<32x128xf32, #tpu.memory_space<vmem>>
      %dma_wait3A_1157 = arith.constant 0 : i32
      %dma_wait3A_1158 = tpu.memref_slice %arg4[%dma_wait3A_1157, %multiple_of3A_823] : memref<32x1000000xf32, #tpu.memory_space<hbm>> -> memref<32x128xf32, #tpu.memory_space<hbm>>
      %dma_wait3A_1159 = arith.constant 0 : i32
      %dma_wait3A_1160 = arith.constant 0 : i32
      %dma_wait3A_1161 = tpu.memref_slice %arg9[%dma_wait3A_1151, %dma_wait3A_1152, %dma_wait3A_1159, %dma_wait3A_1160] : memref<2x4x32x128xf32, #tpu.memory_space<vmem>> -> memref<1x1x32x128xf32, #tpu.memory_space<vmem>>
      %dma_wait3A_1162 = tpu.memref_squeeze %dma_wait3A_1161 : memref<1x1x32x128xf32, #tpu.memory_space<vmem>> -> memref<32x128xf32, #tpu.memory_space<vmem>>
      %dma_wait3A_1163 = arith.constant 0 : i32
      %dma_wait3A_1164 = tpu.memref_slice %arg4[%dma_wait3A_1163, %multiple_of3A_823] : memref<32x1000000xf32, #tpu.memory_space<hbm>> -> memref<32x128xf32, #tpu.memory_space<hbm>>
      tpu.wait_dma2 semaphore(%arg15 : memref<!tpu.dma_semaphore, #tpu.memory_space<semaphore_mem>>) src(%dma_wait3A_1164 : memref<32x128xf32, #tpu.memory_space<hbm>>) dst(%dma_wait3A_1162 : memref<32x128xf32, #tpu.memory_space<vmem>>)
      %dma_wait3A_1165 = arith.constant 1 : i32
      %dma_wait3A_1166 = arith.constant 0 : i32
      %dma_wait3A_1167 = arith.constant 0 : i32
      %dma_wait3A_1168 = arith.constant 0 : i32
      %dma_wait3A_1169 = tpu.memref_slice %arg10[%dma_wait3A_1165, %dma_wait3A_1166, %dma_wait3A_1167, %dma_wait3A_1168] : memref<2x4x32x128xf32, #tpu.memory_space<vmem>> -> memref<1x1x32x128xf32, #tpu.memory_space<vmem>>
      %dma_wait3A_1170 = tpu.memref_squeeze %dma_wait3A_1169 : memref<1x1x32x128xf32, #tpu.memory_space<vmem>> -> memref<32x128xf32, #tpu.memory_space<vmem>>
      %dma_wait3A_1171 = arith.constant 0 : i32
      %dma_wait3A_1172 = tpu.memref_slice %arg5[%dma_wait3A_1171, %multiple_of3A_840] : memref<32x1000000xf32, #tpu.memory_space<hbm>> -> memref<32x128xf32, #tpu.memory_space<hbm>>
      %dma_wait3A_1173 = arith.constant 0 : i32
      %dma_wait3A_1174 = arith.constant 0 : i32
      %dma_wait3A_1175 = tpu.memref_slice %arg10[%dma_wait3A_1165, %dma_wait3A_1166, %dma_wait3A_1173, %dma_wait3A_1174] : memref<2x4x32x128xf32, #tpu.memory_space<vmem>> -> memref<1x1x32x128xf32, #tpu.memory_space<vmem>>
      %dma_wait3A_1176 = tpu.memref_squeeze %dma_wait3A_1175 : memref<1x1x32x128xf32, #tpu.memory_space<vmem>> -> memref<32x128xf32, #tpu.memory_space<vmem>>
      %dma_wait3A_1177 = arith.constant 0 : i32
      %dma_wait3A_1178 = tpu.memref_slice %arg5[%dma_wait3A_1177, %multiple_of3A_840] : memref<32x1000000xf32, #tpu.memory_space<hbm>> -> memref<32x128xf32, #tpu.memory_space<hbm>>
      tpu.wait_dma2 semaphore(%arg15 : memref<!tpu.dma_semaphore, #tpu.memory_space<semaphore_mem>>) src(%dma_wait3A_1178 : memref<32x128xf32, #tpu.memory_space<hbm>>) dst(%dma_wait3A_1176 : memref<32x128xf32, #tpu.memory_space<vmem>>)
      %dma_wait3A_1179 = arith.constant 1 : i32
      %dma_wait3A_1180 = arith.constant 1 : i32
      %dma_wait3A_1181 = arith.constant 0 : i32
      %dma_wait3A_1182 = arith.constant 0 : i32
      %dma_wait3A_1183 = tpu.memref_slice %arg9[%dma_wait3A_1179, %dma_wait3A_1180, %dma_wait3A_1181, %dma_wait3A_1182] : memref<2x4x32x128xf32, #tpu.memory_space<vmem>> -> memref<1x1x32x128xf32, #tpu.memory_space<vmem>>
      %dma_wait3A_1184 = tpu.memref_squeeze %dma_wait3A_1183 : memref<1x1x32x128xf32, #tpu.memory_space<vmem>> -> memref<32x128xf32, #tpu.memory_space<vmem>>
      %dma_wait3A_1185 = arith.constant 0 : i32
      %dma_wait3A_1186 = tpu.memref_slice %arg4[%dma_wait3A_1185, %multiple_of3A_857] : memref<32x1000000xf32, #tpu.memory_space<hbm>> -> memref<32x128xf32, #tpu.memory_space<hbm>>
      %dma_wait3A_1187 = arith.constant 0 : i32
      %dma_wait3A_1188 = arith.constant 0 : i32
      %dma_wait3A_1189 = tpu.memref_slice %arg9[%dma_wait3A_1179, %dma_wait3A_1180, %dma_wait3A_1187, %dma_wait3A_1188] : memref<2x4x32x128xf32, #tpu.memory_space<vmem>> -> memref<1x1x32x128xf32, #tpu.memory_space<vmem>>
      %dma_wait3A_1190 = tpu.memref_squeeze %dma_wait3A_1189 : memref<1x1x32x128xf32, #tpu.memory_space<vmem>> -> memref<32x128xf32, #tpu.memory_space<vmem>>
      %dma_wait3A_1191 = arith.constant 0 : i32
      %dma_wait3A_1192 = tpu.memref_slice %arg4[%dma_wait3A_1191, %multiple_of3A_857] : memref<32x1000000xf32, #tpu.memory_space<hbm>> -> memref<32x128xf32, #tpu.memory_space<hbm>>
      tpu.wait_dma2 semaphore(%arg15 : memref<!tpu.dma_semaphore, #tpu.memory_space<semaphore_mem>>) src(%dma_wait3A_1192 : memref<32x128xf32, #tpu.memory_space<hbm>>) dst(%dma_wait3A_1190 : memref<32x128xf32, #tpu.memory_space<vmem>>)
      %dma_wait3A_1193 = arith.constant 1 : i32
      %dma_wait3A_1194 = arith.constant 1 : i32
      %dma_wait3A_1195 = arith.constant 0 : i32
      %dma_wait3A_1196 = arith.constant 0 : i32
      %dma_wait3A_1197 = tpu.memref_slice %arg10[%dma_wait3A_1193, %dma_wait3A_1194, %dma_wait3A_1195, %dma_wait3A_1196] : memref<2x4x32x128xf32, #tpu.memory_space<vmem>> -> memref<1x1x32x128xf32, #tpu.memory_space<vmem>>
      %dma_wait3A_1198 = tpu.memref_squeeze %dma_wait3A_1197 : memref<1x1x32x128xf32, #tpu.memory_space<vmem>> -> memref<32x128xf32, #tpu.memory_space<vmem>>
      %dma_wait3A_1199 = arith.constant 0 : i32
      %dma_wait3A_1200 = tpu.memref_slice %arg5[%dma_wait3A_1199, %multiple_of3A_874] : memref<32x1000000xf32, #tpu.memory_space<hbm>> -> memref<32x128xf32, #tpu.memory_space<hbm>>
      %dma_wait3A_1201 = arith.constant 0 : i32
      %dma_wait3A_1202 = arith.constant 0 : i32
      %dma_wait3A_1203 = tpu.memref_slice %arg10[%dma_wait3A_1193, %dma_wait3A_1194, %dma_wait3A_1201, %dma_wait3A_1202] : memref<2x4x32x128xf32, #tpu.memory_space<vmem>> -> memref<1x1x32x128xf32, #tpu.memory_space<vmem>>
      %dma_wait3A_1204 = tpu.memref_squeeze %dma_wait3A_1203 : memref<1x1x32x128xf32, #tpu.memory_space<vmem>> -> memref<32x128xf32, #tpu.memory_space<vmem>>
      %dma_wait3A_1205 = arith.constant 0 : i32
      %dma_wait3A_1206 = tpu.memref_slice %arg5[%dma_wait3A_1205, %multiple_of3A_874] : memref<32x1000000xf32, #tpu.memory_space<hbm>> -> memref<32x128xf32, #tpu.memory_space<hbm>>
      tpu.wait_dma2 semaphore(%arg15 : memref<!tpu.dma_semaphore, #tpu.memory_space<semaphore_mem>>) src(%dma_wait3A_1206 : memref<32x128xf32, #tpu.memory_space<hbm>>) dst(%dma_wait3A_1204 : memref<32x128xf32, #tpu.memory_space<vmem>>)
      %dma_wait3A_1207 = arith.constant 1 : i32
      %dma_wait3A_1208 = arith.constant 2 : i32
      %dma_wait3A_1209 = arith.constant 0 : i32
      %dma_wait3A_1210 = arith.constant 0 : i32
      %dma_wait3A_1211 = tpu.memref_slice %arg9[%dma_wait3A_1207, %dma_wait3A_1208, %dma_wait3A_1209, %dma_wait3A_1210] : memref<2x4x32x128xf32, #tpu.memory_space<vmem>> -> memref<1x1x32x128xf32, #tpu.memory_space<vmem>>
      %dma_wait3A_1212 = tpu.memref_squeeze %dma_wait3A_1211 : memref<1x1x32x128xf32, #tpu.memory_space<vmem>> -> memref<32x128xf32, #tpu.memory_space<vmem>>
      %dma_wait3A_1213 = arith.constant 0 : i32
      %dma_wait3A_1214 = tpu.memref_slice %arg4[%dma_wait3A_1213, %multiple_of3A_891] : memref<32x1000000xf32, #tpu.memory_space<hbm>> -> memref<32x128xf32, #tpu.memory_space<hbm>>
      %dma_wait3A_1215 = arith.constant 0 : i32
      %dma_wait3A_1216 = arith.constant 0 : i32
      %dma_wait3A_1217 = tpu.memref_slice %arg9[%dma_wait3A_1207, %dma_wait3A_1208, %dma_wait3A_1215, %dma_wait3A_1216] : memref<2x4x32x128xf32, #tpu.memory_space<vmem>> -> memref<1x1x32x128xf32, #tpu.memory_space<vmem>>
      %dma_wait3A_1218 = tpu.memref_squeeze %dma_wait3A_1217 : memref<1x1x32x128xf32, #tpu.memory_space<vmem>> -> memref<32x128xf32, #tpu.memory_space<vmem>>
      %dma_wait3A_1219 = arith.constant 0 : i32
      %dma_wait3A_1220 = tpu.memref_slice %arg4[%dma_wait3A_1219, %multiple_of3A_891] : memref<32x1000000xf32, #tpu.memory_space<hbm>> -> memref<32x128xf32, #tpu.memory_space<hbm>>
      tpu.wait_dma2 semaphore(%arg15 : memref<!tpu.dma_semaphore, #tpu.memory_space<semaphore_mem>>) src(%dma_wait3A_1220 : memref<32x128xf32, #tpu.memory_space<hbm>>) dst(%dma_wait3A_1218 : memref<32x128xf32, #tpu.memory_space<vmem>>)
      %dma_wait3A_1221 = arith.constant 1 : i32
      %dma_wait3A_1222 = arith.constant 2 : i32
      %dma_wait3A_1223 = arith.constant 0 : i32
      %dma_wait3A_1224 = arith.constant 0 : i32
      %dma_wait3A_1225 = tpu.memref_slice %arg10[%dma_wait3A_1221, %dma_wait3A_1222, %dma_wait3A_1223, %dma_wait3A_1224] : memref<2x4x32x128xf32, #tpu.memory_space<vmem>> -> memref<1x1x32x128xf32, #tpu.memory_space<vmem>>
      %dma_wait3A_1226 = tpu.memref_squeeze %dma_wait3A_1225 : memref<1x1x32x128xf32, #tpu.memory_space<vmem>> -> memref<32x128xf32, #tpu.memory_space<vmem>>
      %dma_wait3A_1227 = arith.constant 0 : i32
      %dma_wait3A_1228 = tpu.memref_slice %arg5[%dma_wait3A_1227, %multiple_of3A_908] : memref<32x1000000xf32, #tpu.memory_space<hbm>> -> memref<32x128xf32, #tpu.memory_space<hbm>>
      %dma_wait3A_1229 = arith.constant 0 : i32
      %dma_wait3A_1230 = arith.constant 0 : i32
      %dma_wait3A_1231 = tpu.memref_slice %arg10[%dma_wait3A_1221, %dma_wait3A_1222, %dma_wait3A_1229, %dma_wait3A_1230] : memref<2x4x32x128xf32, #tpu.memory_space<vmem>> -> memref<1x1x32x128xf32, #tpu.memory_space<vmem>>
      %dma_wait3A_1232 = tpu.memref_squeeze %dma_wait3A_1231 : memref<1x1x32x128xf32, #tpu.memory_space<vmem>> -> memref<32x128xf32, #tpu.memory_space<vmem>>
      %dma_wait3A_1233 = arith.constant 0 : i32
      %dma_wait3A_1234 = tpu.memref_slice %arg5[%dma_wait3A_1233, %multiple_of3A_908] : memref<32x1000000xf32, #tpu.memory_space<hbm>> -> memref<32x128xf32, #tpu.memory_space<hbm>>
      tpu.wait_dma2 semaphore(%arg15 : memref<!tpu.dma_semaphore, #tpu.memory_space<semaphore_mem>>) src(%dma_wait3A_1234 : memref<32x128xf32, #tpu.memory_space<hbm>>) dst(%dma_wait3A_1232 : memref<32x128xf32, #tpu.memory_space<vmem>>)
      %dma_wait3A_1235 = arith.constant 1 : i32
      %dma_wait3A_1236 = arith.constant 3 : i32
      %dma_wait3A_1237 = arith.constant 0 : i32
      %dma_wait3A_1238 = arith.constant 0 : i32
      %dma_wait3A_1239 = tpu.memref_slice %arg9[%dma_wait3A_1235, %dma_wait3A_1236, %dma_wait3A_1237, %dma_wait3A_1238] : memref<2x4x32x128xf32, #tpu.memory_space<vmem>> -> memref<1x1x32x128xf32, #tpu.memory_space<vmem>>
      %dma_wait3A_1240 = tpu.memref_squeeze %dma_wait3A_1239 : memref<1x1x32x128xf32, #tpu.memory_space<vmem>> -> memref<32x128xf32, #tpu.memory_space<vmem>>
      %dma_wait3A_1241 = arith.constant 0 : i32
      %dma_wait3A_1242 = tpu.memref_slice %arg4[%dma_wait3A_1241, %multiple_of3A_925] : memref<32x1000000xf32, #tpu.memory_space<hbm>> -> memref<32x128xf32, #tpu.memory_space<hbm>>
      %dma_wait3A_1243 = arith.constant 0 : i32
      %dma_wait3A_1244 = arith.constant 0 : i32
      %dma_wait3A_1245 = tpu.memref_slice %arg9[%dma_wait3A_1235, %dma_wait3A_1236, %dma_wait3A_1243, %dma_wait3A_1244] : memref<2x4x32x128xf32, #tpu.memory_space<vmem>> -> memref<1x1x32x128xf32, #tpu.memory_space<vmem>>
      %dma_wait3A_1246 = tpu.memref_squeeze %dma_wait3A_1245 : memref<1x1x32x128xf32, #tpu.memory_space<vmem>> -> memref<32x128xf32, #tpu.memory_space<vmem>>
      %dma_wait3A_1247 = arith.constant 0 : i32
      %dma_wait3A_1248 = tpu.memref_slice %arg4[%dma_wait3A_1247, %multiple_of3A_925] : memref<32x1000000xf32, #tpu.memory_space<hbm>> -> memref<32x128xf32, #tpu.memory_space<hbm>>
      tpu.wait_dma2 semaphore(%arg15 : memref<!tpu.dma_semaphore, #tpu.memory_space<semaphore_mem>>) src(%dma_wait3A_1248 : memref<32x128xf32, #tpu.memory_space<hbm>>) dst(%dma_wait3A_1246 : memref<32x128xf32, #tpu.memory_space<vmem>>)
      %dma_wait3A_1249 = arith.constant 1 : i32
      %dma_wait3A_1250 = arith.constant 3 : i32
      %dma_wait3A_1251 = arith.constant 0 : i32
      %dma_wait3A_1252 = arith.constant 0 : i32
      %dma_wait3A_1253 = tpu.memref_slice %arg10[%dma_wait3A_1249, %dma_wait3A_1250, %dma_wait3A_1251, %dma_wait3A_1252] : memref<2x4x32x128xf32, #tpu.memory_space<vmem>> -> memref<1x1x32x128xf32, #tpu.memory_space<vmem>>
      %dma_wait3A_1254 = tpu.memref_squeeze %dma_wait3A_1253 : memref<1x1x32x128xf32, #tpu.memory_space<vmem>> -> memref<32x128xf32, #tpu.memory_space<vmem>>
      %dma_wait3A_1255 = arith.constant 0 : i32
      %dma_wait3A_1256 = tpu.memref_slice %arg5[%dma_wait3A_1255, %multiple_of3A_942] : memref<32x1000000xf32, #tpu.memory_space<hbm>> -> memref<32x128xf32, #tpu.memory_space<hbm>>
      %dma_wait3A_1257 = arith.constant 0 : i32
      %dma_wait3A_1258 = arith.constant 0 : i32
      %dma_wait3A_1259 = tpu.memref_slice %arg10[%dma_wait3A_1249, %dma_wait3A_1250, %dma_wait3A_1257, %dma_wait3A_1258] : memref<2x4x32x128xf32, #tpu.memory_space<vmem>> -> memref<1x1x32x128xf32, #tpu.memory_space<vmem>>
      %dma_wait3A_1260 = tpu.memref_squeeze %dma_wait3A_1259 : memref<1x1x32x128xf32, #tpu.memory_space<vmem>> -> memref<32x128xf32, #tpu.memory_space<vmem>>
      %dma_wait3A_1261 = arith.constant 0 : i32
      %dma_wait3A_1262 = tpu.memref_slice %arg5[%dma_wait3A_1261, %multiple_of3A_942] : memref<32x1000000xf32, #tpu.memory_space<hbm>> -> memref<32x128xf32, #tpu.memory_space<hbm>>
      tpu.wait_dma2 semaphore(%arg15 : memref<!tpu.dma_semaphore, #tpu.memory_space<semaphore_mem>>) src(%dma_wait3A_1262 : memref<32x128xf32, #tpu.memory_space<hbm>>) dst(%dma_wait3A_1260 : memref<32x128xf32, #tpu.memory_space<vmem>>)
      %broadcast_in_dim3A_1263 = arith.constant 1 : i32
      %broadcast_in_dim3A_1264 = vector.broadcast %broadcast_in_dim3A_1263 : i32 to vector<16xi32>
      %broadcast_in_dim3A_1265 = arith.constant 0 : i32
      %broadcast_in_dim3A_1266 = vector.broadcast %broadcast_in_dim3A_1265 : i32 to vector<16xi32>
      %broadcast_in_dim3A_1267 = arith.constant 0 : i32
      %broadcast_in_dim3A_1268 = vector.broadcast %broadcast_in_dim3A_1267 : i32 to vector<16xi32>
      %slice3A_1269 = vector.extract_strided_slice %and3A_28 {offsets = [12], sizes = [1], strides = [1]} : vector<16xi32> to vector<1xi32>
      %squeeze3A_1270 = vector.extract %slice3A_1269[0] : i32 from vector<1xi32>
      %add3A_1271 = vector.broadcast %squeeze3A_1270 : i32 to vector<16xi32>
      %add3A_1272 = arith.addi %broadcast_in_dim3A_1268, %add3A_1271 : vector<16xi32>
      %broadcast_in_dim3A_1273 = arith.constant 0 : i32
      %broadcast_in_dim3A_1274 = vector.broadcast %broadcast_in_dim3A_1273 : i32 to vector<16xi32>
      %slice3A_1275 = vector.extract_strided_slice %and3A_31 {offsets = [12], sizes = [1], strides = [1]} : vector<16xi32> to vector<1xi32>
      %squeeze3A_1276 = vector.extract %slice3A_1275[0] : i32 from vector<1xi32>
      %add3A_1277 = vector.broadcast %squeeze3A_1276 : i32 to vector<16xi32>
      %add3A_1278 = arith.addi %broadcast_in_dim3A_1274, %add3A_1277 : vector<16xi32>
      %broadcast_in_dim3A_1279 = arith.constant 12 : i32
      %broadcast_in_dim3A_1280 = vector.broadcast %broadcast_in_dim3A_1279 : i32 to vector<16xi32>
      %gather3A_1281 = tpu.vector_load_idx %arg9[%broadcast_in_dim3A_1264, %broadcast_in_dim3A_1266, %iota3A, %add3A_1272] : memref<2x4x32x128xf32, #tpu.memory_space<vmem>>[vector<16xi32>, vector<16xi32>, vector<16xi32>, vector<16xi32>], vector<16xf32>,
      tpu.vector_store_idx %arg11[%iota3A, %broadcast_in_dim3A_1280], %gather3A_1281 : memref<32x16xf32, #tpu.memory_space<vmem>>[vector<16xi32>, vector<16xi32>], vector<16xf32>,
      %gather3A_1282 = tpu.vector_load_idx %arg10[%broadcast_in_dim3A_1264, %broadcast_in_dim3A_1266, %iota3A, %add3A_1278] : memref<2x4x32x128xf32, #tpu.memory_space<vmem>>[vector<16xi32>, vector<16xi32>, vector<16xi32>, vector<16xi32>], vector<16xf32>,
      tpu.vector_store_idx %arg12[%iota3A, %broadcast_in_dim3A_1280], %gather3A_1282 : memref<32x16xf32, #tpu.memory_space<vmem>>[vector<16xi32>, vector<16xi32>], vector<16xf32>,
      %gather3A_1283 = tpu.vector_load_idx %arg9[%broadcast_in_dim3A_1264, %broadcast_in_dim3A_1266, %add3A_5, %add3A_1272] : memref<2x4x32x128xf32, #tpu.memory_space<vmem>>[vector<16xi32>, vector<16xi32>, vector<16xi32>, vector<16xi32>], vector<16xf32>,
      tpu.vector_store_idx %arg11[%add3A_5, %broadcast_in_dim3A_1280], %gather3A_1283 : memref<32x16xf32, #tpu.memory_space<vmem>>[vector<16xi32>, vector<16xi32>], vector<16xf32>,
      %gather3A_1284 = tpu.vector_load_idx %arg10[%broadcast_in_dim3A_1264, %broadcast_in_dim3A_1266, %add3A_5, %add3A_1278] : memref<2x4x32x128xf32, #tpu.memory_space<vmem>>[vector<16xi32>, vector<16xi32>, vector<16xi32>, vector<16xi32>], vector<16xf32>,
      tpu.vector_store_idx %arg12[%add3A_5, %broadcast_in_dim3A_1280], %gather3A_1284 : memref<32x16xf32, #tpu.memory_space<vmem>>[vector<16xi32>, vector<16xi32>], vector<16xf32>,
      %broadcast_in_dim3A_1285 = arith.constant 1 : i32
      %broadcast_in_dim3A_1286 = vector.broadcast %broadcast_in_dim3A_1285 : i32 to vector<16xi32>
      %broadcast_in_dim3A_1287 = arith.constant 0 : i32
      %broadcast_in_dim3A_1288 = vector.broadcast %broadcast_in_dim3A_1287 : i32 to vector<16xi32>
      %slice3A_1289 = vector.extract_strided_slice %and3A_28 {offsets = [13], sizes = [1], strides = [1]} : vector<16xi32> to vector<1xi32>
      %squeeze3A_1290 = vector.extract %slice3A_1289[0] : i32 from vector<1xi32>
      %add3A_1291 = vector.broadcast %squeeze3A_1290 : i32 to vector<16xi32>
      %add3A_1292 = arith.addi %broadcast_in_dim3A_1288, %add3A_1291 : vector<16xi32>
      %broadcast_in_dim3A_1293 = arith.constant 0 : i32
      %broadcast_in_dim3A_1294 = vector.broadcast %broadcast_in_dim3A_1293 : i32 to vector<16xi32>
      %slice3A_1295 = vector.extract_strided_slice %and3A_31 {offsets = [13], sizes = [1], strides = [1]} : vector<16xi32> to vector<1xi32>
      %squeeze3A_1296 = vector.extract %slice3A_1295[0] : i32 from vector<1xi32>
      %add3A_1297 = vector.broadcast %squeeze3A_1296 : i32 to vector<16xi32>
      %add3A_1298 = arith.addi %broadcast_in_dim3A_1294, %add3A_1297 : vector<16xi32>
      %broadcast_in_dim3A_1299 = arith.constant 13 : i32
      %broadcast_in_dim3A_1300 = vector.broadcast %broadcast_in_dim3A_1299 : i32 to vector<16xi32>
      %gather3A_1301 = tpu.vector_load_idx %arg9[%broadcast_in_dim3A_1264, %broadcast_in_dim3A_1286, %iota3A, %add3A_1292] : memref<2x4x32x128xf32, #tpu.memory_space<vmem>>[vector<16xi32>, vector<16xi32>, vector<16xi32>, vector<16xi32>], vector<16xf32>,
      tpu.vector_store_idx %arg11[%iota3A, %broadcast_in_dim3A_1300], %gather3A_1301 : memref<32x16xf32, #tpu.memory_space<vmem>>[vector<16xi32>, vector<16xi32>], vector<16xf32>,
      %gather3A_1302 = tpu.vector_load_idx %arg10[%broadcast_in_dim3A_1264, %broadcast_in_dim3A_1286, %iota3A, %add3A_1298] : memref<2x4x32x128xf32, #tpu.memory_space<vmem>>[vector<16xi32>, vector<16xi32>, vector<16xi32>, vector<16xi32>], vector<16xf32>,
      tpu.vector_store_idx %arg12[%iota3A, %broadcast_in_dim3A_1300], %gather3A_1302 : memref<32x16xf32, #tpu.memory_space<vmem>>[vector<16xi32>, vector<16xi32>], vector<16xf32>,
      %gather3A_1303 = tpu.vector_load_idx %arg9[%broadcast_in_dim3A_1264, %broadcast_in_dim3A_1286, %add3A_5, %add3A_1292] : memref<2x4x32x128xf32, #tpu.memory_space<vmem>>[vector<16xi32>, vector<16xi32>, vector<16xi32>, vector<16xi32>], vector<16xf32>,
      tpu.vector_store_idx %arg11[%add3A_5, %broadcast_in_dim3A_1300], %gather3A_1303 : memref<32x16xf32, #tpu.memory_space<vmem>>[vector<16xi32>, vector<16xi32>], vector<16xf32>,
      %gather3A_1304 = tpu.vector_load_idx %arg10[%broadcast_in_dim3A_1264, %broadcast_in_dim3A_1286, %add3A_5, %add3A_1298] : memref<2x4x32x128xf32, #tpu.memory_space<vmem>>[vector<16xi32>, vector<16xi32>, vector<16xi32>, vector<16xi32>], vector<16xf32>,
      tpu.vector_store_idx %arg12[%add3A_5, %broadcast_in_dim3A_1300], %gather3A_1304 : memref<32x16xf32, #tpu.memory_space<vmem>>[vector<16xi32>, vector<16xi32>], vector<16xf32>,
      %broadcast_in_dim3A_1305 = arith.constant 2 : i32
      %broadcast_in_dim3A_1306 = vector.broadcast %broadcast_in_dim3A_1305 : i32 to vector<16xi32>
      %broadcast_in_dim3A_1307 = arith.constant 0 : i32
      %broadcast_in_dim3A_1308 = vector.broadcast %broadcast_in_dim3A_1307 : i32 to vector<16xi32>
      %slice3A_1309 = vector.extract_strided_slice %and3A_28 {offsets = [14], sizes = [1], strides = [1]} : vector<16xi32> to vector<1xi32>
      %squeeze3A_1310 = vector.extract %slice3A_1309[0] : i32 from vector<1xi32>
      %add3A_1311 = vector.broadcast %squeeze3A_1310 : i32 to vector<16xi32>
      %add3A_1312 = arith.addi %broadcast_in_dim3A_1308, %add3A_1311 : vector<16xi32>
      %broadcast_in_dim3A_1313 = arith.constant 0 : i32
      %broadcast_in_dim3A_1314 = vector.broadcast %broadcast_in_dim3A_1313 : i32 to vector<16xi32>
      %slice3A_1315 = vector.extract_strided_slice %and3A_31 {offsets = [14], sizes = [1], strides = [1]} : vector<16xi32> to vector<1xi32>
      %squeeze3A_1316 = vector.extract %slice3A_1315[0] : i32 from vector<1xi32>
      %add3A_1317 = vector.broadcast %squeeze3A_1316 : i32 to vector<16xi32>
      %add3A_1318 = arith.addi %broadcast_in_dim3A_1314, %add3A_1317 : vector<16xi32>
      %broadcast_in_dim3A_1319 = arith.constant 14 : i32
      %broadcast_in_dim3A_1320 = vector.broadcast %broadcast_in_dim3A_1319 : i32 to vector<16xi32>
      %gather3A_1321 = tpu.vector_load_idx %arg9[%broadcast_in_dim3A_1264, %broadcast_in_dim3A_1306, %iota3A, %add3A_1312] : memref<2x4x32x128xf32, #tpu.memory_space<vmem>>[vector<16xi32>, vector<16xi32>, vector<16xi32>, vector<16xi32>], vector<16xf32>,
      tpu.vector_store_idx %arg11[%iota3A, %broadcast_in_dim3A_1320], %gather3A_1321 : memref<32x16xf32, #tpu.memory_space<vmem>>[vector<16xi32>, vector<16xi32>], vector<16xf32>,
      %gather3A_1322 = tpu.vector_load_idx %arg10[%broadcast_in_dim3A_1264, %broadcast_in_dim3A_1306, %iota3A, %add3A_1318] : memref<2x4x32x128xf32, #tpu.memory_space<vmem>>[vector<16xi32>, vector<16xi32>, vector<16xi32>, vector<16xi32>], vector<16xf32>,
      tpu.vector_store_idx %arg12[%iota3A, %broadcast_in_dim3A_1320], %gather3A_1322 : memref<32x16xf32, #tpu.memory_space<vmem>>[vector<16xi32>, vector<16xi32>], vector<16xf32>,
      %gather3A_1323 = tpu.vector_load_idx %arg9[%broadcast_in_dim3A_1264, %broadcast_in_dim3A_1306, %add3A_5, %add3A_1312] : memref<2x4x32x128xf32, #tpu.memory_space<vmem>>[vector<16xi32>, vector<16xi32>, vector<16xi32>, vector<16xi32>], vector<16xf32>,
      tpu.vector_store_idx %arg11[%add3A_5, %broadcast_in_dim3A_1320], %gather3A_1323 : memref<32x16xf32, #tpu.memory_space<vmem>>[vector<16xi32>, vector<16xi32>], vector<16xf32>,
      %gather3A_1324 = tpu.vector_load_idx %arg10[%broadcast_in_dim3A_1264, %broadcast_in_dim3A_1306, %add3A_5, %add3A_1318] : memref<2x4x32x128xf32, #tpu.memory_space<vmem>>[vector<16xi32>, vector<16xi32>, vector<16xi32>, vector<16xi32>], vector<16xf32>,
      tpu.vector_store_idx %arg12[%add3A_5, %broadcast_in_dim3A_1320], %gather3A_1324 : memref<32x16xf32, #tpu.memory_space<vmem>>[vector<16xi32>, vector<16xi32>], vector<16xf32>,
      %broadcast_in_dim3A_1325 = arith.constant 3 : i32
      %broadcast_in_dim3A_1326 = vector.broadcast %broadcast_in_dim3A_1325 : i32 to vector<16xi32>
      %broadcast_in_dim3A_1327 = arith.constant 0 : i32
      %broadcast_in_dim3A_1328 = vector.broadcast %broadcast_in_dim3A_1327 : i32 to vector<16xi32>
      %slice3A_1329 = vector.extract_strided_slice %and3A_28 {offsets = [15], sizes = [1], strides = [1]} : vector<16xi32> to vector<1xi32>
      %squeeze3A_1330 = vector.extract %slice3A_1329[0] : i32 from vector<1xi32>
      %add3A_1331 = vector.broadcast %squeeze3A_1330 : i32 to vector<16xi32>
      %add3A_1332 = arith.addi %broadcast_in_dim3A_1328, %add3A_1331 : vector<16xi32>
      %broadcast_in_dim3A_1333 = arith.constant 0 : i32
      %broadcast_in_dim3A_1334 = vector.broadcast %broadcast_in_dim3A_1333 : i32 to vector<16xi32>
      %slice3A_1335 = vector.extract_strided_slice %and3A_31 {offsets = [15], sizes = [1], strides = [1]} : vector<16xi32> to vector<1xi32>
      %squeeze3A_1336 = vector.extract %slice3A_1335[0] : i32 from vector<1xi32>
      %add3A_1337 = vector.broadcast %squeeze3A_1336 : i32 to vector<16xi32>
      %add3A_1338 = arith.addi %broadcast_in_dim3A_1334, %add3A_1337 : vector<16xi32>
      %broadcast_in_dim3A_1339 = arith.constant 15 : i32
      %broadcast_in_dim3A_1340 = vector.broadcast %broadcast_in_dim3A_1339 : i32 to vector<16xi32>
      %gather3A_1341 = tpu.vector_load_idx %arg9[%broadcast_in_dim3A_1264, %broadcast_in_dim3A_1326, %iota3A, %add3A_1332] : memref<2x4x32x128xf32, #tpu.memory_space<vmem>>[vector<16xi32>, vector<16xi32>, vector<16xi32>, vector<16xi32>], vector<16xf32>,
      tpu.vector_store_idx %arg11[%iota3A, %broadcast_in_dim3A_1340], %gather3A_1341 : memref<32x16xf32, #tpu.memory_space<vmem>>[vector<16xi32>, vector<16xi32>], vector<16xf32>,
      %gather3A_1342 = tpu.vector_load_idx %arg10[%broadcast_in_dim3A_1264, %broadcast_in_dim3A_1326, %iota3A, %add3A_1338] : memref<2x4x32x128xf32, #tpu.memory_space<vmem>>[vector<16xi32>, vector<16xi32>, vector<16xi32>, vector<16xi32>], vector<16xf32>,
      tpu.vector_store_idx %arg12[%iota3A, %broadcast_in_dim3A_1340], %gather3A_1342 : memref<32x16xf32, #tpu.memory_space<vmem>>[vector<16xi32>, vector<16xi32>], vector<16xf32>,
      %gather3A_1343 = tpu.vector_load_idx %arg9[%broadcast_in_dim3A_1264, %broadcast_in_dim3A_1326, %add3A_5, %add3A_1332] : memref<2x4x32x128xf32, #tpu.memory_space<vmem>>[vector<16xi32>, vector<16xi32>, vector<16xi32>, vector<16xi32>], vector<16xf32>,
      tpu.vector_store_idx %arg11[%add3A_5, %broadcast_in_dim3A_1340], %gather3A_1343 : memref<32x16xf32, #tpu.memory_space<vmem>>[vector<16xi32>, vector<16xi32>], vector<16xf32>,
      %gather3A_1344 = tpu.vector_load_idx %arg10[%broadcast_in_dim3A_1264, %broadcast_in_dim3A_1326, %add3A_5, %add3A_1338] : memref<2x4x32x128xf32, #tpu.memory_space<vmem>>[vector<16xi32>, vector<16xi32>, vector<16xi32>, vector<16xi32>], vector<16xf32>,
      tpu.vector_store_idx %arg12[%add3A_5, %broadcast_in_dim3A_1340], %gather3A_1344 : memref<32x16xf32, #tpu.memory_space<vmem>>[vector<16xi32>, vector<16xi32>], vector<16xf32>,
      %get3A_1345 = arith.constant 0 : i32
      %get3A_1346 = arith.index_cast %get3A_1345 : i32 to index
      %get3A_1347 = arith.constant 0 : index
      %get3A_1348 = tpu.vector_load %arg11[%get3A_1346, %get3A_1347] {strides = array<i32>} : memref<32x16xf32, #tpu.memory_space<vmem>>, vector<16xf32>,
      %get3A_1349 = arith.constant 0 : i32
      %get3A_1350 = arith.index_cast %get3A_1349 : i32 to index
      %get3A_1351 = arith.constant 0 : index
      %get3A_1352 = tpu.vector_load %arg12[%get3A_1350, %get3A_1351] {strides = array<i32>} : memref<32x16xf32, #tpu.memory_space<vmem>>, vector<16xf32>,
      %mul3A_1353 = arith.mulf %get3A_1348, %get3A_1352 : vector<16xf32>
      %get3A_1354 = arith.constant 1 : i32
      %get3A_1355 = arith.index_cast %get3A_1354 : i32 to index
      %get3A_1356 = arith.constant 0 : index
      %get3A_1357 = tpu.vector_load %arg11[%get3A_1355, %get3A_1356] {strides = array<i32>} : memref<32x16xf32, #tpu.memory_space<vmem>>, vector<16xf32>,
      %get3A_1358 = arith.constant 1 : i32
      %get3A_1359 = arith.index_cast %get3A_1358 : i32 to index
      %get3A_1360 = arith.constant 0 : index
      %get3A_1361 = tpu.vector_load %arg12[%get3A_1359, %get3A_1360] {strides = array<i32>} : memref<32x16xf32, #tpu.memory_space<vmem>>, vector<16xf32>,
      %mul3A_1362 = arith.mulf %get3A_1357, %get3A_1361 : vector<16xf32>
      %add3A_1363 = arith.addf %mul3A_1353, %mul3A_1362 : vector<16xf32>
      %get3A_1364 = arith.constant 2 : i32
      %get3A_1365 = arith.index_cast %get3A_1364 : i32 to index
      %get3A_1366 = arith.constant 0 : index
      %get3A_1367 = tpu.vector_load %arg11[%get3A_1365, %get3A_1366] {strides = array<i32>} : memref<32x16xf32, #tpu.memory_space<vmem>>, vector<16xf32>,
      %get3A_1368 = arith.constant 2 : i32
      %get3A_1369 = arith.index_cast %get3A_1368 : i32 to index
      %get3A_1370 = arith.constant 0 : index
      %get3A_1371 = tpu.vector_load %arg12[%get3A_1369, %get3A_1370] {strides = array<i32>} : memref<32x16xf32, #tpu.memory_space<vmem>>, vector<16xf32>,
      %mul3A_1372 = arith.mulf %get3A_1367, %get3A_1371 : vector<16xf32>
      %add3A_1373 = arith.addf %add3A_1363, %mul3A_1372 : vector<16xf32>
      %get3A_1374 = arith.constant 3 : i32
      %get3A_1375 = arith.index_cast %get3A_1374 : i32 to index
      %get3A_1376 = arith.constant 0 : index
      %get3A_1377 = tpu.vector_load %arg11[%get3A_1375, %get3A_1376] {strides = array<i32>} : memref<32x16xf32, #tpu.memory_space<vmem>>, vector<16xf32>,
      %get3A_1378 = arith.constant 3 : i32
      %get3A_1379 = arith.index_cast %get3A_1378 : i32 to index
      %get3A_1380 = arith.constant 0 : index
      %get3A_1381 = tpu.vector_load %arg12[%get3A_1379, %get3A_1380] {strides = array<i32>} : memref<32x16xf32, #tpu.memory_space<vmem>>, vector<16xf32>,
      %mul3A_1382 = arith.mulf %get3A_1377, %get3A_1381 : vector<16xf32>
      %add3A_1383 = arith.addf %add3A_1373, %mul3A_1382 : vector<16xf32>
      %get3A_1384 = arith.constant 4 : i32
      %get3A_1385 = arith.index_cast %get3A_1384 : i32 to index
      %get3A_1386 = arith.constant 0 : index
      %get3A_1387 = tpu.vector_load %arg11[%get3A_1385, %get3A_1386] {strides = array<i32>} : memref<32x16xf32, #tpu.memory_space<vmem>>, vector<16xf32>,
      %get3A_1388 = arith.constant 4 : i32
      %get3A_1389 = arith.index_cast %get3A_1388 : i32 to index
      %get3A_1390 = arith.constant 0 : index
      %get3A_1391 = tpu.vector_load %arg12[%get3A_1389, %get3A_1390] {strides = array<i32>} : memref<32x16xf32, #tpu.memory_space<vmem>>, vector<16xf32>,
      %mul3A_1392 = arith.mulf %get3A_1387, %get3A_1391 : vector<16xf32>
      %add3A_1393 = arith.addf %add3A_1383, %mul3A_1392 : vector<16xf32>
      %get3A_1394 = arith.constant 5 : i32
      %get3A_1395 = arith.index_cast %get3A_1394 : i32 to index
      %get3A_1396 = arith.constant 0 : index
      %get3A_1397 = tpu.vector_load %arg11[%get3A_1395, %get3A_1396] {strides = array<i32>} : memref<32x16xf32, #tpu.memory_space<vmem>>, vector<16xf32>,
      %get3A_1398 = arith.constant 5 : i32
      %get3A_1399 = arith.index_cast %get3A_1398 : i32 to index
      %get3A_1400 = arith.constant 0 : index
      %get3A_1401 = tpu.vector_load %arg12[%get3A_1399, %get3A_1400] {strides = array<i32>} : memref<32x16xf32, #tpu.memory_space<vmem>>, vector<16xf32>,
      %mul3A_1402 = arith.mulf %get3A_1397, %get3A_1401 : vector<16xf32>
      %add3A_1403 = arith.addf %add3A_1393, %mul3A_1402 : vector<16xf32>
      %get3A_1404 = arith.constant 6 : i32
      %get3A_1405 = arith.index_cast %get3A_1404 : i32 to index
      %get3A_1406 = arith.constant 0 : index
      %get3A_1407 = tpu.vector_load %arg11[%get3A_1405, %get3A_1406] {strides = array<i32>} : memref<32x16xf32, #tpu.memory_space<vmem>>, vector<16xf32>,
      %get3A_1408 = arith.constant 6 : i32
      %get3A_1409 = arith.index_cast %get3A_1408 : i32 to index
      %get3A_1410 = arith.constant 0 : index
      %get3A_1411 = tpu.vector_load %arg12[%get3A_1409, %get3A_1410] {strides = array<i32>} : memref<32x16xf32, #tpu.memory_space<vmem>>, vector<16xf32>,
      %mul3A_1412 = arith.mulf %get3A_1407, %get3A_1411 : vector<16xf32>
      %add3A_1413 = arith.addf %add3A_1403, %mul3A_1412 : vector<16xf32>
      %get3A_1414 = arith.constant 7 : i32
      %get3A_1415 = arith.index_cast %get3A_1414 : i32 to index
      %get3A_1416 = arith.constant 0 : index
      %get3A_1417 = tpu.vector_load %arg11[%get3A_1415, %get3A_1416] {strides = array<i32>} : memref<32x16xf32, #tpu.memory_space<vmem>>, vector<16xf32>,
      %get3A_1418 = arith.constant 7 : i32
      %get3A_1419 = arith.index_cast %get3A_1418 : i32 to index
      %get3A_1420 = arith.constant 0 : index
      %get3A_1421 = tpu.vector_load %arg12[%get3A_1419, %get3A_1420] {strides = array<i32>} : memref<32x16xf32, #tpu.memory_space<vmem>>, vector<16xf32>,
      %mul3A_1422 = arith.mulf %get3A_1417, %get3A_1421 : vector<16xf32>
      %add3A_1423 = arith.addf %add3A_1413, %mul3A_1422 : vector<16xf32>
      %get3A_1424 = arith.constant 8 : i32
      %get3A_1425 = arith.index_cast %get3A_1424 : i32 to index
      %get3A_1426 = arith.constant 0 : index
      %get3A_1427 = tpu.vector_load %arg11[%get3A_1425, %get3A_1426] {strides = array<i32>} : memref<32x16xf32, #tpu.memory_space<vmem>>, vector<16xf32>,
      %get3A_1428 = arith.constant 8 : i32
      %get3A_1429 = arith.index_cast %get3A_1428 : i32 to index
      %get3A_1430 = arith.constant 0 : index
      %get3A_1431 = tpu.vector_load %arg12[%get3A_1429, %get3A_1430] {strides = array<i32>} : memref<32x16xf32, #tpu.memory_space<vmem>>, vector<16xf32>,
      %mul3A_1432 = arith.mulf %get3A_1427, %get3A_1431 : vector<16xf32>
      %add3A_1433 = arith.addf %add3A_1423, %mul3A_1432 : vector<16xf32>
      %get3A_1434 = arith.constant 9 : i32
      %get3A_1435 = arith.index_cast %get3A_1434 : i32 to index
      %get3A_1436 = arith.constant 0 : index
      %get3A_1437 = tpu.vector_load %arg11[%get3A_1435, %get3A_1436] {strides = array<i32>} : memref<32x16xf32, #tpu.memory_space<vmem>>, vector<16xf32>,
      %get3A_1438 = arith.constant 9 : i32
      %get3A_1439 = arith.index_cast %get3A_1438 : i32 to index
      %get3A_1440 = arith.constant 0 : index
      %get3A_1441 = tpu.vector_load %arg12[%get3A_1439, %get3A_1440] {strides = array<i32>} : memref<32x16xf32, #tpu.memory_space<vmem>>, vector<16xf32>,
      %mul3A_1442 = arith.mulf %get3A_1437, %get3A_1441 : vector<16xf32>
      %add3A_1443 = arith.addf %add3A_1433, %mul3A_1442 : vector<16xf32>
      %get3A_1444 = arith.constant 10 : i32
      %get3A_1445 = arith.index_cast %get3A_1444 : i32 to index
      %get3A_1446 = arith.constant 0 : index
      %get3A_1447 = tpu.vector_load %arg11[%get3A_1445, %get3A_1446] {strides = array<i32>} : memref<32x16xf32, #tpu.memory_space<vmem>>, vector<16xf32>,
      %get3A_1448 = arith.constant 10 : i32
      %get3A_1449 = arith.index_cast %get3A_1448 : i32 to index
      %get3A_1450 = arith.constant 0 : index
      %get3A_1451 = tpu.vector_load %arg12[%get3A_1449, %get3A_1450] {strides = array<i32>} : memref<32x16xf32, #tpu.memory_space<vmem>>, vector<16xf32>,
      %mul3A_1452 = arith.mulf %get3A_1447, %get3A_1451 : vector<16xf32>
      %add3A_1453 = arith.addf %add3A_1443, %mul3A_1452 : vector<16xf32>
      %get3A_1454 = arith.constant 11 : i32
      %get3A_1455 = arith.index_cast %get3A_1454 : i32 to index
      %get3A_1456 = arith.constant 0 : index
      %get3A_1457 = tpu.vector_load %arg11[%get3A_1455, %get3A_1456] {strides = array<i32>} : memref<32x16xf32, #tpu.memory_space<vmem>>, vector<16xf32>,
      %get3A_1458 = arith.constant 11 : i32
      %get3A_1459 = arith.index_cast %get3A_1458 : i32 to index
      %get3A_1460 = arith.constant 0 : index
      %get3A_1461 = tpu.vector_load %arg12[%get3A_1459, %get3A_1460] {strides = array<i32>} : memref<32x16xf32, #tpu.memory_space<vmem>>, vector<16xf32>,
      %mul3A_1462 = arith.mulf %get3A_1457, %get3A_1461 : vector<16xf32>
      %add3A_1463 = arith.addf %add3A_1453, %mul3A_1462 : vector<16xf32>
      %get3A_1464 = arith.constant 12 : i32
      %get3A_1465 = arith.index_cast %get3A_1464 : i32 to index
      %get3A_1466 = arith.constant 0 : index
      %get3A_1467 = tpu.vector_load %arg11[%get3A_1465, %get3A_1466] {strides = array<i32>} : memref<32x16xf32, #tpu.memory_space<vmem>>, vector<16xf32>,
      %get3A_1468 = arith.constant 12 : i32
      %get3A_1469 = arith.index_cast %get3A_1468 : i32 to index
      %get3A_1470 = arith.constant 0 : index
      %get3A_1471 = tpu.vector_load %arg12[%get3A_1469, %get3A_1470] {strides = array<i32>} : memref<32x16xf32, #tpu.memory_space<vmem>>, vector<16xf32>,
      %mul3A_1472 = arith.mulf %get3A_1467, %get3A_1471 : vector<16xf32>
      %add3A_1473 = arith.addf %add3A_1463, %mul3A_1472 : vector<16xf32>
      %get3A_1474 = arith.constant 13 : i32
      %get3A_1475 = arith.index_cast %get3A_1474 : i32 to index
      %get3A_1476 = arith.constant 0 : index
      %get3A_1477 = tpu.vector_load %arg11[%get3A_1475, %get3A_1476] {strides = array<i32>} : memref<32x16xf32, #tpu.memory_space<vmem>>, vector<16xf32>,
      %get3A_1478 = arith.constant 13 : i32
      %get3A_1479 = arith.index_cast %get3A_1478 : i32 to index
      %get3A_1480 = arith.constant 0 : index
      %get3A_1481 = tpu.vector_load %arg12[%get3A_1479, %get3A_1480] {strides = array<i32>} : memref<32x16xf32, #tpu.memory_space<vmem>>, vector<16xf32>,
      %mul3A_1482 = arith.mulf %get3A_1477, %get3A_1481 : vector<16xf32>
      %add3A_1483 = arith.addf %add3A_1473, %mul3A_1482 : vector<16xf32>
      %get3A_1484 = arith.constant 14 : i32
      %get3A_1485 = arith.index_cast %get3A_1484 : i32 to index
      %get3A_1486 = arith.constant 0 : index
      %get3A_1487 = tpu.vector_load %arg11[%get3A_1485, %get3A_1486] {strides = array<i32>} : memref<32x16xf32, #tpu.memory_space<vmem>>, vector<16xf32>,
      %get3A_1488 = arith.constant 14 : i32
      %get3A_1489 = arith.index_cast %get3A_1488 : i32 to index
      %get3A_1490 = arith.constant 0 : index
      %get3A_1491 = tpu.vector_load %arg12[%get3A_1489, %get3A_1490] {strides = array<i32>} : memref<32x16xf32, #tpu.memory_space<vmem>>, vector<16xf32>,
      %mul3A_1492 = arith.mulf %get3A_1487, %get3A_1491 : vector<16xf32>
      %add3A_1493 = arith.addf %add3A_1483, %mul3A_1492 : vector<16xf32>
      %get3A_1494 = arith.constant 15 : i32
      %get3A_1495 = arith.index_cast %get3A_1494 : i32 to index
      %get3A_1496 = arith.constant 0 : index
      %get3A_1497 = tpu.vector_load %arg11[%get3A_1495, %get3A_1496] {strides = array<i32>} : memref<32x16xf32, #tpu.memory_space<vmem>>, vector<16xf32>,
      %get3A_1498 = arith.constant 15 : i32
      %get3A_1499 = arith.index_cast %get3A_1498 : i32 to index
      %get3A_1500 = arith.constant 0 : index
      %get3A_1501 = tpu.vector_load %arg12[%get3A_1499, %get3A_1500] {strides = array<i32>} : memref<32x16xf32, #tpu.memory_space<vmem>>, vector<16xf32>,
      %mul3A_1502 = arith.mulf %get3A_1497, %get3A_1501 : vector<16xf32>
      %add3A_1503 = arith.addf %add3A_1493, %mul3A_1502 : vector<16xf32>
      %get3A_1504 = arith.constant 16 : i32
      %get3A_1505 = arith.index_cast %get3A_1504 : i32 to index
      %get3A_1506 = arith.constant 0 : index
      %get3A_1507 = tpu.vector_load %arg11[%get3A_1505, %get3A_1506] {strides = array<i32>} : memref<32x16xf32, #tpu.memory_space<vmem>>, vector<16xf32>,
      %get3A_1508 = arith.constant 16 : i32
      %get3A_1509 = arith.index_cast %get3A_1508 : i32 to index
      %get3A_1510 = arith.constant 0 : index
      %get3A_1511 = tpu.vector_load %arg12[%get3A_1509, %get3A_1510] {strides = array<i32>} : memref<32x16xf32, #tpu.memory_space<vmem>>, vector<16xf32>,
      %mul3A_1512 = arith.mulf %get3A_1507, %get3A_1511 : vector<16xf32>
      %add3A_1513 = arith.addf %add3A_1503, %mul3A_1512 : vector<16xf32>
      %get3A_1514 = arith.constant 17 : i32
      %get3A_1515 = arith.index_cast %get3A_1514 : i32 to index
      %get3A_1516 = arith.constant 0 : index
      %get3A_1517 = tpu.vector_load %arg11[%get3A_1515, %get3A_1516] {strides = array<i32>} : memref<32x16xf32, #tpu.memory_space<vmem>>, vector<16xf32>,
      %get3A_1518 = arith.constant 17 : i32
      %get3A_1519 = arith.index_cast %get3A_1518 : i32 to index
      %get3A_1520 = arith.constant 0 : index
      %get3A_1521 = tpu.vector_load %arg12[%get3A_1519, %get3A_1520] {strides = array<i32>} : memref<32x16xf32, #tpu.memory_space<vmem>>, vector<16xf32>,
      %mul3A_1522 = arith.mulf %get3A_1517, %get3A_1521 : vector<16xf32>
      %add3A_1523 = arith.addf %add3A_1513, %mul3A_1522 : vector<16xf32>
      %get3A_1524 = arith.constant 18 : i32
      %get3A_1525 = arith.index_cast %get3A_1524 : i32 to index
      %get3A_1526 = arith.constant 0 : index
      %get3A_1527 = tpu.vector_load %arg11[%get3A_1525, %get3A_1526] {strides = array<i32>} : memref<32x16xf32, #tpu.memory_space<vmem>>, vector<16xf32>,
      %get3A_1528 = arith.constant 18 : i32
      %get3A_1529 = arith.index_cast %get3A_1528 : i32 to index
      %get3A_1530 = arith.constant 0 : index
      %get3A_1531 = tpu.vector_load %arg12[%get3A_1529, %get3A_1530] {strides = array<i32>} : memref<32x16xf32, #tpu.memory_space<vmem>>, vector<16xf32>,
      %mul3A_1532 = arith.mulf %get3A_1527, %get3A_1531 : vector<16xf32>
      %add3A_1533 = arith.addf %add3A_1523, %mul3A_1532 : vector<16xf32>
      %get3A_1534 = arith.constant 19 : i32
      %get3A_1535 = arith.index_cast %get3A_1534 : i32 to index
      %get3A_1536 = arith.constant 0 : index
      %get3A_1537 = tpu.vector_load %arg11[%get3A_1535, %get3A_1536] {strides = array<i32>} : memref<32x16xf32, #tpu.memory_space<vmem>>, vector<16xf32>,
      %get3A_1538 = arith.constant 19 : i32
      %get3A_1539 = arith.index_cast %get3A_1538 : i32 to index
      %get3A_1540 = arith.constant 0 : index
      %get3A_1541 = tpu.vector_load %arg12[%get3A_1539, %get3A_1540] {strides = array<i32>} : memref<32x16xf32, #tpu.memory_space<vmem>>, vector<16xf32>,
      %mul3A_1542 = arith.mulf %get3A_1537, %get3A_1541 : vector<16xf32>
      %add3A_1543 = arith.addf %add3A_1533, %mul3A_1542 : vector<16xf32>
      %get3A_1544 = arith.constant 20 : i32
      %get3A_1545 = arith.index_cast %get3A_1544 : i32 to index
      %get3A_1546 = arith.constant 0 : index
      %get3A_1547 = tpu.vector_load %arg11[%get3A_1545, %get3A_1546] {strides = array<i32>} : memref<32x16xf32, #tpu.memory_space<vmem>>, vector<16xf32>,
      %get3A_1548 = arith.constant 20 : i32
      %get3A_1549 = arith.index_cast %get3A_1548 : i32 to index
      %get3A_1550 = arith.constant 0 : index
      %get3A_1551 = tpu.vector_load %arg12[%get3A_1549, %get3A_1550] {strides = array<i32>} : memref<32x16xf32, #tpu.memory_space<vmem>>, vector<16xf32>,
      %mul3A_1552 = arith.mulf %get3A_1547, %get3A_1551 : vector<16xf32>
      %add3A_1553 = arith.addf %add3A_1543, %mul3A_1552 : vector<16xf32>
      %get3A_1554 = arith.constant 21 : i32
      %get3A_1555 = arith.index_cast %get3A_1554 : i32 to index
      %get3A_1556 = arith.constant 0 : index
      %get3A_1557 = tpu.vector_load %arg11[%get3A_1555, %get3A_1556] {strides = array<i32>} : memref<32x16xf32, #tpu.memory_space<vmem>>, vector<16xf32>,
      %get3A_1558 = arith.constant 21 : i32
      %get3A_1559 = arith.index_cast %get3A_1558 : i32 to index
      %get3A_1560 = arith.constant 0 : index
      %get3A_1561 = tpu.vector_load %arg12[%get3A_1559, %get3A_1560] {strides = array<i32>} : memref<32x16xf32, #tpu.memory_space<vmem>>, vector<16xf32>,
      %mul3A_1562 = arith.mulf %get3A_1557, %get3A_1561 : vector<16xf32>
      %add3A_1563 = arith.addf %add3A_1553, %mul3A_1562 : vector<16xf32>
      %get3A_1564 = arith.constant 22 : i32
      %get3A_1565 = arith.index_cast %get3A_1564 : i32 to index
      %get3A_1566 = arith.constant 0 : index
      %get3A_1567 = tpu.vector_load %arg11[%get3A_1565, %get3A_1566] {strides = array<i32>} : memref<32x16xf32, #tpu.memory_space<vmem>>, vector<16xf32>,
      %get3A_1568 = arith.constant 22 : i32
      %get3A_1569 = arith.index_cast %get3A_1568 : i32 to index
      %get3A_1570 = arith.constant 0 : index
      %get3A_1571 = tpu.vector_load %arg12[%get3A_1569, %get3A_1570] {strides = array<i32>} : memref<32x16xf32, #tpu.memory_space<vmem>>, vector<16xf32>,
      %mul3A_1572 = arith.mulf %get3A_1567, %get3A_1571 : vector<16xf32>
      %add3A_1573 = arith.addf %add3A_1563, %mul3A_1572 : vector<16xf32>
      %get3A_1574 = arith.constant 23 : i32
      %get3A_1575 = arith.index_cast %get3A_1574 : i32 to index
      %get3A_1576 = arith.constant 0 : index
      %get3A_1577 = tpu.vector_load %arg11[%get3A_1575, %get3A_1576] {strides = array<i32>} : memref<32x16xf32, #tpu.memory_space<vmem>>, vector<16xf32>,
      %get3A_1578 = arith.constant 23 : i32
      %get3A_1579 = arith.index_cast %get3A_1578 : i32 to index
      %get3A_1580 = arith.constant 0 : index
      %get3A_1581 = tpu.vector_load %arg12[%get3A_1579, %get3A_1580] {strides = array<i32>} : memref<32x16xf32, #tpu.memory_space<vmem>>, vector<16xf32>,
      %mul3A_1582 = arith.mulf %get3A_1577, %get3A_1581 : vector<16xf32>
      %add3A_1583 = arith.addf %add3A_1573, %mul3A_1582 : vector<16xf32>
      %get3A_1584 = arith.constant 24 : i32
      %get3A_1585 = arith.index_cast %get3A_1584 : i32 to index
      %get3A_1586 = arith.constant 0 : index
      %get3A_1587 = tpu.vector_load %arg11[%get3A_1585, %get3A_1586] {strides = array<i32>} : memref<32x16xf32, #tpu.memory_space<vmem>>, vector<16xf32>,
      %get3A_1588 = arith.constant 24 : i32
      %get3A_1589 = arith.index_cast %get3A_1588 : i32 to index
      %get3A_1590 = arith.constant 0 : index
      %get3A_1591 = tpu.vector_load %arg12[%get3A_1589, %get3A_1590] {strides = array<i32>} : memref<32x16xf32, #tpu.memory_space<vmem>>, vector<16xf32>,
      %mul3A_1592 = arith.mulf %get3A_1587, %get3A_1591 : vector<16xf32>
      %add3A_1593 = arith.addf %add3A_1583, %mul3A_1592 : vector<16xf32>
      %get3A_1594 = arith.constant 25 : i32
      %get3A_1595 = arith.index_cast %get3A_1594 : i32 to index
      %get3A_1596 = arith.constant 0 : index
      %get3A_1597 = tpu.vector_load %arg11[%get3A_1595, %get3A_1596] {strides = array<i32>} : memref<32x16xf32, #tpu.memory_space<vmem>>, vector<16xf32>,
      %get3A_1598 = arith.constant 25 : i32
      %get3A_1599 = arith.index_cast %get3A_1598 : i32 to index
      %get3A_1600 = arith.constant 0 : index
      %get3A_1601 = tpu.vector_load %arg12[%get3A_1599, %get3A_1600] {strides = array<i32>} : memref<32x16xf32, #tpu.memory_space<vmem>>, vector<16xf32>,
      %mul3A_1602 = arith.mulf %get3A_1597, %get3A_1601 : vector<16xf32>
      %add3A_1603 = arith.addf %add3A_1593, %mul3A_1602 : vector<16xf32>
      %get3A_1604 = arith.constant 26 : i32
      %get3A_1605 = arith.index_cast %get3A_1604 : i32 to index
      %get3A_1606 = arith.constant 0 : index
      %get3A_1607 = tpu.vector_load %arg11[%get3A_1605, %get3A_1606] {strides = array<i32>} : memref<32x16xf32, #tpu.memory_space<vmem>>, vector<16xf32>,
      %get3A_1608 = arith.constant 26 : i32
      %get3A_1609 = arith.index_cast %get3A_1608 : i32 to index
      %get3A_1610 = arith.constant 0 : index
      %get3A_1611 = tpu.vector_load %arg12[%get3A_1609, %get3A_1610] {strides = array<i32>} : memref<32x16xf32, #tpu.memory_space<vmem>>, vector<16xf32>,
      %mul3A_1612 = arith.mulf %get3A_1607, %get3A_1611 : vector<16xf32>
      %add3A_1613 = arith.addf %add3A_1603, %mul3A_1612 : vector<16xf32>
      %get3A_1614 = arith.constant 27 : i32
      %get3A_1615 = arith.index_cast %get3A_1614 : i32 to index
      %get3A_1616 = arith.constant 0 : index
      %get3A_1617 = tpu.vector_load %arg11[%get3A_1615, %get3A_1616] {strides = array<i32>} : memref<32x16xf32, #tpu.memory_space<vmem>>, vector<16xf32>,
      %get3A_1618 = arith.constant 27 : i32
      %get3A_1619 = arith.index_cast %get3A_1618 : i32 to index
      %get3A_1620 = arith.constant 0 : index
      %get3A_1621 = tpu.vector_load %arg12[%get3A_1619, %get3A_1620] {strides = array<i32>} : memref<32x16xf32, #tpu.memory_space<vmem>>, vector<16xf32>,
      %mul3A_1622 = arith.mulf %get3A_1617, %get3A_1621 : vector<16xf32>
      %add3A_1623 = arith.addf %add3A_1613, %mul3A_1622 : vector<16xf32>
      %get3A_1624 = arith.constant 28 : i32
      %get3A_1625 = arith.index_cast %get3A_1624 : i32 to index
      %get3A_1626 = arith.constant 0 : index
      %get3A_1627 = tpu.vector_load %arg11[%get3A_1625, %get3A_1626] {strides = array<i32>} : memref<32x16xf32, #tpu.memory_space<vmem>>, vector<16xf32>,
      %get3A_1628 = arith.constant 28 : i32
      %get3A_1629 = arith.index_cast %get3A_1628 : i32 to index
      %get3A_1630 = arith.constant 0 : index
      %get3A_1631 = tpu.vector_load %arg12[%get3A_1629, %get3A_1630] {strides = array<i32>} : memref<32x16xf32, #tpu.memory_space<vmem>>, vector<16xf32>,
      %mul3A_1632 = arith.mulf %get3A_1627, %get3A_1631 : vector<16xf32>
      %add3A_1633 = arith.addf %add3A_1623, %mul3A_1632 : vector<16xf32>
      %get3A_1634 = arith.constant 29 : i32
      %get3A_1635 = arith.index_cast %get3A_1634 : i32 to index
      %get3A_1636 = arith.constant 0 : index
      %get3A_1637 = tpu.vector_load %arg11[%get3A_1635, %get3A_1636] {strides = array<i32>} : memref<32x16xf32, #tpu.memory_space<vmem>>, vector<16xf32>,
      %get3A_1638 = arith.constant 29 : i32
      %get3A_1639 = arith.index_cast %get3A_1638 : i32 to index
      %get3A_1640 = arith.constant 0 : index
      %get3A_1641 = tpu.vector_load %arg12[%get3A_1639, %get3A_1640] {strides = array<i32>} : memref<32x16xf32, #tpu.memory_space<vmem>>, vector<16xf32>,
      %mul3A_1642 = arith.mulf %get3A_1637, %get3A_1641 : vector<16xf32>
      %add3A_1643 = arith.addf %add3A_1633, %mul3A_1642 : vector<16xf32>
      %get3A_1644 = arith.constant 30 : i32
      %get3A_1645 = arith.index_cast %get3A_1644 : i32 to index
      %get3A_1646 = arith.constant 0 : index
      %get3A_1647 = tpu.vector_load %arg11[%get3A_1645, %get3A_1646] {strides = array<i32>} : memref<32x16xf32, #tpu.memory_space<vmem>>, vector<16xf32>,
      %get3A_1648 = arith.constant 30 : i32
      %get3A_1649 = arith.index_cast %get3A_1648 : i32 to index
      %get3A_1650 = arith.constant 0 : index
      %get3A_1651 = tpu.vector_load %arg12[%get3A_1649, %get3A_1650] {strides = array<i32>} : memref<32x16xf32, #tpu.memory_space<vmem>>, vector<16xf32>,
      %mul3A_1652 = arith.mulf %get3A_1647, %get3A_1651 : vector<16xf32>
      %add3A_1653 = arith.addf %add3A_1643, %mul3A_1652 : vector<16xf32>
      %get3A_1654 = arith.constant 31 : i32
      %get3A_1655 = arith.index_cast %get3A_1654 : i32 to index
      %get3A_1656 = arith.constant 0 : index
      %get3A_1657 = tpu.vector_load %arg11[%get3A_1655, %get3A_1656] {strides = array<i32>} : memref<32x16xf32, #tpu.memory_space<vmem>>, vector<16xf32>,
      %get3A_1658 = arith.constant 31 : i32
      %get3A_1659 = arith.index_cast %get3A_1658 : i32 to index
      %get3A_1660 = arith.constant 0 : index
      %get3A_1661 = tpu.vector_load %arg12[%get3A_1659, %get3A_1660] {strides = array<i32>} : memref<32x16xf32, #tpu.memory_space<vmem>>, vector<16xf32>,
      %mul3A_1662 = arith.mulf %get3A_1657, %get3A_1661 : vector<16xf32>
      %add3A_1663 = arith.addf %add3A_1653, %mul3A_1662 : vector<16xf32>
      %swap3A = arith.index_cast %mul3A_13 : i32 to index
      %swap3A_1664 = tpu.vector_load %arg13[%swap3A] {strides = array<i32>} : memref<512xf32, #tpu.memory_space<vmem>>, vector<16xf32>,
      tpu.vector_store %arg13[%swap3A], %add3A_1663 {strides = array<i32>} : memref<512xf32, #tpu.memory_space<vmem>>, vector<16xf32>,
    }
    %scan3A_10 = arith.constant 32 : i32
    "tpu.region"() ({
      %run_scoped3A = tpu.sem_alloc : memref<!tpu.dma_semaphore, #tpu.memory_space<semaphore_mem>>
      %dma_start3A = tpu.memref_slice %arg6[%mul3A_2] : memref<16384xf32, #tpu.memory_space<hbm>> -> memref<512xf32, #tpu.memory_space<hbm>>
      %dma_start3A_11 = tpu.memref_slice %arg6[%mul3A_2] : memref<16384xf32, #tpu.memory_space<hbm>> -> memref<512xf32, #tpu.memory_space<hbm>>
      tpu.enqueue_dma source(%arg13 : memref<512xf32, #tpu.memory_space<vmem>>) target(%dma_start3A_11 : memref<512xf32, #tpu.memory_space<hbm>>) target_semaphore(%run_scoped3A : memref<!tpu.dma_semaphore, #tpu.memory_space<semaphore_mem>>)
      %dma_wait3A = tpu.memref_slice %arg6[%mul3A_2] : memref<16384xf32, #tpu.memory_space<hbm>> -> memref<512xf32, #tpu.memory_space<hbm>>
      %dma_wait3A_12 = tpu.memref_slice %arg6[%mul3A_2] : memref<16384xf32, #tpu.memory_space<hbm>> -> memref<512xf32, #tpu.memory_space<hbm>>
      tpu.wait_dma2 semaphore(%run_scoped3A : memref<!tpu.dma_semaphore, #tpu.memory_space<semaphore_mem>>) src(%arg13 : memref<512xf32, #tpu.memory_space<vmem>>) dst(%dma_wait3A_12 : memref<512xf32, #tpu.memory_space<hbm>>)
      tpu.yield
    }) : () -> ()
    return
  }
}

#map = affine_map<(d0, d1) -> (0, 0, 0)>
#map1 = affine_map<(d0, d1) -> (0)>
module attributes {stable_mosaic.version = 14 : i64} {
  func.func @_bias_kernel(%arg0: i32, %arg1: i32, %arg2: memref<32x4x128xi32, #tpu.memory_space<hbm>>, %arg3: memref<32x4x128xi32, #tpu.memory_space<hbm>>, %arg4: memref<16384xf32, #tpu.memory_space<hbm>>, %arg5: memref<1000000xf32, #tpu.memory_space<hbm>>, %arg6: memref<1000000xf32, #tpu.memory_space<hbm>>, %arg7: memref<16384xf32, #tpu.memory_space<hbm>>, %arg8: memref<4x128xi32, #tpu.memory_space<vmem>>, %arg9: memref<4x128xi32, #tpu.memory_space<vmem>>, %arg10: memref<512xf32, #tpu.memory_space<vmem>>, %arg11: memref<512xf32, #tpu.memory_space<vmem>>, %arg12: memref<512xf32, #tpu.memory_space<vmem>>, %arg13: memref<!tpu.dma_semaphore, #tpu.memory_space<semaphore_mem>>) attributes {dimension_semantics = [#tpu.dimension_semantics<core_parallel>, #tpu.dimension_semantics<subcore_parallel>], iteration_bounds = array<i64: 2, 16>, scalar_prefetch = 0 : i64, scratch_operands = 6 : i64, tpu.core_type = #tpu.core_type<sc_vector_subcore>, window_params = [{transform_indices = #map}, {transform_indices = #map}, {transform_indices = #map1}, {transform_indices = #map1}, {transform_indices = #map1}, {transform_indices = #map1}]} {
    %mul3A = arith.constant 2 : i32
    %mul3A_0 = arith.muli %arg1, %mul3A : i32
    %add3A = arith.addi %mul3A_0, %arg0 : i32
    %mul3A_1 = arith.constant 512 : i32
    %mul3A_2 = arith.muli %add3A, %mul3A_1 : i32
    "tpu.region"() ({
      %run_scoped3A = tpu.sem_alloc : memref<!tpu.dma_semaphore, #tpu.memory_space<semaphore_mem>>
      %dma_start3A_134 = arith.constant 0 : i32
      %dma_start3A_135 = arith.constant 0 : i32
      %dma_start3A_136 = tpu.memref_slice %arg2[%add3A, %dma_start3A_134, %dma_start3A_135] : memref<32x4x128xi32, #tpu.memory_space<hbm>> -> memref<1x4x128xi32, #tpu.memory_space<hbm>>
      %dma_start3A_137 = tpu.memref_squeeze %dma_start3A_136 : memref<1x4x128xi32, #tpu.memory_space<hbm>> -> memref<4x128xi32, #tpu.memory_space<hbm>>
      %dma_start3A_138 = arith.constant 0 : i32
      %dma_start3A_139 = arith.constant 0 : i32
      %dma_start3A_140 = tpu.memref_slice %arg2[%add3A, %dma_start3A_138, %dma_start3A_139] : memref<32x4x128xi32, #tpu.memory_space<hbm>> -> memref<1x4x128xi32, #tpu.memory_space<hbm>>
      %dma_start3A_141 = tpu.memref_squeeze %dma_start3A_140 : memref<1x4x128xi32, #tpu.memory_space<hbm>> -> memref<4x128xi32, #tpu.memory_space<hbm>>
      tpu.enqueue_dma source(%dma_start3A_141 : memref<4x128xi32, #tpu.memory_space<hbm>>) target(%arg8 : memref<4x128xi32, #tpu.memory_space<vmem>>) target_semaphore(%run_scoped3A : memref<!tpu.dma_semaphore, #tpu.memory_space<semaphore_mem>>)
      %dma_wait3A_142 = arith.constant 0 : i32
      %dma_wait3A_143 = arith.constant 0 : i32
      %dma_wait3A_144 = tpu.memref_slice %arg2[%add3A, %dma_wait3A_142, %dma_wait3A_143] : memref<32x4x128xi32, #tpu.memory_space<hbm>> -> memref<1x4x128xi32, #tpu.memory_space<hbm>>
      %dma_wait3A_145 = tpu.memref_squeeze %dma_wait3A_144 : memref<1x4x128xi32, #tpu.memory_space<hbm>> -> memref<4x128xi32, #tpu.memory_space<hbm>>
      %dma_wait3A_146 = arith.constant 0 : i32
      %dma_wait3A_147 = arith.constant 0 : i32
      %dma_wait3A_148 = tpu.memref_slice %arg2[%add3A, %dma_wait3A_146, %dma_wait3A_147] : memref<32x4x128xi32, #tpu.memory_space<hbm>> -> memref<1x4x128xi32, #tpu.memory_space<hbm>>
      %dma_wait3A_149 = tpu.memref_squeeze %dma_wait3A_148 : memref<1x4x128xi32, #tpu.memory_space<hbm>> -> memref<4x128xi32, #tpu.memory_space<hbm>>
      tpu.wait_dma2 semaphore(%run_scoped3A : memref<!tpu.dma_semaphore, #tpu.memory_space<semaphore_mem>>) src(%dma_wait3A_149 : memref<4x128xi32, #tpu.memory_space<hbm>>) dst(%arg8 : memref<4x128xi32, #tpu.memory_space<vmem>>)
      tpu.yield
    }) : () -> ()
    "tpu.region"() ({
      %run_scoped3A = tpu.sem_alloc : memref<!tpu.dma_semaphore, #tpu.memory_space<semaphore_mem>>
      %dma_start3A_134 = arith.constant 0 : i32
      %dma_start3A_135 = arith.constant 0 : i32
      %dma_start3A_136 = tpu.memref_slice %arg3[%add3A, %dma_start3A_134, %dma_start3A_135] : memref<32x4x128xi32, #tpu.memory_space<hbm>> -> memref<1x4x128xi32, #tpu.memory_space<hbm>>
      %dma_start3A_137 = tpu.memref_squeeze %dma_start3A_136 : memref<1x4x128xi32, #tpu.memory_space<hbm>> -> memref<4x128xi32, #tpu.memory_space<hbm>>
      %dma_start3A_138 = arith.constant 0 : i32
      %dma_start3A_139 = arith.constant 0 : i32
      %dma_start3A_140 = tpu.memref_slice %arg3[%add3A, %dma_start3A_138, %dma_start3A_139] : memref<32x4x128xi32, #tpu.memory_space<hbm>> -> memref<1x4x128xi32, #tpu.memory_space<hbm>>
      %dma_start3A_141 = tpu.memref_squeeze %dma_start3A_140 : memref<1x4x128xi32, #tpu.memory_space<hbm>> -> memref<4x128xi32, #tpu.memory_space<hbm>>
      tpu.enqueue_dma source(%dma_start3A_141 : memref<4x128xi32, #tpu.memory_space<hbm>>) target(%arg9 : memref<4x128xi32, #tpu.memory_space<vmem>>) target_semaphore(%run_scoped3A : memref<!tpu.dma_semaphore, #tpu.memory_space<semaphore_mem>>)
      %dma_wait3A_142 = arith.constant 0 : i32
      %dma_wait3A_143 = arith.constant 0 : i32
      %dma_wait3A_144 = tpu.memref_slice %arg3[%add3A, %dma_wait3A_142, %dma_wait3A_143] : memref<32x4x128xi32, #tpu.memory_space<hbm>> -> memref<1x4x128xi32, #tpu.memory_space<hbm>>
      %dma_wait3A_145 = tpu.memref_squeeze %dma_wait3A_144 : memref<1x4x128xi32, #tpu.memory_space<hbm>> -> memref<4x128xi32, #tpu.memory_space<hbm>>
      %dma_wait3A_146 = arith.constant 0 : i32
      %dma_wait3A_147 = arith.constant 0 : i32
      %dma_wait3A_148 = tpu.memref_slice %arg3[%add3A, %dma_wait3A_146, %dma_wait3A_147] : memref<32x4x128xi32, #tpu.memory_space<hbm>> -> memref<1x4x128xi32, #tpu.memory_space<hbm>>
      %dma_wait3A_149 = tpu.memref_squeeze %dma_wait3A_148 : memref<1x4x128xi32, #tpu.memory_space<hbm>> -> memref<4x128xi32, #tpu.memory_space<hbm>>
      tpu.wait_dma2 semaphore(%run_scoped3A : memref<!tpu.dma_semaphore, #tpu.memory_space<semaphore_mem>>) src(%dma_wait3A_149 : memref<4x128xi32, #tpu.memory_space<hbm>>) dst(%arg9 : memref<4x128xi32, #tpu.memory_space<vmem>>)
      tpu.yield
    }) : () -> ()
    "tpu.region"() ({
      %run_scoped3A = tpu.sem_alloc : memref<!tpu.dma_semaphore, #tpu.memory_space<semaphore_mem>>
      %dma_start3A_134 = tpu.memref_slice %arg4[%mul3A_2] : memref<16384xf32, #tpu.memory_space<hbm>> -> memref<512xf32, #tpu.memory_space<hbm>>
      %dma_start3A_135 = tpu.memref_slice %arg4[%mul3A_2] : memref<16384xf32, #tpu.memory_space<hbm>> -> memref<512xf32, #tpu.memory_space<hbm>>
      tpu.enqueue_dma source(%dma_start3A_135 : memref<512xf32, #tpu.memory_space<hbm>>) target(%arg12 : memref<512xf32, #tpu.memory_space<vmem>>) target_semaphore(%run_scoped3A : memref<!tpu.dma_semaphore, #tpu.memory_space<semaphore_mem>>)
      %dma_wait3A_136 = tpu.memref_slice %arg4[%mul3A_2] : memref<16384xf32, #tpu.memory_space<hbm>> -> memref<512xf32, #tpu.memory_space<hbm>>
      %dma_wait3A_137 = tpu.memref_slice %arg4[%mul3A_2] : memref<16384xf32, #tpu.memory_space<hbm>> -> memref<512xf32, #tpu.memory_space<hbm>>
      tpu.wait_dma2 semaphore(%run_scoped3A : memref<!tpu.dma_semaphore, #tpu.memory_space<semaphore_mem>>) src(%dma_wait3A_137 : memref<512xf32, #tpu.memory_space<hbm>>) dst(%arg12 : memref<512xf32, #tpu.memory_space<vmem>>)
      tpu.yield
    }) : () -> ()
    %dma_start3A = arith.constant 0 : i32
    %dma_start3A_3 = arith.constant 0 : i32
    %dma_start3A_4 = tpu.memref_slice %arg10[%dma_start3A_3] : memref<512xf32, #tpu.memory_space<vmem>> -> memref<128xf32, #tpu.memory_space<vmem>>
    %dma_start3A_5 = arith.constant 0 : i32
    %dma_start3A_6 = tpu.memref_slice %arg8[%dma_start3A, %dma_start3A_5] : memref<4x128xi32, #tpu.memory_space<vmem>> -> memref<1x128xi32, #tpu.memory_space<vmem>>
    %dma_start3A_7 = tpu.memref_squeeze %dma_start3A_6 : memref<1x128xi32, #tpu.memory_space<vmem>> -> memref<128xi32, #tpu.memory_space<vmem>>
    %dma_start3A_8 = arith.constant 0 : i32
    %dma_start3A_9 = tpu.memref_slice %arg5[%dma_start3A_8] : memref<1000000xf32, #tpu.memory_space<hbm>> -> memref<1000000xf32, #tpu.memory_space<hbm>>
    tpu.enqueue_indirect_dma source(%dma_start3A_9 : memref<1000000xf32, #tpu.memory_space<hbm>>) target(%dma_start3A_4 : memref<128xf32, #tpu.memory_space<vmem>>) offsets(%dma_start3A_7 : memref<128xi32, #tpu.memory_space<vmem>>) semaphore(%arg13 : memref<!tpu.dma_semaphore, #tpu.memory_space<semaphore_mem>>)
    %dma_start3A_10 = arith.constant 0 : i32
    %dma_start3A_11 = arith.constant 0 : i32
    %dma_start3A_12 = tpu.memref_slice %arg11[%dma_start3A_11] : memref<512xf32, #tpu.memory_space<vmem>> -> memref<128xf32, #tpu.memory_space<vmem>>
    %dma_start3A_13 = arith.constant 0 : i32
    %dma_start3A_14 = tpu.memref_slice %arg9[%dma_start3A_10, %dma_start3A_13] : memref<4x128xi32, #tpu.memory_space<vmem>> -> memref<1x128xi32, #tpu.memory_space<vmem>>
    %dma_start3A_15 = tpu.memref_squeeze %dma_start3A_14 : memref<1x128xi32, #tpu.memory_space<vmem>> -> memref<128xi32, #tpu.memory_space<vmem>>
    %dma_start3A_16 = arith.constant 0 : i32
    %dma_start3A_17 = tpu.memref_slice %arg6[%dma_start3A_16] : memref<1000000xf32, #tpu.memory_space<hbm>> -> memref<1000000xf32, #tpu.memory_space<hbm>>
    tpu.enqueue_indirect_dma source(%dma_start3A_17 : memref<1000000xf32, #tpu.memory_space<hbm>>) target(%dma_start3A_12 : memref<128xf32, #tpu.memory_space<vmem>>) offsets(%dma_start3A_15 : memref<128xi32, #tpu.memory_space<vmem>>) semaphore(%arg13 : memref<!tpu.dma_semaphore, #tpu.memory_space<semaphore_mem>>)
    %dma_start3A_18 = arith.constant 1 : i32
    %dma_start3A_19 = arith.constant 128 : i32
    %dma_start3A_20 = tpu.memref_slice %arg10[%dma_start3A_19] : memref<512xf32, #tpu.memory_space<vmem>> -> memref<128xf32, #tpu.memory_space<vmem>>
    %dma_start3A_21 = arith.constant 0 : i32
    %dma_start3A_22 = tpu.memref_slice %arg8[%dma_start3A_18, %dma_start3A_21] : memref<4x128xi32, #tpu.memory_space<vmem>> -> memref<1x128xi32, #tpu.memory_space<vmem>>
    %dma_start3A_23 = tpu.memref_squeeze %dma_start3A_22 : memref<1x128xi32, #tpu.memory_space<vmem>> -> memref<128xi32, #tpu.memory_space<vmem>>
    %dma_start3A_24 = arith.constant 0 : i32
    %dma_start3A_25 = tpu.memref_slice %arg5[%dma_start3A_24] : memref<1000000xf32, #tpu.memory_space<hbm>> -> memref<1000000xf32, #tpu.memory_space<hbm>>
    tpu.enqueue_indirect_dma source(%dma_start3A_25 : memref<1000000xf32, #tpu.memory_space<hbm>>) target(%dma_start3A_20 : memref<128xf32, #tpu.memory_space<vmem>>) offsets(%dma_start3A_23 : memref<128xi32, #tpu.memory_space<vmem>>) semaphore(%arg13 : memref<!tpu.dma_semaphore, #tpu.memory_space<semaphore_mem>>)
    %dma_start3A_26 = arith.constant 1 : i32
    %dma_start3A_27 = arith.constant 128 : i32
    %dma_start3A_28 = tpu.memref_slice %arg11[%dma_start3A_27] : memref<512xf32, #tpu.memory_space<vmem>> -> memref<128xf32, #tpu.memory_space<vmem>>
    %dma_start3A_29 = arith.constant 0 : i32
    %dma_start3A_30 = tpu.memref_slice %arg9[%dma_start3A_26, %dma_start3A_29] : memref<4x128xi32, #tpu.memory_space<vmem>> -> memref<1x128xi32, #tpu.memory_space<vmem>>
    %dma_start3A_31 = tpu.memref_squeeze %dma_start3A_30 : memref<1x128xi32, #tpu.memory_space<vmem>> -> memref<128xi32, #tpu.memory_space<vmem>>
    %dma_start3A_32 = arith.constant 0 : i32
    %dma_start3A_33 = tpu.memref_slice %arg6[%dma_start3A_32] : memref<1000000xf32, #tpu.memory_space<hbm>> -> memref<1000000xf32, #tpu.memory_space<hbm>>
    tpu.enqueue_indirect_dma source(%dma_start3A_33 : memref<1000000xf32, #tpu.memory_space<hbm>>) target(%dma_start3A_28 : memref<128xf32, #tpu.memory_space<vmem>>) offsets(%dma_start3A_31 : memref<128xi32, #tpu.memory_space<vmem>>) semaphore(%arg13 : memref<!tpu.dma_semaphore, #tpu.memory_space<semaphore_mem>>)
    %dma_start3A_34 = arith.constant 2 : i32
    %dma_start3A_35 = arith.constant 256 : i32
    %dma_start3A_36 = tpu.memref_slice %arg10[%dma_start3A_35] : memref<512xf32, #tpu.memory_space<vmem>> -> memref<128xf32, #tpu.memory_space<vmem>>
    %dma_start3A_37 = arith.constant 0 : i32
    %dma_start3A_38 = tpu.memref_slice %arg8[%dma_start3A_34, %dma_start3A_37] : memref<4x128xi32, #tpu.memory_space<vmem>> -> memref<1x128xi32, #tpu.memory_space<vmem>>
    %dma_start3A_39 = tpu.memref_squeeze %dma_start3A_38 : memref<1x128xi32, #tpu.memory_space<vmem>> -> memref<128xi32, #tpu.memory_space<vmem>>
    %dma_start3A_40 = arith.constant 0 : i32
    %dma_start3A_41 = tpu.memref_slice %arg5[%dma_start3A_40] : memref<1000000xf32, #tpu.memory_space<hbm>> -> memref<1000000xf32, #tpu.memory_space<hbm>>
    tpu.enqueue_indirect_dma source(%dma_start3A_41 : memref<1000000xf32, #tpu.memory_space<hbm>>) target(%dma_start3A_36 : memref<128xf32, #tpu.memory_space<vmem>>) offsets(%dma_start3A_39 : memref<128xi32, #tpu.memory_space<vmem>>) semaphore(%arg13 : memref<!tpu.dma_semaphore, #tpu.memory_space<semaphore_mem>>)
    %dma_start3A_42 = arith.constant 2 : i32
    %dma_start3A_43 = arith.constant 256 : i32
    %dma_start3A_44 = tpu.memref_slice %arg11[%dma_start3A_43] : memref<512xf32, #tpu.memory_space<vmem>> -> memref<128xf32, #tpu.memory_space<vmem>>
    %dma_start3A_45 = arith.constant 0 : i32
    %dma_start3A_46 = tpu.memref_slice %arg9[%dma_start3A_42, %dma_start3A_45] : memref<4x128xi32, #tpu.memory_space<vmem>> -> memref<1x128xi32, #tpu.memory_space<vmem>>
    %dma_start3A_47 = tpu.memref_squeeze %dma_start3A_46 : memref<1x128xi32, #tpu.memory_space<vmem>> -> memref<128xi32, #tpu.memory_space<vmem>>
    %dma_start3A_48 = arith.constant 0 : i32
    %dma_start3A_49 = tpu.memref_slice %arg6[%dma_start3A_48] : memref<1000000xf32, #tpu.memory_space<hbm>> -> memref<1000000xf32, #tpu.memory_space<hbm>>
    tpu.enqueue_indirect_dma source(%dma_start3A_49 : memref<1000000xf32, #tpu.memory_space<hbm>>) target(%dma_start3A_44 : memref<128xf32, #tpu.memory_space<vmem>>) offsets(%dma_start3A_47 : memref<128xi32, #tpu.memory_space<vmem>>) semaphore(%arg13 : memref<!tpu.dma_semaphore, #tpu.memory_space<semaphore_mem>>)
    %dma_start3A_50 = arith.constant 3 : i32
    %dma_start3A_51 = arith.constant 384 : i32
    %dma_start3A_52 = tpu.memref_slice %arg10[%dma_start3A_51] : memref<512xf32, #tpu.memory_space<vmem>> -> memref<128xf32, #tpu.memory_space<vmem>>
    %dma_start3A_53 = arith.constant 0 : i32
    %dma_start3A_54 = tpu.memref_slice %arg8[%dma_start3A_50, %dma_start3A_53] : memref<4x128xi32, #tpu.memory_space<vmem>> -> memref<1x128xi32, #tpu.memory_space<vmem>>
    %dma_start3A_55 = tpu.memref_squeeze %dma_start3A_54 : memref<1x128xi32, #tpu.memory_space<vmem>> -> memref<128xi32, #tpu.memory_space<vmem>>
    %dma_start3A_56 = arith.constant 0 : i32
    %dma_start3A_57 = tpu.memref_slice %arg5[%dma_start3A_56] : memref<1000000xf32, #tpu.memory_space<hbm>> -> memref<1000000xf32, #tpu.memory_space<hbm>>
    tpu.enqueue_indirect_dma source(%dma_start3A_57 : memref<1000000xf32, #tpu.memory_space<hbm>>) target(%dma_start3A_52 : memref<128xf32, #tpu.memory_space<vmem>>) offsets(%dma_start3A_55 : memref<128xi32, #tpu.memory_space<vmem>>) semaphore(%arg13 : memref<!tpu.dma_semaphore, #tpu.memory_space<semaphore_mem>>)
    %dma_start3A_58 = arith.constant 3 : i32
    %dma_start3A_59 = arith.constant 384 : i32
    %dma_start3A_60 = tpu.memref_slice %arg11[%dma_start3A_59] : memref<512xf32, #tpu.memory_space<vmem>> -> memref<128xf32, #tpu.memory_space<vmem>>
    %dma_start3A_61 = arith.constant 0 : i32
    %dma_start3A_62 = tpu.memref_slice %arg9[%dma_start3A_58, %dma_start3A_61] : memref<4x128xi32, #tpu.memory_space<vmem>> -> memref<1x128xi32, #tpu.memory_space<vmem>>
    %dma_start3A_63 = tpu.memref_squeeze %dma_start3A_62 : memref<1x128xi32, #tpu.memory_space<vmem>> -> memref<128xi32, #tpu.memory_space<vmem>>
    %dma_start3A_64 = arith.constant 0 : i32
    %dma_start3A_65 = tpu.memref_slice %arg6[%dma_start3A_64] : memref<1000000xf32, #tpu.memory_space<hbm>> -> memref<1000000xf32, #tpu.memory_space<hbm>>
    tpu.enqueue_indirect_dma source(%dma_start3A_65 : memref<1000000xf32, #tpu.memory_space<hbm>>) target(%dma_start3A_60 : memref<128xf32, #tpu.memory_space<vmem>>) offsets(%dma_start3A_63 : memref<128xi32, #tpu.memory_space<vmem>>) semaphore(%arg13 : memref<!tpu.dma_semaphore, #tpu.memory_space<semaphore_mem>>)
    %dma_wait3A = arith.constant 0 : i32
    %dma_wait3A_66 = arith.constant 0 : i32
    %dma_wait3A_67 = tpu.memref_slice %arg10[%dma_wait3A_66] : memref<512xf32, #tpu.memory_space<vmem>> -> memref<128xf32, #tpu.memory_space<vmem>>
    %dma_wait3A_68 = arith.constant 0 : i32
    %dma_wait3A_69 = tpu.memref_slice %arg8[%dma_wait3A, %dma_wait3A_68] : memref<4x128xi32, #tpu.memory_space<vmem>> -> memref<1x128xi32, #tpu.memory_space<vmem>>
    %dma_wait3A_70 = tpu.memref_squeeze %dma_wait3A_69 : memref<1x128xi32, #tpu.memory_space<vmem>> -> memref<128xi32, #tpu.memory_space<vmem>>
    %dma_wait3A_71 = arith.constant 0 : i32
    %dma_wait3A_72 = tpu.memref_slice %arg5[%dma_wait3A_71] : memref<1000000xf32, #tpu.memory_space<hbm>> -> memref<1000000xf32, #tpu.memory_space<hbm>>
    tpu.wait_indirect_dma semaphore(%arg13 : memref<!tpu.dma_semaphore, #tpu.memory_space<semaphore_mem>>) src(%dma_wait3A_72 : memref<1000000xf32, #tpu.memory_space<hbm>>) dst(%dma_wait3A_67 : memref<128xf32, #tpu.memory_space<vmem>>)
    %dma_wait3A_73 = arith.constant 0 : i32
    %dma_wait3A_74 = arith.constant 0 : i32
    %dma_wait3A_75 = tpu.memref_slice %arg11[%dma_wait3A_74] : memref<512xf32, #tpu.memory_space<vmem>> -> memref<128xf32, #tpu.memory_space<vmem>>
    %dma_wait3A_76 = arith.constant 0 : i32
    %dma_wait3A_77 = tpu.memref_slice %arg9[%dma_wait3A_73, %dma_wait3A_76] : memref<4x128xi32, #tpu.memory_space<vmem>> -> memref<1x128xi32, #tpu.memory_space<vmem>>
    %dma_wait3A_78 = tpu.memref_squeeze %dma_wait3A_77 : memref<1x128xi32, #tpu.memory_space<vmem>> -> memref<128xi32, #tpu.memory_space<vmem>>
    %dma_wait3A_79 = arith.constant 0 : i32
    %dma_wait3A_80 = tpu.memref_slice %arg6[%dma_wait3A_79] : memref<1000000xf32, #tpu.memory_space<hbm>> -> memref<1000000xf32, #tpu.memory_space<hbm>>
    tpu.wait_indirect_dma semaphore(%arg13 : memref<!tpu.dma_semaphore, #tpu.memory_space<semaphore_mem>>) src(%dma_wait3A_80 : memref<1000000xf32, #tpu.memory_space<hbm>>) dst(%dma_wait3A_75 : memref<128xf32, #tpu.memory_space<vmem>>)
    %dma_wait3A_81 = arith.constant 1 : i32
    %dma_wait3A_82 = arith.constant 128 : i32
    %dma_wait3A_83 = tpu.memref_slice %arg10[%dma_wait3A_82] : memref<512xf32, #tpu.memory_space<vmem>> -> memref<128xf32, #tpu.memory_space<vmem>>
    %dma_wait3A_84 = arith.constant 0 : i32
    %dma_wait3A_85 = tpu.memref_slice %arg8[%dma_wait3A_81, %dma_wait3A_84] : memref<4x128xi32, #tpu.memory_space<vmem>> -> memref<1x128xi32, #tpu.memory_space<vmem>>
    %dma_wait3A_86 = tpu.memref_squeeze %dma_wait3A_85 : memref<1x128xi32, #tpu.memory_space<vmem>> -> memref<128xi32, #tpu.memory_space<vmem>>
    %dma_wait3A_87 = arith.constant 0 : i32
    %dma_wait3A_88 = tpu.memref_slice %arg5[%dma_wait3A_87] : memref<1000000xf32, #tpu.memory_space<hbm>> -> memref<1000000xf32, #tpu.memory_space<hbm>>
    tpu.wait_indirect_dma semaphore(%arg13 : memref<!tpu.dma_semaphore, #tpu.memory_space<semaphore_mem>>) src(%dma_wait3A_88 : memref<1000000xf32, #tpu.memory_space<hbm>>) dst(%dma_wait3A_83 : memref<128xf32, #tpu.memory_space<vmem>>)
    %dma_wait3A_89 = arith.constant 1 : i32
    %dma_wait3A_90 = arith.constant 128 : i32
    %dma_wait3A_91 = tpu.memref_slice %arg11[%dma_wait3A_90] : memref<512xf32, #tpu.memory_space<vmem>> -> memref<128xf32, #tpu.memory_space<vmem>>
    %dma_wait3A_92 = arith.constant 0 : i32
    %dma_wait3A_93 = tpu.memref_slice %arg9[%dma_wait3A_89, %dma_wait3A_92] : memref<4x128xi32, #tpu.memory_space<vmem>> -> memref<1x128xi32, #tpu.memory_space<vmem>>
    %dma_wait3A_94 = tpu.memref_squeeze %dma_wait3A_93 : memref<1x128xi32, #tpu.memory_space<vmem>> -> memref<128xi32, #tpu.memory_space<vmem>>
    %dma_wait3A_95 = arith.constant 0 : i32
    %dma_wait3A_96 = tpu.memref_slice %arg6[%dma_wait3A_95] : memref<1000000xf32, #tpu.memory_space<hbm>> -> memref<1000000xf32, #tpu.memory_space<hbm>>
    tpu.wait_indirect_dma semaphore(%arg13 : memref<!tpu.dma_semaphore, #tpu.memory_space<semaphore_mem>>) src(%dma_wait3A_96 : memref<1000000xf32, #tpu.memory_space<hbm>>) dst(%dma_wait3A_91 : memref<128xf32, #tpu.memory_space<vmem>>)
    %dma_wait3A_97 = arith.constant 2 : i32
    %dma_wait3A_98 = arith.constant 256 : i32
    %dma_wait3A_99 = tpu.memref_slice %arg10[%dma_wait3A_98] : memref<512xf32, #tpu.memory_space<vmem>> -> memref<128xf32, #tpu.memory_space<vmem>>
    %dma_wait3A_100 = arith.constant 0 : i32
    %dma_wait3A_101 = tpu.memref_slice %arg8[%dma_wait3A_97, %dma_wait3A_100] : memref<4x128xi32, #tpu.memory_space<vmem>> -> memref<1x128xi32, #tpu.memory_space<vmem>>
    %dma_wait3A_102 = tpu.memref_squeeze %dma_wait3A_101 : memref<1x128xi32, #tpu.memory_space<vmem>> -> memref<128xi32, #tpu.memory_space<vmem>>
    %dma_wait3A_103 = arith.constant 0 : i32
    %dma_wait3A_104 = tpu.memref_slice %arg5[%dma_wait3A_103] : memref<1000000xf32, #tpu.memory_space<hbm>> -> memref<1000000xf32, #tpu.memory_space<hbm>>
    tpu.wait_indirect_dma semaphore(%arg13 : memref<!tpu.dma_semaphore, #tpu.memory_space<semaphore_mem>>) src(%dma_wait3A_104 : memref<1000000xf32, #tpu.memory_space<hbm>>) dst(%dma_wait3A_99 : memref<128xf32, #tpu.memory_space<vmem>>)
    %dma_wait3A_105 = arith.constant 2 : i32
    %dma_wait3A_106 = arith.constant 256 : i32
    %dma_wait3A_107 = tpu.memref_slice %arg11[%dma_wait3A_106] : memref<512xf32, #tpu.memory_space<vmem>> -> memref<128xf32, #tpu.memory_space<vmem>>
    %dma_wait3A_108 = arith.constant 0 : i32
    %dma_wait3A_109 = tpu.memref_slice %arg9[%dma_wait3A_105, %dma_wait3A_108] : memref<4x128xi32, #tpu.memory_space<vmem>> -> memref<1x128xi32, #tpu.memory_space<vmem>>
    %dma_wait3A_110 = tpu.memref_squeeze %dma_wait3A_109 : memref<1x128xi32, #tpu.memory_space<vmem>> -> memref<128xi32, #tpu.memory_space<vmem>>
    %dma_wait3A_111 = arith.constant 0 : i32
    %dma_wait3A_112 = tpu.memref_slice %arg6[%dma_wait3A_111] : memref<1000000xf32, #tpu.memory_space<hbm>> -> memref<1000000xf32, #tpu.memory_space<hbm>>
    tpu.wait_indirect_dma semaphore(%arg13 : memref<!tpu.dma_semaphore, #tpu.memory_space<semaphore_mem>>) src(%dma_wait3A_112 : memref<1000000xf32, #tpu.memory_space<hbm>>) dst(%dma_wait3A_107 : memref<128xf32, #tpu.memory_space<vmem>>)
    %dma_wait3A_113 = arith.constant 3 : i32
    %dma_wait3A_114 = arith.constant 384 : i32
    %dma_wait3A_115 = tpu.memref_slice %arg10[%dma_wait3A_114] : memref<512xf32, #tpu.memory_space<vmem>> -> memref<128xf32, #tpu.memory_space<vmem>>
    %dma_wait3A_116 = arith.constant 0 : i32
    %dma_wait3A_117 = tpu.memref_slice %arg8[%dma_wait3A_113, %dma_wait3A_116] : memref<4x128xi32, #tpu.memory_space<vmem>> -> memref<1x128xi32, #tpu.memory_space<vmem>>
    %dma_wait3A_118 = tpu.memref_squeeze %dma_wait3A_117 : memref<1x128xi32, #tpu.memory_space<vmem>> -> memref<128xi32, #tpu.memory_space<vmem>>
    %dma_wait3A_119 = arith.constant 0 : i32
    %dma_wait3A_120 = tpu.memref_slice %arg5[%dma_wait3A_119] : memref<1000000xf32, #tpu.memory_space<hbm>> -> memref<1000000xf32, #tpu.memory_space<hbm>>
    tpu.wait_indirect_dma semaphore(%arg13 : memref<!tpu.dma_semaphore, #tpu.memory_space<semaphore_mem>>) src(%dma_wait3A_120 : memref<1000000xf32, #tpu.memory_space<hbm>>) dst(%dma_wait3A_115 : memref<128xf32, #tpu.memory_space<vmem>>)
    %dma_wait3A_121 = arith.constant 3 : i32
    %dma_wait3A_122 = arith.constant 384 : i32
    %dma_wait3A_123 = tpu.memref_slice %arg11[%dma_wait3A_122] : memref<512xf32, #tpu.memory_space<vmem>> -> memref<128xf32, #tpu.memory_space<vmem>>
    %dma_wait3A_124 = arith.constant 0 : i32
    %dma_wait3A_125 = tpu.memref_slice %arg9[%dma_wait3A_121, %dma_wait3A_124] : memref<4x128xi32, #tpu.memory_space<vmem>> -> memref<1x128xi32, #tpu.memory_space<vmem>>
    %dma_wait3A_126 = tpu.memref_squeeze %dma_wait3A_125 : memref<1x128xi32, #tpu.memory_space<vmem>> -> memref<128xi32, #tpu.memory_space<vmem>>
    %dma_wait3A_127 = arith.constant 0 : i32
    %dma_wait3A_128 = tpu.memref_slice %arg6[%dma_wait3A_127] : memref<1000000xf32, #tpu.memory_space<hbm>> -> memref<1000000xf32, #tpu.memory_space<hbm>>
    tpu.wait_indirect_dma semaphore(%arg13 : memref<!tpu.dma_semaphore, #tpu.memory_space<semaphore_mem>>) src(%dma_wait3A_128 : memref<1000000xf32, #tpu.memory_space<hbm>>) dst(%dma_wait3A_123 : memref<128xf32, #tpu.memory_space<vmem>>)
    %scan3A = arith.constant 0 : i32
    %scan3A_129 = arith.constant 0 : i32
    %scan3A_130 = arith.constant 32 : i32
    %scan3A_131 = arith.addi %scan3A_129, %scan3A_130 : i32
    %scan3A_132 = arith.constant 1 : i32
    scf.for %scan3A_134 = %scan3A_129 to %scan3A_131 step %scan3A_132  : i32 {
      %mul3A_135 = arith.constant 16 : i32
      %mul3A_136 = arith.muli %scan3A_134, %mul3A_135 : i32
      %get3A = arith.index_cast %mul3A_136 : i32 to index
      %get3A_137 = tpu.vector_load %arg12[%get3A] {strides = array<i32>} : memref<512xf32, #tpu.memory_space<vmem>>, vector<16xf32>,
      %get3A_138 = arith.index_cast %mul3A_136 : i32 to index
      %get3A_139 = tpu.vector_load %arg10[%get3A_138] {strides = array<i32>} : memref<512xf32, #tpu.memory_space<vmem>>, vector<16xf32>,
      %add3A_140 = arith.addf %get3A_137, %get3A_139 : vector<16xf32>
      %get3A_141 = arith.index_cast %mul3A_136 : i32 to index
      %get3A_142 = tpu.vector_load %arg11[%get3A_141] {strides = array<i32>} : memref<512xf32, #tpu.memory_space<vmem>>, vector<16xf32>,
      %add3A_143 = arith.addf %add3A_140, %get3A_142 : vector<16xf32>
      %swap3A = arith.index_cast %mul3A_136 : i32 to index
      %swap3A_144 = tpu.vector_load %arg12[%swap3A] {strides = array<i32>} : memref<512xf32, #tpu.memory_space<vmem>>, vector<16xf32>,
      tpu.vector_store %arg12[%swap3A], %add3A_143 {strides = array<i32>} : memref<512xf32, #tpu.memory_space<vmem>>, vector<16xf32>,
    }
    %scan3A_133 = arith.constant 32 : i32
    "tpu.region"() ({
      %run_scoped3A = tpu.sem_alloc : memref<!tpu.dma_semaphore, #tpu.memory_space<semaphore_mem>>
      %dma_start3A_134 = tpu.memref_slice %arg7[%mul3A_2] : memref<16384xf32, #tpu.memory_space<hbm>> -> memref<512xf32, #tpu.memory_space<hbm>>
      %dma_start3A_135 = tpu.memref_slice %arg7[%mul3A_2] : memref<16384xf32, #tpu.memory_space<hbm>> -> memref<512xf32, #tpu.memory_space<hbm>>
      tpu.enqueue_dma source(%arg12 : memref<512xf32, #tpu.memory_space<vmem>>) target(%dma_start3A_135 : memref<512xf32, #tpu.memory_space<hbm>>) target_semaphore(%run_scoped3A : memref<!tpu.dma_semaphore, #tpu.memory_space<semaphore_mem>>)
      %dma_wait3A_136 = tpu.memref_slice %arg7[%mul3A_2] : memref<16384xf32, #tpu.memory_space<hbm>> -> memref<512xf32, #tpu.memory_space<hbm>>
      %dma_wait3A_137 = tpu.memref_slice %arg7[%mul3A_2] : memref<16384xf32, #tpu.memory_space<hbm>> -> memref<512xf32, #tpu.memory_space<hbm>>
      tpu.wait_dma2 semaphore(%run_scoped3A : memref<!tpu.dma_semaphore, #tpu.memory_space<semaphore_mem>>) src(%arg12 : memref<512xf32, #tpu.memory_space<vmem>>) dst(%dma_wait3A_137 : memref<512xf32, #tpu.memory_space<hbm>>)
      tpu.yield
    }) : () -> ()
    return
  }
}

</mosaic_0001>

<sc_bundles>
// kernel: kernel.4.cloned.1.call-start
scs
__scs_entry_jumppad:
0x0: {  	(pc) =	sbr.rel $0x88, $3  }
0x1: {  	(tag) =	ssettag $0x0;
	lr =	simm.s32 $0x1  }
0x2: {  	[smem:$0x3F9B] =	sst lr;
	_ =	strace $0xD0000000  }
0x3: {  	_ = 	snop  }
0x4: {  	_ = 	snop  }
0x5: {  	_ = 	snop  }
0x6: {  	_ = 	snop  }
0x7: {  	_ = 	snop  }
__scs_overlays_trampoline_lowered:
0x8: {  	[smem:$0x3FAA] =	sst s0  }
0x9: {  	[smem:$0x3FAB] =	sst s1  }
0xa: {  	[smem:$0x3FAC] =	sst s2  }
0xb: {  	[smem:$0x3FAD] =	sst s3  }
0xc: {  	[smem:$0x3FAE] =	sst s4  }
0xd: {  	[smem:$0x3FAF] =	sst s5  }
0xe: {  	[smem:$0x3FB0] =	sst s6  }
0xf: {  	[smem:$0x3FB1] =	sst s7  }
0x10: {  	[smem:$0x3FB2] =	sst s8  }
0x11: {  	[smem:$0x3FB3] =	sst s9;
	s0 =	simm.s32 @!p0 $0x0  }
0x12: {  	s1 =	sld [smem:$0x3F99];
	s0 =	simm.s32 @p0 $0x1  }
0x13: {  	[smem:$0x3FB4] =	sst s0;
	s0 =	simm.s32 @!p1 $0x0  }
0x14: {  	s2 =	sld [smem:$0x3F98];
	s0 =	simm.s32 @p1 $0x1  }
0x15: {  	[smem:$0x3FB5] =	sst s0;
	s0 =	simm.s32 @!p2 $0x0  }
0x16: {  	s3 =	sld [smem:$0x3FDB];
	s0 =	simm.s32 @p2 $0x1  }
0x17: {  	s4 =	simm.s32 $0x1BF5;
	[smem:$0x3FB7] =	sst s0  }
0x18: {  	s0 =	sld [smem:$0x3F9A];
	_ =	swait.ge [sflag:s4], $0x0  }
0x19: {  	s7 =	sld [smem:$0x3F9B]  }
0x1a: {  	s8 =	sadd.s32 $0xFFFFE003, lr  }
0x1b: {  	s9 =	sadd.s32 $0xFFFFFEF7, lr;
	s5 =	simm.s32 $0xFFFFFFFF;
	p2 =	slt.u32 s8, $0xFFFFF086  }
0x1c: {  	p1 =	slt.u32 s9, $0xF7A;
	s5 =	simm.s32 @!p2 $0x0  }
0x1d: {  	s5 =	simm.s32 @p1 $0x1;
	p0 =	seq.s32 s7, s2  }
0x1e: {  	s7 =	smul.u32 @!p0 $0xF7A, s2;
	p2 =	seq.s32 @!p0 s5, $0x0  }
0x1f: {  	s9 =	smul.u32 $0xF7A, s1;
	s8 =	simm.s32 @!p0 $0x1BF5;
	p2 =	por !p2, p0  }
0x20: {  	[sflag:s8] =	ssyncset.s32 @!p0 $0xFFFFF086;
	s6 =	sadd.s32 @!p0 s3, s7;
	s7 =	simm.s32 @!p0 $0x108  }
0x21: {  	s3 =	sadd.s32 s3, s9;
	s6 =	sadd.s32 @!p0 $0x88, s6;
	s7 =	simm.s32 @p2 $0x1082  }
0x22: {  	[simem:s7], [sflag:s8] =	dma.local @!p0 [hbm:s6], $0xF7A  }
0x23: {  	s9 =	sor.u32 $0xD0000000, s2;
	s6 =	simm.s32 $0x108;
	_ =	swait.ge @!p0 [sflag:s8], $0x0  }
0x24: {  	s3 =	sadd.s32 $0x88, s3;
	s6 =	simm.s32 @!p1 $0x1082;
	[sflag:s4] =	ssyncset.s32 $0xFFFFF086  }
0x25: {  	[simem:s6], [sflag:s4] =	dma.local [hbm:s3], $0xF7A  }
0x26: {  	[smem:$0x3F9B] =	sst s1;
	(tag) =	ssettag s2;
	_ =	strace s9  }
0x27: {  	s1 =	sld [smem:$0x3FAB]  }
0x28: {  	s2 =	sld [smem:$0x3FAC]  }
0x29: {  	s4 =	sld [smem:$0x3FAE]  }
0x2a: {  	p0 =	seq.s32 s5, $0x0;
	s5 =	sld [smem:$0x3FAF]  }
0x2b: {  	s6 =	sld [smem:$0x3FB0]  }
0x2c: {  	s7 =	sld [smem:$0x3FB1]  }
0x2d: {  	s3 =	simm.s32 $0x108;
	s8 =	sld [smem:$0x3FB2]  }
0x2e: {  	s3 =	simm.s32 @!p0 $0x1082;
	s9 =	sld [smem:$0x3FB3]  }
0x2f: {  	lr =	sadd.s32 s0, s3;
	s0 =	sld [smem:$0x3FAA]  }
0x30: {  	s3 =	sld [smem:$0x3FAD]  }
0x31: {  	[smem:$0x3FB6] =	sst s10  }
0x32: {  	s10 =	sld [smem:$0x3FB4];
	_ =	sdelay $0x3  }
0x33: {  	p0 =	seq.s32 s10, $0x1;
	s10 =	sld [smem:$0x3FB6];
	_ =	sdelay $0x3  }
0x34: {  	[smem:$0x3FB6] =	sst s10  }
0x35: {  	s10 =	sld [smem:$0x3FB5];
	_ =	sdelay $0x3  }
0x36: {  	p1 =	seq.s32 s10, $0x1;
	s10 =	sld [smem:$0x3FB6];
	_ =	sdelay $0x3  }
0x37: {  	[smem:$0x3FB6] =	sst s10  }
0x38: {  	s10 =	sld [smem:$0x3FB7]  }
0x39: {  	_ = 	snop;
	(pc) =	sbr.ind lr, $3  }
0x3a: {  	_ = 	snop  }
0x3b: {  	_ = 	snop  }
0x3c: {  	p2 =	seq.s32 s10, $0x1;
	s10 =	sld [smem:$0x3FB6]  }
0x3d: {  	_ =	shalt  }
0x3e: {  	_ =	shalt  }
0x3f: {  	_ =	shalt  }
0x40: {  	_ =	shalt  }
0x41: {  	_ =	shalt  }
0x42: {  	_ =	shalt  }
0x43: {  	_ =	shalt  }
0x44: {  	_ =	shalt  }
0x45: {  	_ =	shalt  }
0x46: {  	_ =	shalt  }
0x47: {  	_ =	shalt  }
0x48: {  	_ =	shalt  }
0x49: {  	_ =	shalt  }
0x4a: {  	_ =	shalt  }
0x4b: {  	_ =	shalt  }
0x4c: {  	_ =	shalt  }
0x4d: {  	_ =	shalt  }
0x4e: {  	_ =	shalt  }
0x4f: {  	_ =	shalt  }
0x50: {  	_ =	shalt  }
0x51: {  	_ =	shalt  }
0x52: {  	_ =	shalt  }
0x53: {  	_ =	shalt  }
0x54: {  	_ =	shalt  }
0x55: {  	_ =	shalt  }
0x56: {  	_ =	shalt  }
0x57: {  	_ =	shalt  }
0x58: {  	_ =	shalt  }
0x59: {  	_ =	shalt  }
0x5a: {  	_ =	shalt  }
0x5b: {  	_ =	shalt  }
0x5c: {  	_ =	shalt  }
0x5d: {  	_ =	shalt  }
0x5e: {  	_ =	shalt  }
0x5f: {  	_ =	shalt  }
0x60: {  	_ =	shalt  }
0x61: {  	_ =	shalt  }
0x62: {  	_ =	shalt  }
0x63: {  	_ =	shalt  }
0x64: {  	_ =	shalt  }
0x65: {  	_ =	shalt  }
0x66: {  	_ =	shalt  }
0x67: {  	_ =	shalt  }
0x68: {  	_ =	shalt  }
0x69: {  	_ =	shalt  }
0x6a: {  	_ =	shalt  }
0x6b: {  	_ =	shalt  }
0x6c: {  	_ =	shalt  }
0x6d: {  	_ =	shalt  }
0x6e: {  	_ =	shalt  }
0x6f: {  	_ =	shalt  }
0x70: {  	_ =	shalt  }
0x71: {  	_ =	shalt  }
0x72: {  	_ =	shalt  }
0x73: {  	_ =	shalt  }
0x74: {  	_ =	shalt  }
0x75: {  	_ =	shalt  }
0x76: {  	_ =	shalt  }
0x77: {  	_ =	shalt  }
0x78: {  	_ =	shalt  }
0x79: {  	_ =	shalt  }
0x7a: {  	_ =	shalt  }
0x7b: {  	_ =	shalt  }
0x7c: {  	_ =	shalt  }
0x7d: {  	_ =	shalt  }
0x7e: {  	_ =	shalt  }
0x7f: {  	_ =	shalt  }
0x80: {  	_ =	shalt  }
0x81: {  	_ =	shalt  }
0x82: {  	_ =	shalt  }
0x83: {  	_ =	shalt  }
0x84: {  	_ =	shalt  }
0x85: {  	_ =	shalt  }
0x86: {  	_ =	shalt  }
0x87: {  	_ =	shalt  }
.Lfunc_end0:
.L_simem_size_0:
called_computation_lowered:
.L_overlay_start_0:
0x88: {  	s2 =	sld [smem:$0x3FD9]  }
0x89: {  	s3 =	sld [smem:$0x3FFE];
	_ =	sdelay $0x1  }
0x8a: {  	s1 =	srdreg.scid  }
0x8b: {  	s0 =	sand.u32 $0x1, s1  }
0x8c: {  	s17 =	sshll.u32 s0, $0xA;
	s2 =	sadd.s32 s3, s2  }
0x8d: {  	s2 =	sadd.s32 s2, s17  }
0x8e: {  	[smem:$0x3FC2] =	sst s2  }
0x8f: {  	_ = 	snop  }
0x90: {  	s2 =	sld [smem:$0x3FC7]  }
0x91: {  	s18 =	sld [smem:$0x3FC6]  }
0x92: {  	s4 =	sld [smem:$0x3FD0];
	(tm) =	ssettm $0x1  }
0x93: {  	s5 =	sld [smem:$0x3FFB];
	_ =	sdelay $0x3  }
0x94: {  	_ =	strace s5  }
0x95: {  	s5 =	sld [smem:$0x3FFC];
	_ =	sdelay $0x3  }
0x96: {  	_ =	strace s5  }
0x97: {  	s5 =	sld [smem:$0x3FFD];
	_ =	sdelay $0x3  }
0x98: {  	_ =	strace s5  }
0x99: {  	_ =	strace $0x8FFFFFFF  }
0x9a: {  	s19 =	sld [smem:$0x3FDB];
	_ =	sdelay $0x1  }
0x9b: {  	s6 =	simm.s32 $_scs_section_size  }
0x9c: {  	s7 =	simm.s32 $_size__tile_overlayer_lowered;
	s8 =	simm.s32 $_tile_overlayer_lowered  }
0x9d: {  	s22 =	simm.s32 $0x1BFF;
	s21 =	sshll.u32 s8, $0x1;
	s5 =	sadd.s32 s6, s19  }
0x9e: {  	s9 =	simm.s32 $0x0;
	s20 =	sshll.u32 s7, $0x1;
	s7 =	sadd.s32 s21, s5  }
0x9f: {  	[timem:s9], [sflag:s22] =	dma.local [hbm:s7], s20  }
0xa0: {  	_ =	swait.ge [sflag:s22], s20  }
0xa1: {  	s6 =	ssub.s32 $0x0, s20;
	[sflag:s22] =	ssyncset.done $0x0  }
0xa2: {  	[sflag:s22] =	ssyncadd.s32 s6;
	_ =	sdelay $0x1  }
0xa3: {  	s23 =	simm.s32 $0x1B8B  }
0xa4: {  	_ =	swait.ge [sflag:s23], $0x1  }
0xa5: {  	[sflag:s23] =	ssyncset.done $0x0  }
0xa6: {  	s25 =	simm.s32 $0x1B8E;
	s24 =	sld [smem:$0x3FFE];
	[sflag:s23] =	ssyncadd.s32 $0xFFFFFFFF  }
0xa7: {  	s26 =	simm.s32 $execute0_lowered;
	[smem:$0x3FD2] =	sst s25  }
0xa8: {  	s7 =	sshll.u32 s26, $0x1;
	_ =	strace $0x80000046;
	[dreg:$0x1] =	wrdreg $0xFFFFFFFF  }
0xa9: {  	s28 =	simm.s32 $_size_execute0_lowered;
	s5 =	sadd.s32 s5, s7;
	[dreg:$0x0] =	wrdreg $0x0  }
0xaa: {  	s7 =	sshll.u32 s28, $0x1;
	[dreg:$0x2] =	wrdreg s5  }
0xab: {  	[dreg:$0x3] =	wrdreg s7  }
0xac: {  	[dreg:$0x4] =	wrdreg $0xC0  }
0xad: {  	_ =	task [dreg:s9], $0x5FFFF  }
0xae: {  	[dreg:$0x1] =	wrdreg $0xFFFFFFFF  }
0xaf: {  	[dreg:$0x0] =	wrdreg $0x60  }
0xb0: {  	[dreg:$0x2] =	wrdreg s4  }
0xb1: {  	[dreg:$0x3] =	wrdreg s24  }
0xb2: {  	[dreg:$0x4] =	wrdreg s2  }
0xb3: {  	[dreg:$0x5] =	wrdreg s18  }
0xb4: {  	[dreg:$0x6] =	wrdreg $0x9  }
0xb5: {  	_ =	task.clear_ibuf [dreg:s9], $0x7FFFF;
	_ =	strace $0x90000046  }
0xb6: {  	s29 =	simm.s32 $0x9;
	_ =	strace $0x80000048  }
0xb7: {  	_ =	swait.ge [sflag:s29], $0x1  }
0xb8: {  	[sflag:s29] =	ssyncadd.s32 $0xFFFFFFFF  }
0xb9: {  	_ =	strace $0x90000048  }
0xba: {  	_ =	sfence  }
0xbb: {  	s30 =	sld [smem:$0x0];
	_ =	sdelay $0x2  }
0xbc: {  	s31 =	sshll.u32 s1, $0xD;
	s1 =	sshrl.u32 s1, $0x2  }
0xbd: {  	s3 =	sand.u32 $0x4000, s31;
	s1 =	sadd.s32 s1, s30  }
0xbe: {  	s0 =	sor.u32 s3, s0;
	s1 =	sshll.u32 s1, $0x11  }
0xbf: {  	s0 =	sor.u32 s1, s0  }
0xc0: {  	s0 =	sadd.s32 $0x8F2B, s0  }
0xc1: {  	[sflag:s0] =	ssyncadd.remote.s32 $0x1  }
0xc2: {  	_ =	sfence.sel $0xFFFF  }
0xc3: {  	[dreg:$0x0] =	wrdreg $0xFFFFFFFF;
	(pc) =	sbr.abs _section_cstart, $3  }
0xc4: {  	[dreg:$0x1] =	wrdreg $0xFFFFFFFF  }
0xc5: {  	_ =	task.clear_ibuf [dreg:s9], $0x2FFFF;
	_ =	strace $0x9FFFFFFF  }
0xc6: {  	(tm) =	ssettm $0x7FFFFFFF  }
0xc7: {  	_ =	shalt  }
tec
execute0_lowered:
.L_overlay_start_1:
0x0: {  	(tag) =	ssettag $0x1  }
0x1: {  	s0 =	rddreg [dreg:$0x0]  }
0x2: {  	s1 =	rddreg [dreg:$0x1]  }
0x3: {  	s2 =	rddreg [dreg:$0x2];
	v0 =	vlaneseq.u32  }
0x4: {  	s25 =	rddreg [dreg:$0x3];
	v0 =	vmul.u32 $0x80, v0  }
0x5: {  	s3 =	srdreg.scid;
	s5 =	stileid.u32  }
0x6: {  	s8 =	simm.s32 $0x400;
	s9 =	simm.s32 $0x3;
	s11 =	simm.s32 $0x7A1400;
	v1 =	vor.u32 $0x800, v0;
	v2 =	vor.u32 $0x1000, v0;
	v3 =	vor.u32 $0x1, v0  }
0x7: {  	s12 =	simm.s32 $0x8400;
	s13 =	simm.s32 $0x1400;
	s14 =	simm.s32 $0x9400;
	v4 =	vor.u32 $0x1800, v0;
	v5 =	vor.u32 $0x801, v0;
	v6 =	vor.u32 $0x2000, v0  }
0x8: {  	s15 =	simm.s32 $0x2400;
	s16 =	simm.s32 $0xA400;
	s17 =	simm.s32 $0x3400;
	v7 =	vor.u32 $0x2, v0;
	v8 =	vor.u32 $0x2800, v0;
	v9 =	vor.u32 $0x802, v0  }
0x9: {  	s18 =	simm.s32 $0xB400;
	s19 =	simm.s32 $0x4400;
	s20 =	simm.s32 $0xC400;
	v10 =	vor.u32 $0x3000, v0;
	v11 =	vor.u32 $0x3, v0;
	v12 =	vor.u32 $0x3800, v0  }
0xa: {  	s21 =	simm.s32 $0x5400;
	s22 =	simm.s32 $0xD400;
	s23 =	simm.s32 $0x6400;
	v13 =	vor.u32 $0x803, v0;
	v14 =	vor.u32 $0x4000, v0;
	v15 =	vor.u32 $0x4, v0  }
0xb: {  	s24 =	simm.s32 $0xE400;
	s28 =	simm.s32 $0x1;
	s29 =	simm.s32 $0x10400;
	v16 =	vor.u32 $0x4800, v0;
	v17 =	vor.u32 $0x804, v0;
	v18 =	vor.u32 $0x5000, v0  }
0xc: {  	s30 =	simm.s32 $0x11400;
	s31 =	simm.s32 $0x2;
	[dreg:$0x5] =	wrdreg s2;
	v19 =	vor.u32 $0x5, v0;
	v20 =	vor.u32 $0x5800, v0;
	v21 =	vor.u32 $0x805, v0  }
0xd: {  	[dreg:$0x6] =	wrdreg s25;
	s3 =	sand.u32 $0x1, s3;
	s4 =	sshll.u32 s5, $0x1;
	v22 =	vor.u32 $0x6000, v0;
	v23 =	vor.u32 $0x6, v0;
	v24 =	vor.u32 $0x6800, v0  }
0xe: {  	s2 =	simm.s32 $0x0;
	s5 =	sshll.u32 s5, $0x7;
	s25 =	simm.s32 $0x7400;
	v25 =	vor.u32 $0x806, v0;
	v26 =	vor.u32 $0x7000, v0;
	v27 =	vor.u32 $0x7, v0  }
0xf: {  	s4 =	sor.u32 s3, s4;
	[smem:$0x7FF] =	sst s2;
	s3 =	ssub.s32 $0x2, s3;
	v28 =	vor.u32 $0x7800, v0;
	v29 =	vor.u32 $0x807, v0;
	v30 =	vor.u32 $0x8, v0  }
0x10: {  	s6 =	sshll.u32 s4, $0x4;
	_ =	strace $0x80000047;
	s26 =	sshrl.u32 s3, $0x1;
	v31 =	vor.u32 $0x808, v0;
	v32 =	vor.u32 $0x9, v0;
	v33 =	vor.u32 $0x809, v0  }
0x11: {  	s4 =	sshll.u32 s4, $0x6;
	v34 =	vor.u32 $0xA, v0;
	v35 =	vor.u32 $0x80A, v0;
	v36 =	vor.u32 $0xB, v0;
	s5 =	sor.u32 s5, s6;
	s6 =	ssub.s32 s3, s26  }
0x12: {  	v37 =	vor.u32 $0x80B, v0;
	v38 =	vor.u32 $0xC, v0;
	v39 =	vor.u32 $0x80C, v0;
	s26 =	simm.s32 $0xF400;
	s5 =	sand.u32 $0x670, s5;
	s6 =	smax.u32 s6, $0x1  }
0x13: {  	v40 =	vor.u32 $0xD, v0;
	v41 =	vor.u32 $0x80D, v0;
	v42 =	vor.u32 $0xE, v0;
	s7 =	sadd.s32 s5, s1;
	s1 =	sadd.s32 s4, s1;
	s3 =	sadd.s32 s0, s5  }
0x14: {  	v43 =	vor.u32 $0x80E, v0;
	v44 =	vor.u32 $0xF, v0;
	v45 =	vor.u32 $0x80F, v0;
	s0 =	simm.s32 $0x0;
	s4 =	sadd.s32 $0x200, s7;
	s5 =	sadd.s32 $0xA00, s1  }
.LBB2_1:
0x15: {  	s1 =	simm.s32 $0x80  }
0x16: {  	[tilespmem:s2], [sflag:$0x3] =	stream.strided.gather [hbm4b:s3+s1], $0x200, s8, s1, $0x38;
	[tilespmem:$0x12600] =	vst v63  }
0x17: {  	_ =	swait.ge [sflag:s9], $0x200  }
0x18: {  	[sflag:s9] =	ssyncset.done $0x0  }
0x19: {  	s10 =	simm.s32 $0x200;
	[sflag:s9] =	ssyncadd.s32 $0xFFFFFE00  }
0x1a: {  	[tilespmem:s10], [sflag:$0x3] =	stream.strided.gather [hbm4b:s4+s1], $0x200, s8, s1, $0x38;
	[tilespmem:$0x12600] =	vst v63  }
0x1b: {  	_ =	swait.ge [sflag:s9], $0x200  }
0x1c: {  	[sflag:s9] =	ssyncset.done $0x0  }
0x1d: {  	s10 =	simm.s32 $0x0;
	[sflag:s9] =	ssyncadd.s32 $0xFFFFFE00  }
.LBB2_2:
0x1e: {  	s1 =	sshra.s32 s10, $0x2  }
0x1f: {  	v46 =	vld [tilespmem:s1+$0x0];
	_ =	sdelay $0x1  }
0x20: {  	v47 =	vld [tilespmem:s1+$0x200];
	_ =	sdelay $0x2  }
0x21: {  	s2 =	rddreg [dreg:$0x5];
	v48 =	vand.u32 $0xFFFFFF80, v46  }
0x22: {  	v48 =	vadd.s32 s2, v48  }
0x23: {  	s7 =	rddreg [dreg:$0x6];
	v49 =	vand.u32 $0xFFFFFF80, v47;
	(v2sf) =	vpush v48, $0x0  }
0x24: {  	v49 =	vadd.s32 s7, v49  }
0x25: {  	(v2sf) =	vpush v49, $0x0;
	_ =	sdelay $0x1  }
0x26: {  	(v2sf) =	vpush v48, $0x1;
	_ =	sdelay $0x1  }
0x27: {  	(v2sf) =	vpush v49, $0x1;
	_ =	sdelay $0x1  }
0x28: {  	(v2sf) =	vpush v48, $0x2;
	_ =	sdelay $0x1  }
0x29: {  	(v2sf) =	vpush v49, $0x2;
	_ =	sdelay $0x1  }
0x2a: {  	(v2sf) =	vpush v48, $0x3;
	_ =	sdelay $0x1  }
0x2b: {  	(v2sf) =	vpush v49, $0x3  }
0x2c: {  	s7 =	spop (v2sf)  }
0x2d: {  	(v2sf) =	vpush v48, $0x4;
	[tilespmem:s8], [sflag:$0x1] =	stream.strided.gather [hbm4b:s7+s8], $0x1000, s11, s8, $0x38;
	[tilespmem:$0x12600] =	vst v63  }
0x2e: {  	s7 =	spop (v2sf)  }
0x2f: {  	(v2sf) =	vpush v49, $0x4;
	[tilespmem:s12], [sflag:$0x1] =	stream.strided.gather [hbm4b:s7+s8], $0x1000, s11, s8, $0x38;
	[tilespmem:$0x12600] =	vst v63  }
0x30: {  	s7 =	spop (v2sf)  }
0x31: {  	(v2sf) =	vpush v48, $0x5;
	[tilespmem:s13], [sflag:$0x1] =	stream.strided.gather [hbm4b:s7+s8], $0x1000, s11, s8, $0x38;
	[tilespmem:$0x12600] =	vst v63  }
0x32: {  	s7 =	spop (v2sf)  }
0x33: {  	(v2sf) =	vpush v49, $0x5;
	[tilespmem:s14], [sflag:$0x1] =	stream.strided.gather [hbm4b:s7+s8], $0x1000, s11, s8, $0x38;
	[tilespmem:$0x12600] =	vst v63  }
0x34: {  	s7 =	spop (v2sf)  }
0x35: {  	(v2sf) =	vpush v48, $0x6;
	[tilespmem:s15], [sflag:$0x1] =	stream.strided.gather [hbm4b:s7+s8], $0x1000, s11, s8, $0x38;
	[tilespmem:$0x12600] =	vst v63  }
0x36: {  	s7 =	spop (v2sf)  }
0x37: {  	(v2sf) =	vpush v49, $0x6;
	[tilespmem:s16], [sflag:$0x1] =	stream.strided.gather [hbm4b:s7+s8], $0x1000, s11, s8, $0x38;
	[tilespmem:$0x12600] =	vst v63  }
0x38: {  	s7 =	spop (v2sf)  }
0x39: {  	(v2sf) =	vpush v48, $0x7;
	[tilespmem:s17], [sflag:$0x1] =	stream.strided.gather [hbm4b:s7+s8], $0x1000, s11, s8, $0x38;
	[tilespmem:$0x12600] =	vst v63  }
0x3a: {  	s7 =	spop (v2sf)  }
0x3b: {  	(v2sf) =	vpush v49, $0x7;
	[tilespmem:s18], [sflag:$0x1] =	stream.strided.gather [hbm4b:s7+s8], $0x1000, s11, s8, $0x38;
	[tilespmem:$0x12600] =	vst v63  }
0x3c: {  	s7 =	spop (v2sf)  }
0x3d: {  	[tilespmem:s19], [sflag:$0x2] =	stream.strided.gather [hbm4b:s7+s8], $0x1000, s11, s8, $0x38;
	[tilespmem:$0x12600] =	vst v63  }
0x3e: {  	s7 =	spop (v2sf)  }
0x3f: {  	[tilespmem:s20], [sflag:$0x2] =	stream.strided.gather [hbm4b:s7+s8], $0x1000, s11, s8, $0x38;
	[tilespmem:$0x12600] =	vst v63  }
0x40: {  	s7 =	spop (v2sf)  }
0x41: {  	[tilespmem:s21], [sflag:$0x2] =	stream.strided.gather [hbm4b:s7+s8], $0x1000, s11, s8, $0x38;
	[tilespmem:$0x12600] =	vst v63  }
0x42: {  	s7 =	spop (v2sf)  }
0x43: {  	[tilespmem:s22], [sflag:$0x2] =	stream.strided.gather [hbm4b:s7+s8], $0x1000, s11, s8, $0x38;
	[tilespmem:$0x12600] =	vst v63  }
0x44: {  	s7 =	spop (v2sf)  }
0x45: {  	[tilespmem:s23], [sflag:$0x2] =	stream.strided.gather [hbm4b:s7+s8], $0x1000, s11, s8, $0x38;
	[tilespmem:$0x12600] =	vst v63  }
0x46: {  	s7 =	spop (v2sf)  }
0x47: {  	[tilespmem:s24], [sflag:$0x2] =	stream.strided.gather [hbm4b:s7+s8], $0x1000, s11, s8, $0x38;
	[tilespmem:$0x12600] =	vst v63  }
0x48: {  	s7 =	spop (v2sf)  }
0x49: {  	[tilespmem:s25], [sflag:$0x2] =	stream.strided.gather [hbm4b:s7+s8], $0x1000, s11, s8, $0x38;
	[tilespmem:$0x12600] =	vst v63  }
0x4a: {  	s7 =	spop (v2sf)  }
0x4b: {  	[tilespmem:s26], [sflag:$0x2] =	stream.strided.gather [hbm4b:s7+s8], $0x1000, s11, s8, $0x38;
	[tilespmem:$0x12600] =	vst v63  }
0x4c: {  	_ =	swait.ge [sflag:s28], $0x1000  }
0x4d: {  	[sflag:s28] =	ssyncset.done $0x0  }
0x4e: {  	[sflag:s28] =	ssyncadd.s32 $0xFFFFF000  }
0x4f: {  	_ =	swait.ge [sflag:s28], $0x1000  }
0x50: {  	[sflag:s28] =	ssyncset.done $0x0  }
0x51: {  	[sflag:s28] =	ssyncadd.s32 $0xFFFFF000  }
0x52: {  	_ =	swait.ge [sflag:s28], $0x1000  }
0x53: {  	[sflag:s28] =	ssyncset.done $0x0  }
0x54: {  	[sflag:s28] =	ssyncadd.s32 $0xFFFFF000  }
0x55: {  	_ =	swait.ge [sflag:s28], $0x1000  }
0x56: {  	[sflag:s28] =	ssyncset.done $0x0  }
0x57: {  	[sflag:s28] =	ssyncadd.s32 $0xFFFFF000  }
0x58: {  	_ =	swait.ge [sflag:s28], $0x1000  }
0x59: {  	[sflag:s28] =	ssyncset.done $0x0  }
0x5a: {  	[sflag:s28] =	ssyncadd.s32 $0xFFFFF000  }
0x5b: {  	_ =	swait.ge [sflag:s28], $0x1000  }
0x5c: {  	v46 =	vand.u32 $0x7F, v46;
	[sflag:s28] =	ssyncset.done $0x0  }
0x5d: {  	v50 =	vbroadcast v46, $0x0;
	[sflag:s28] =	ssyncadd.s32 $0xFFFFF000  }
0x5e: {  	_ =	swait.ge [sflag:s28], $0x1000  }
0x5f: {  	v51 =	vor.u32 v0, v50;
	[sflag:s28] =	ssyncset.done $0x0  }
0x60: {  	[sflag:s28] =	ssyncadd.s32 $0xFFFFF000  }
0x61: {  	_ =	swait.ge [sflag:s28], $0x1000  }
0x62: {  	v47 =	vand.u32 $0x7F, v47;
	[sflag:s28] =	ssyncset.done $0x0  }
0x63: {  	v52 =	vbroadcast v47, $0x0;
	[sflag:s28] =	ssyncadd.s32 $0xFFFFF000  }
0x64: {  	v51 =	vld.idx.msk [tilespmem:v51+s8+$0x0], $0xffff  }
0x65: {  	v53 =	vor.u32 v0, v52;
	_ =	sdelay $0x3  }
0x66: {  	[tilespmem:v0+s29+$0x0] =	vst.idx.msk $0xffff, v51  }
0x67: {  	v51 =	vld.idx.msk [tilespmem:v53+s12+$0x0], $0xffff  }
0x68: {  	v50 =	vor.u32 v1, v50;
	_ =	sdelay $0x3  }
0x69: {  	[tilespmem:v0+s30+$0x0] =	vst.idx.msk $0xffff, v51  }
0x6a: {  	v50 =	vld.idx.msk [tilespmem:v50+s8+$0x0], $0xffff  }
0x6b: {  	v60 =	vor.u32 v1, v52;
	_ =	sdelay $0x3  }
0x6c: {  	v61 =	vbroadcast v46, $0x1;
	[tilespmem:v1+s29+$0x0] =	vst.idx.msk $0xffff, v50  }
0x6d: {  	v51 =	vld.idx.msk [tilespmem:v60+s12+$0x0], $0xffff  }
0x6e: {  	v62 =	vor.u32 v2, v61;
	_ =	sdelay $0x3  }
0x6f: {  	v63 =	vbroadcast v47, $0x1;
	[tilespmem:v1+s30+$0x0] =	vst.idx.msk $0xffff, v51  }
0x70: {  	v52 =	vld.idx.msk [tilespmem:v62+s8+$0x0], $0xffff  }
0x71: {  	v56 =	vor.u32 v2, v63;
	_ =	sdelay $0x3  }
0x72: {  	[tilespmem:v3+s29+$0x0] =	vst.idx.msk $0xffff, v52  }
0x73: {  	v52 =	vld.idx.msk [tilespmem:v56+s12+$0x0], $0xffff  }
0x74: {  	v50 =	vor.u32 v4, v61;
	_ =	sdelay $0x3  }
0x75: {  	[tilespmem:v3+s30+$0x0] =	vst.idx.msk $0xffff, v52  }
0x76: {  	v50 =	vld.idx.msk [tilespmem:v50+s8+$0x0], $0xffff  }
0x77: {  	v51 =	vor.u32 v4, v63;
	_ =	sdelay $0x3  }
0x78: {  	v57 =	vbroadcast v46, $0x2;
	[tilespmem:v5+s29+$0x0] =	vst.idx.msk $0xffff, v50  }
0x79: {  	v51 =	vld.idx.msk [tilespmem:v51+s12+$0x0], $0xffff  }
0x7a: {  	v58 =	vor.u32 v6, v57;
	_ =	sdelay $0x3  }
0x7b: {  	v59 =	vbroadcast v47, $0x2;
	[tilespmem:v5+s30+$0x0] =	vst.idx.msk $0xffff, v51  }
0x7c: {  	v52 =	vld.idx.msk [tilespmem:v58+s8+$0x0], $0xffff  }
0x7d: {  	v60 =	vor.u32 v6, v59;
	_ =	sdelay $0x3  }
0x7e: {  	[tilespmem:v7+s29+$0x0] =	vst.idx.msk $0xffff, v52  }
0x7f: {  	v52 =	vld.idx.msk [tilespmem:v60+s12+$0x0], $0xffff  }
0x80: {  	v50 =	vor.u32 v8, v57;
	_ =	sdelay $0x3  }
0x81: {  	[tilespmem:v7+s30+$0x0] =	vst.idx.msk $0xffff, v52  }
0x82: {  	v50 =	vld.idx.msk [tilespmem:v50+s8+$0x0], $0xffff  }
0x83: {  	v51 =	vor.u32 v8, v59;
	_ =	sdelay $0x3  }
0x84: {  	v61 =	vbroadcast v46, $0x3;
	[tilespmem:v9+s29+$0x0] =	vst.idx.msk $0xffff, v50  }
0x85: {  	v51 =	vld.idx.msk [tilespmem:v51+s12+$0x0], $0xffff  }
0x86: {  	v62 =	vor.u32 v10, v61;
	_ =	sdelay $0x3  }
0x87: {  	v63 =	vbroadcast v47, $0x3;
	[tilespmem:v9+s30+$0x0] =	vst.idx.msk $0xffff, v51  }
0x88: {  	v52 =	vld.idx.msk [tilespmem:v62+s8+$0x0], $0xffff  }
0x89: {  	v56 =	vor.u32 v10, v63;
	_ =	sdelay $0x3  }
0x8a: {  	[tilespmem:v11+s29+$0x0] =	vst.idx.msk $0xffff, v52  }
0x8b: {  	v52 =	vld.idx.msk [tilespmem:v56+s12+$0x0], $0xffff  }
0x8c: {  	v50 =	vor.u32 v12, v61  }
0x8d: {  	(v2sf) =	vpush v48, $0x8;
	_ =	sdelay $0x1  }
0x8e: {  	(v2sf) =	vpush v49, $0x8  }
0x8f: {  	[tilespmem:v11+s30+$0x0] =	vst.idx.msk $0xffff, v52  }
0x90: {  	(v2sf) =	vpush v48, $0x9;
	v50 =	vld.idx.msk [tilespmem:v50+s8+$0x0], $0xffff  }
0x91: {  	v51 =	vor.u32 v12, v63  }
0x92: {  	(v2sf) =	vpush v49, $0x9;
	_ =	sdelay $0x1  }
0x93: {  	(v2sf) =	vpush v48, $0xA  }
0x94: {  	[tilespmem:v13+s29+$0x0] =	vst.idx.msk $0xffff, v50  }
0x95: {  	(v2sf) =	vpush v49, $0xA;
	v50 =	vld.idx.msk [tilespmem:v51+s12+$0x0], $0xffff;
	_ =	sdelay $0x1  }
0x96: {  	(v2sf) =	vpush v48, $0xB;
	_ =	sdelay $0x1  }
0x97: {  	(v2sf) =	vpush v49, $0xB  }
0x98: {  	s7 =	spop (v2sf);
	[tilespmem:v13+s30+$0x0] =	vst.idx.msk $0xffff, v50  }
0x99: {  	[tilespmem:s8], [sflag:$0x1] =	stream.strided.gather [hbm4b:s7+s8], $0x1000, s11, s8, $0x38;
	[tilespmem:$0x12600] =	vst v63  }
0x9a: {  	s7 =	spop (v2sf)  }
0x9b: {  	[tilespmem:s12], [sflag:$0x1] =	stream.strided.gather [hbm4b:s7+s8], $0x1000, s11, s8, $0x38;
	[tilespmem:$0x12600] =	vst v63  }
0x9c: {  	s7 =	spop (v2sf)  }
0x9d: {  	[tilespmem:s13], [sflag:$0x1] =	stream.strided.gather [hbm4b:s7+s8], $0x1000, s11, s8, $0x38;
	[tilespmem:$0x12600] =	vst v63  }
0x9e: {  	s7 =	spop (v2sf)  }
0x9f: {  	[tilespmem:s14], [sflag:$0x1] =	stream.strided.gather [hbm4b:s7+s8], $0x1000, s11, s8, $0x38;
	[tilespmem:$0x12600] =	vst v63  }
0xa0: {  	s7 =	spop (v2sf)  }
0xa1: {  	[tilespmem:s15], [sflag:$0x1] =	stream.strided.gather [hbm4b:s7+s8], $0x1000, s11, s8, $0x38;
	[tilespmem:$0x12600] =	vst v63  }
0xa2: {  	s7 =	spop (v2sf)  }
0xa3: {  	[tilespmem:s16], [sflag:$0x1] =	stream.strided.gather [hbm4b:s7+s8], $0x1000, s11, s8, $0x38;
	[tilespmem:$0x12600] =	vst v63  }
0xa4: {  	s7 =	spop (v2sf)  }
0xa5: {  	[tilespmem:s17], [sflag:$0x1] =	stream.strided.gather [hbm4b:s7+s8], $0x1000, s11, s8, $0x38;
	[tilespmem:$0x12600] =	vst v63  }
0xa6: {  	s7 =	spop (v2sf)  }
0xa7: {  	[tilespmem:s18], [sflag:$0x1] =	stream.strided.gather [hbm4b:s7+s8], $0x1000, s11, s8, $0x38;
	[tilespmem:$0x12600] =	vst v63  }
0xa8: {  	_ =	swait.ge [sflag:s31], $0x1000  }
0xa9: {  	[sflag:s31] =	ssyncset.done $0x0  }
0xaa: {  	[sflag:s31] =	ssyncadd.s32 $0xFFFFF000  }
0xab: {  	_ =	swait.ge [sflag:s31], $0x1000  }
0xac: {  	[sflag:s31] =	ssyncset.done $0x0  }
0xad: {  	[sflag:s31] =	ssyncadd.s32 $0xFFFFF000  }
0xae: {  	_ =	swait.ge [sflag:s31], $0x1000  }
0xaf: {  	[sflag:s31] =	ssyncset.done $0x0  }
0xb0: {  	[sflag:s31] =	ssyncadd.s32 $0xFFFFF000  }
0xb1: {  	_ =	swait.ge [sflag:s31], $0x1000  }
0xb2: {  	[sflag:s31] =	ssyncset.done $0x0  }
0xb3: {  	[sflag:s31] =	ssyncadd.s32 $0xFFFFF000  }
0xb4: {  	_ =	swait.ge [sflag:s31], $0x1000  }
0xb5: {  	[sflag:s31] =	ssyncset.done $0x0  }
0xb6: {  	[sflag:s31] =	ssyncadd.s32 $0xFFFFF000  }
0xb7: {  	_ =	swait.ge [sflag:s31], $0x1000  }
0xb8: {  	[sflag:s31] =	ssyncset.done $0x0  }
0xb9: {  	v57 =	vbroadcast v46, $0x4;
	[sflag:s31] =	ssyncadd.s32 $0xFFFFF000  }
0xba: {  	_ =	swait.ge [sflag:s31], $0x1000  }
0xbb: {  	v58 =	vor.u32 v14, v57;
	[sflag:s31] =	ssyncset.done $0x0  }
0xbc: {  	[sflag:s31] =	ssyncadd.s32 $0xFFFFF000  }
0xbd: {  	_ =	swait.ge [sflag:s31], $0x1000  }
0xbe: {  	[sflag:s31] =	ssyncset.done $0x0  }
0xbf: {  	v59 =	vbroadcast v47, $0x4;
	[sflag:s31] =	ssyncadd.s32 $0xFFFFF000  }
0xc0: {  	v51 =	vld.idx.msk [tilespmem:v58+s8+$0x0], $0xffff  }
0xc1: {  	v60 =	vor.u32 v14, v59;
	_ =	sdelay $0x3  }
0xc2: {  	[tilespmem:v15+s29+$0x0] =	vst.idx.msk $0xffff, v51  }
0xc3: {  	v51 =	vld.idx.msk [tilespmem:v60+s12+$0x0], $0xffff  }
0xc4: {  	v50 =	vor.u32 v16, v57;
	_ =	sdelay $0x3  }
0xc5: {  	[tilespmem:v15+s30+$0x0] =	vst.idx.msk $0xffff, v51  }
0xc6: {  	v50 =	vld.idx.msk [tilespmem:v50+s8+$0x0], $0xffff  }
0xc7: {  	v61 =	vor.u32 v16, v59;
	_ =	sdelay $0x3  }
0xc8: {  	v62 =	vbroadcast v46, $0x5;
	[tilespmem:v17+s29+$0x0] =	vst.idx.msk $0xffff, v50  }
0xc9: {  	v51 =	vld.idx.msk [tilespmem:v61+s12+$0x0], $0xffff  }
0xca: {  	v63 =	vor.u32 v18, v62;
	_ =	sdelay $0x3  }
0xcb: {  	v56 =	vbroadcast v47, $0x5;
	[tilespmem:v17+s30+$0x0] =	vst.idx.msk $0xffff, v51  }
0xcc: {  	v52 =	vld.idx.msk [tilespmem:v63+s8+$0x0], $0xffff  }
0xcd: {  	v57 =	vor.u32 v18, v56;
	_ =	sdelay $0x3  }
0xce: {  	[tilespmem:v19+s29+$0x0] =	vst.idx.msk $0xffff, v52  }
0xcf: {  	v52 =	vld.idx.msk [tilespmem:v57+s12+$0x0], $0xffff  }
0xd0: {  	v50 =	vor.u32 v20, v62;
	_ =	sdelay $0x3  }
0xd1: {  	[tilespmem:v19+s30+$0x0] =	vst.idx.msk $0xffff, v52  }
0xd2: {  	v50 =	vld.idx.msk [tilespmem:v50+s8+$0x0], $0xffff  }
0xd3: {  	v51 =	vor.u32 v20, v56;
	_ =	sdelay $0x3  }
0xd4: {  	v58 =	vbroadcast v46, $0x6;
	[tilespmem:v21+s29+$0x0] =	vst.idx.msk $0xffff, v50  }
0xd5: {  	v51 =	vld.idx.msk [tilespmem:v51+s12+$0x0], $0xffff  }
0xd6: {  	v59 =	vor.u32 v22, v58;
	_ =	sdelay $0x3  }
0xd7: {  	v60 =	vbroadcast v47, $0x6;
	[tilespmem:v21+s30+$0x0] =	vst.idx.msk $0xffff, v51  }
0xd8: {  	v52 =	vld.idx.msk [tilespmem:v59+s8+$0x0], $0xffff  }
0xd9: {  	v61 =	vor.u32 v22, v60;
	_ =	sdelay $0x3  }
0xda: {  	[tilespmem:v23+s29+$0x0] =	vst.idx.msk $0xffff, v52  }
0xdb: {  	v52 =	vld.idx.msk [tilespmem:v61+s12+$0x0], $0xffff  }
0xdc: {  	v50 =	vor.u32 v24, v58;
	_ =	sdelay $0x3  }
0xdd: {  	[tilespmem:v23+s30+$0x0] =	vst.idx.msk $0xffff, v52  }
0xde: {  	v50 =	vld.idx.msk [tilespmem:v50+s8+$0x0], $0xffff  }
0xdf: {  	v51 =	vor.u32 v24, v60;
	_ =	sdelay $0x3  }
0xe0: {  	v62 =	vbroadcast v46, $0x7;
	[tilespmem:v25+s29+$0x0] =	vst.idx.msk $0xffff, v50  }
0xe1: {  	v51 =	vld.idx.msk [tilespmem:v51+s12+$0x0], $0xffff  }
0xe2: {  	v63 =	vor.u32 v26, v62;
	_ =	sdelay $0x3  }
0xe3: {  	v56 =	vbroadcast v47, $0x7;
	[tilespmem:v25+s30+$0x0] =	vst.idx.msk $0xffff, v51  }
0xe4: {  	v52 =	vld.idx.msk [tilespmem:v63+s8+$0x0], $0xffff  }
0xe5: {  	v57 =	vor.u32 v26, v56;
	_ =	sdelay $0x3  }
0xe6: {  	[tilespmem:v27+s29+$0x0] =	vst.idx.msk $0xffff, v52  }
0xe7: {  	v52 =	vld.idx.msk [tilespmem:v57+s12+$0x0], $0xffff  }
0xe8: {  	v50 =	vor.u32 v28, v62  }
0xe9: {  	(v2sf) =	vpush v48, $0xC;
	_ =	sdelay $0x1  }
0xea: {  	(v2sf) =	vpush v49, $0xC  }
0xeb: {  	[tilespmem:v27+s30+$0x0] =	vst.idx.msk $0xffff, v52  }
0xec: {  	(v2sf) =	vpush v48, $0xD;
	v50 =	vld.idx.msk [tilespmem:v50+s8+$0x0], $0xffff  }
0xed: {  	v51 =	vor.u32 v28, v56  }
0xee: {  	(v2sf) =	vpush v49, $0xD;
	_ =	sdelay $0x1  }
0xef: {  	(v2sf) =	vpush v48, $0xE  }
0xf0: {  	[tilespmem:v29+s29+$0x0] =	vst.idx.msk $0xffff, v50  }
0xf1: {  	(v2sf) =	vpush v49, $0xE;
	v50 =	vld.idx.msk [tilespmem:v51+s12+$0x0], $0xffff;
	_ =	sdelay $0x1  }
0xf2: {  	(v2sf) =	vpush v48, $0xF;
	_ =	sdelay $0x1  }
0xf3: {  	(v2sf) =	vpush v49, $0xF  }
0xf4: {  	s7 =	spop (v2sf);
	[tilespmem:v29+s30+$0x0] =	vst.idx.msk $0xffff, v50  }
0xf5: {  	[tilespmem:s19], [sflag:$0x2] =	stream.strided.gather [hbm4b:s7+s8], $0x1000, s11, s8, $0x38;
	[tilespmem:$0x12600] =	vst v63  }
0xf6: {  	s7 =	spop (v2sf)  }
0xf7: {  	[tilespmem:s20], [sflag:$0x2] =	stream.strided.gather [hbm4b:s7+s8], $0x1000, s11, s8, $0x38;
	[tilespmem:$0x12600] =	vst v63  }
0xf8: {  	s7 =	spop (v2sf)  }
0xf9: {  	[tilespmem:s21], [sflag:$0x2] =	stream.strided.gather [hbm4b:s7+s8], $0x1000, s11, s8, $0x38;
	[tilespmem:$0x12600] =	vst v63  }
0xfa: {  	s7 =	spop (v2sf)  }
0xfb: {  	[tilespmem:s22], [sflag:$0x2] =	stream.strided.gather [hbm4b:s7+s8], $0x1000, s11, s8, $0x38;
	[tilespmem:$0x12600] =	vst v63  }
0xfc: {  	s7 =	spop (v2sf)  }
0xfd: {  	[tilespmem:s23], [sflag:$0x2] =	stream.strided.gather [hbm4b:s7+s8], $0x1000, s11, s8, $0x38;
	[tilespmem:$0x12600] =	vst v63  }
0xfe: {  	s7 =	spop (v2sf)  }
0xff: {  	[tilespmem:s24], [sflag:$0x2] =	stream.strided.gather [hbm4b:s7+s8], $0x1000, s11, s8, $0x38;
	[tilespmem:$0x12600] =	vst v63  }
0x100: {  	s7 =	spop (v2sf)  }
0x101: {  	[tilespmem:s25], [sflag:$0x2] =	stream.strided.gather [hbm4b:s7+s8], $0x1000, s11, s8, $0x38;
	[tilespmem:$0x12600] =	vst v63  }
0x102: {  	s7 =	spop (v2sf)  }
0x103: {  	[tilespmem:s26], [sflag:$0x2] =	stream.strided.gather [hbm4b:s7+s8], $0x1000, s11, s8, $0x38;
	[tilespmem:$0x12600] =	vst v63  }
0x104: {  	_ =	swait.ge [sflag:s28], $0x1000  }
0x105: {  	[sflag:s28] =	ssyncset.done $0x0  }
0x106: {  	[sflag:s28] =	ssyncadd.s32 $0xFFFFF000  }
0x107: {  	_ =	swait.ge [sflag:s28], $0x1000  }
0x108: {  	[sflag:s28] =	ssyncset.done $0x0  }
0x109: {  	[sflag:s28] =	ssyncadd.s32 $0xFFFFF000  }
0x10a: {  	_ =	swait.ge [sflag:s28], $0x1000  }
0x10b: {  	[sflag:s28] =	ssyncset.done $0x0  }
0x10c: {  	[sflag:s28] =	ssyncadd.s32 $0xFFFFF000  }
0x10d: {  	_ =	swait.ge [sflag:s28], $0x1000  }
0x10e: {  	[sflag:s28] =	ssyncset.done $0x0  }
0x10f: {  	[sflag:s28] =	ssyncadd.s32 $0xFFFFF000  }
0x110: {  	_ =	swait.ge [sflag:s28], $0x1000  }
0x111: {  	[sflag:s28] =	ssyncset.done $0x0  }
0x112: {  	[sflag:s28] =	ssyncadd.s32 $0xFFFFF000  }
0x113: {  	_ =	swait.ge [sflag:s28], $0x1000  }
0x114: {  	[sflag:s28] =	ssyncset.done $0x0  }
0x115: {  	v58 =	vbroadcast v46, $0x8;
	[sflag:s28] =	ssyncadd.s32 $0xFFFFF000  }
0x116: {  	_ =	swait.ge [sflag:s28], $0x1000  }
0x117: {  	v59 =	vor.u32 v0, v58;
	[sflag:s28] =	ssyncset.done $0x0  }
0x118: {  	[sflag:s28] =	ssyncadd.s32 $0xFFFFF000  }
0x119: {  	_ =	swait.ge [sflag:s28], $0x1000  }
0x11a: {  	[sflag:s28] =	ssyncset.done $0x0  }
0x11b: {  	v60 =	vbroadcast v47, $0x8;
	[sflag:s28] =	ssyncadd.s32 $0xFFFFF000  }
0x11c: {  	v49 =	vld.idx.msk [tilespmem:v59+s8+$0x0], $0xffff  }
0x11d: {  	v61 =	vor.u32 v0, v60;
	_ =	sdelay $0x3  }
0x11e: {  	[tilespmem:v30+s29+$0x0] =	vst.idx.msk $0xffff, v49  }
0x11f: {  	v49 =	vld.idx.msk [tilespmem:v61+s12+$0x0], $0xffff  }
0x120: {  	v48 =	vor.u32 v1, v58;
	_ =	sdelay $0x3  }
0x121: {  	[tilespmem:v30+s30+$0x0] =	vst.idx.msk $0xffff, v49  }
0x122: {  	v48 =	vld.idx.msk [tilespmem:v48+s8+$0x0], $0xffff  }
0x123: {  	v62 =	vor.u32 v1, v60;
	_ =	sdelay $0x3  }
0x124: {  	v63 =	vbroadcast v46, $0x9;
	[tilespmem:v31+s29+$0x0] =	vst.idx.msk $0xffff, v48  }
0x125: {  	v49 =	vld.idx.msk [tilespmem:v62+s12+$0x0], $0xffff  }
0x126: {  	v53 =	vor.u32 v2, v63;
	_ =	sdelay $0x3  }
0x127: {  	v54 =	vbroadcast v47, $0x9;
	[tilespmem:v31+s30+$0x0] =	vst.idx.msk $0xffff, v49  }
0x128: {  	v50 =	vld.idx.msk [tilespmem:v53+s8+$0x0], $0xffff  }
0x129: {  	v55 =	vor.u32 v2, v54;
	_ =	sdelay $0x3  }
0x12a: {  	[tilespmem:v32+s29+$0x0] =	vst.idx.msk $0xffff, v50  }
0x12b: {  	v50 =	vld.idx.msk [tilespmem:v55+s12+$0x0], $0xffff  }
0x12c: {  	v48 =	vor.u32 v4, v63;
	_ =	sdelay $0x3  }
0x12d: {  	[tilespmem:v32+s30+$0x0] =	vst.idx.msk $0xffff, v50  }
0x12e: {  	v48 =	vld.idx.msk [tilespmem:v48+s8+$0x0], $0xffff  }
0x12f: {  	v49 =	vor.u32 v4, v54;
	_ =	sdelay $0x3  }
0x130: {  	v56 =	vbroadcast v46, $0xA;
	[tilespmem:v33+s29+$0x0] =	vst.idx.msk $0xffff, v48  }
0x131: {  	v49 =	vld.idx.msk [tilespmem:v49+s12+$0x0], $0xffff  }
0x132: {  	v57 =	vor.u32 v6, v56;
	_ =	sdelay $0x3  }
0x133: {  	v58 =	vbroadcast v47, $0xA;
	[tilespmem:v33+s30+$0x0] =	vst.idx.msk $0xffff, v49  }
0x134: {  	v50 =	vld.idx.msk [tilespmem:v57+s8+$0x0], $0xffff  }
0x135: {  	v59 =	vor.u32 v6, v58;
	_ =	sdelay $0x3  }
0x136: {  	[tilespmem:v34+s29+$0x0] =	vst.idx.msk $0xffff, v50  }
0x137: {  	v50 =	vld.idx.msk [tilespmem:v59+s12+$0x0], $0xffff  }
0x138: {  	v48 =	vor.u32 v8, v56;
	_ =	sdelay $0x3  }
0x139: {  	[tilespmem:v34+s30+$0x0] =	vst.idx.msk $0xffff, v50  }
0x13a: {  	v48 =	vld.idx.msk [tilespmem:v48+s8+$0x0], $0xffff  }
0x13b: {  	v49 =	vor.u32 v8, v58;
	_ =	sdelay $0x3  }
0x13c: {  	v60 =	vbroadcast v46, $0xB;
	[tilespmem:v35+s29+$0x0] =	vst.idx.msk $0xffff, v48  }
0x13d: {  	v49 =	vld.idx.msk [tilespmem:v49+s12+$0x0], $0xffff  }
0x13e: {  	v61 =	vor.u32 v10, v60;
	_ =	sdelay $0x3  }
0x13f: {  	v62 =	vbroadcast v47, $0xB;
	[tilespmem:v35+s30+$0x0] =	vst.idx.msk $0xffff, v49  }
0x140: {  	v50 =	vld.idx.msk [tilespmem:v61+s8+$0x0], $0xffff  }
0x141: {  	v63 =	vor.u32 v10, v62;
	_ =	sdelay $0x3  }
0x142: {  	[tilespmem:v36+s29+$0x0] =	vst.idx.msk $0xffff, v50  }
0x143: {  	v50 =	vld.idx.msk [tilespmem:v63+s12+$0x0], $0xffff  }
0x144: {  	v48 =	vor.u32 v12, v60;
	_ =	sdelay $0x3  }
0x145: {  	[tilespmem:v36+s30+$0x0] =	vst.idx.msk $0xffff, v50  }
0x146: {  	v48 =	vld.idx.msk [tilespmem:v48+s8+$0x0], $0xffff  }
0x147: {  	v49 =	vor.u32 v12, v62;
	_ =	sdelay $0x3  }
0x148: {  	[tilespmem:v37+s29+$0x0] =	vst.idx.msk $0xffff, v48  }
0x149: {  	v48 =	vld.idx.msk [tilespmem:v49+s12+$0x0], $0xffff;
	_ =	sdelay $0x4  }
0x14a: {  	[tilespmem:v37+s30+$0x0] =	vst.idx.msk $0xffff, v48  }
0x14b: {  	_ =	swait.ge [sflag:s31], $0x1000  }
0x14c: {  	[sflag:s31] =	ssyncset.done $0x0  }
0x14d: {  	[sflag:s31] =	ssyncadd.s32 $0xFFFFF000  }
0x14e: {  	_ =	swait.ge [sflag:s31], $0x1000  }
0x14f: {  	[sflag:s31] =	ssyncset.done $0x0  }
0x150: {  	[sflag:s31] =	ssyncadd.s32 $0xFFFFF000  }
0x151: {  	_ =	swait.ge [sflag:s31], $0x1000  }
0x152: {  	[sflag:s31] =	ssyncset.done $0x0  }
0x153: {  	[sflag:s31] =	ssyncadd.s32 $0xFFFFF000  }
0x154: {  	_ =	swait.ge [sflag:s31], $0x1000  }
0x155: {  	[sflag:s31] =	ssyncset.done $0x0  }
0x156: {  	[sflag:s31] =	ssyncadd.s32 $0xFFFFF000  }
0x157: {  	_ =	swait.ge [sflag:s31], $0x1000  }
0x158: {  	[sflag:s31] =	ssyncset.done $0x0  }
0x159: {  	[sflag:s31] =	ssyncadd.s32 $0xFFFFF000  }
0x15a: {  	_ =	swait.ge [sflag:s31], $0x1000  }
0x15b: {  	[sflag:s31] =	ssyncset.done $0x0  }
0x15c: {  	v54 =	vbroadcast v46, $0xC;
	[sflag:s31] =	ssyncadd.s32 $0xFFFFF000  }
0x15d: {  	_ =	swait.ge [sflag:s31], $0x1000  }
0x15e: {  	v55 =	vor.u32 v14, v54;
	[sflag:s31] =	ssyncset.done $0x0  }
0x15f: {  	[sflag:s31] =	ssyncadd.s32 $0xFFFFF000  }
0x160: {  	_ =	swait.ge [sflag:s31], $0x1000  }
0x161: {  	[sflag:s31] =	ssyncset.done $0x0  }
0x162: {  	v56 =	vbroadcast v47, $0xC;
	[sflag:s31] =	ssyncadd.s32 $0xFFFFF000  }
0x163: {  	v49 =	vld.idx.msk [tilespmem:v55+s8+$0x0], $0xffff  }
0x164: {  	v57 =	vor.u32 v14, v56;
	_ =	sdelay $0x3  }
0x165: {  	[tilespmem:v38+s29+$0x0] =	vst.idx.msk $0xffff, v49  }
0x166: {  	v49 =	vld.idx.msk [tilespmem:v57+s12+$0x0], $0xffff  }
0x167: {  	v48 =	vor.u32 v16, v54;
	_ =	sdelay $0x3  }
0x168: {  	[tilespmem:v38+s30+$0x0] =	vst.idx.msk $0xffff, v49  }
0x169: {  	v48 =	vld.idx.msk [tilespmem:v48+s8+$0x0], $0xffff  }
0x16a: {  	v58 =	vor.u32 v16, v56;
	_ =	sdelay $0x3  }
0x16b: {  	v59 =	vbroadcast v46, $0xD;
	[tilespmem:v39+s29+$0x0] =	vst.idx.msk $0xffff, v48  }
0x16c: {  	v49 =	vld.idx.msk [tilespmem:v58+s12+$0x0], $0xffff  }
0x16d: {  	v60 =	vor.u32 v18, v59;
	_ =	sdelay $0x3  }
0x16e: {  	v61 =	vbroadcast v47, $0xD;
	[tilespmem:v39+s30+$0x0] =	vst.idx.msk $0xffff, v49  }
0x16f: {  	v50 =	vld.idx.msk [tilespmem:v60+s8+$0x0], $0xffff  }
0x170: {  	v62 =	vor.u32 v18, v61;
	_ =	sdelay $0x3  }
0x171: {  	[tilespmem:v40+s29+$0x0] =	vst.idx.msk $0xffff, v50  }
0x172: {  	v50 =	vld.idx.msk [tilespmem:v62+s12+$0x0], $0xffff  }
0x173: {  	v48 =	vor.u32 v20, v59;
	_ =	sdelay $0x3  }
0x174: {  	[tilespmem:v40+s30+$0x0] =	vst.idx.msk $0xffff, v50  }
0x175: {  	v48 =	vld.idx.msk [tilespmem:v48+s8+$0x0], $0xffff  }
0x176: {  	v49 =	vor.u32 v20, v61;
	_ =	sdelay $0x3  }
0x177: {  	v63 =	vbroadcast v46, $0xE;
	[tilespmem:v41+s29+$0x0] =	vst.idx.msk $0xffff, v48  }
0x178: {  	v49 =	vld.idx.msk [tilespmem:v49+s12+$0x0], $0xffff  }
0x179: {  	v54 =	vor.u32 v22, v63;
	_ =	sdelay $0x3  }
0x17a: {  	v55 =	vbroadcast v47, $0xE;
	[tilespmem:v41+s30+$0x0] =	vst.idx.msk $0xffff, v49  }
0x17b: {  	v50 =	vld.idx.msk [tilespmem:v54+s8+$0x0], $0xffff  }
0x17c: {  	v56 =	vor.u32 v22, v55;
	_ =	sdelay $0x3  }
0x17d: {  	[tilespmem:v42+s29+$0x0] =	vst.idx.msk $0xffff, v50  }
0x17e: {  	v50 =	vld.idx.msk [tilespmem:v56+s12+$0x0], $0xffff  }
0x17f: {  	v48 =	vor.u32 v24, v63;
	_ =	sdelay $0x3  }
0x180: {  	[tilespmem:v42+s30+$0x0] =	vst.idx.msk $0xffff, v50  }
0x181: {  	v48 =	vld.idx.msk [tilespmem:v48+s8+$0x0], $0xffff  }
0x182: {  	v49 =	vor.u32 v24, v55;
	_ =	sdelay $0x3  }
0x183: {  	v46 =	vbroadcast v46, $0xF;
	[tilespmem:v43+s29+$0x0] =	vst.idx.msk $0xffff, v48  }
0x184: {  	v48 =	vld.idx.msk [tilespmem:v49+s12+$0x0], $0xffff  }
0x185: {  	v57 =	vor.u32 v26, v46;
	_ =	sdelay $0x3  }
0x186: {  	v47 =	vbroadcast v47, $0xF;
	[tilespmem:v43+s30+$0x0] =	vst.idx.msk $0xffff, v48  }
0x187: {  	v48 =	vld.idx.msk [tilespmem:v57+s8+$0x0], $0xffff  }
0x188: {  	v58 =	vor.u32 v26, v47;
	_ =	sdelay $0x3  }
0x189: {  	[tilespmem:v44+s29+$0x0] =	vst.idx.msk $0xffff, v48  }
0x18a: {  	v48 =	vld.idx.msk [tilespmem:v58+s12+$0x0], $0xffff  }
0x18b: {  	v46 =	vor.u32 v28, v46;
	_ =	sdelay $0x3  }
0x18c: {  	[tilespmem:v44+s30+$0x0] =	vst.idx.msk $0xffff, v48  }
0x18d: {  	v46 =	vld.idx.msk [tilespmem:v46+s8+$0x0], $0xffff  }
0x18e: {  	v47 =	vor.u32 v28, v47;
	_ =	sdelay $0x3  }
0x18f: {  	[tilespmem:v45+s29+$0x0] =	vst.idx.msk $0xffff, v46  }
0x190: {  	v46 =	vld.idx.msk [tilespmem:v47+s12+$0x0], $0xffff;
	_ =	sdelay $0x4  }
0x191: {  	[tilespmem:v45+s30+$0x0] =	vst.idx.msk $0xffff, v46  }
0x192: {  	v46 =	vld [tilespmem:$0x10400]  }
0x193: {  	v59 =	vld [tilespmem:$0x11400]  }
0x194: {  	v48 =	vld [tilespmem:$0x10480]  }
0x195: {  	v60 =	vld [tilespmem:$0x11480]  }
0x196: {  	v50 =	vld [tilespmem:$0x10500]  }
0x197: {  	v61 =	vld [tilespmem:$0x11500]  }
0x198: {  	v62 =	vld [tilespmem:$0x10580]  }
0x199: {  	v63 =	vld [tilespmem:$0x11580]  }
0x19a: {  	v56 =	vld [tilespmem:$0x10600];
	v46 =	vmul.f32 v59, v46;
	v55 =	vmul.f32 v60, v48  }
0x19b: {  	v57 =	vld [tilespmem:$0x11600]  }
0x19c: {  	v58 =	vmul.f32 v61, v50;
	v59 =	vld [tilespmem:$0x10680];
	v46 =	vadd.f32 v55, v46  }
0x19d: {  	v60 =	vld [tilespmem:$0x11680]  }
0x19e: {  	v61 =	vmul.f32 v63, v62;
	v62 =	vld [tilespmem:$0x10700];
	v46 =	vadd.f32 v58, v46  }
0x19f: {  	v63 =	vld [tilespmem:$0x11700]  }
0x1a0: {  	v55 =	vmul.f32 v57, v56;
	v56 =	vld [tilespmem:$0x10780];
	v46 =	vadd.f32 v61, v46  }
0x1a1: {  	v57 =	vld [tilespmem:$0x11780]  }
0x1a2: {  	v58 =	vmul.f32 v60, v59;
	v59 =	vld [tilespmem:$0x10800];
	v46 =	vadd.f32 v55, v46  }
0x1a3: {  	v60 =	vld [tilespmem:$0x11800]  }
0x1a4: {  	v61 =	vmul.f32 v63, v62;
	v62 =	vld [tilespmem:$0x10880];
	v46 =	vadd.f32 v58, v46  }
0x1a5: {  	v63 =	vld [tilespmem:$0x11880]  }
0x1a6: {  	v55 =	vmul.f32 v57, v56;
	v56 =	vld [tilespmem:$0x10900];
	v46 =	vadd.f32 v61, v46  }
0x1a7: {  	v57 =	vld [tilespmem:$0x11900]  }
0x1a8: {  	v58 =	vmul.f32 v60, v59;
	v59 =	vld [tilespmem:$0x10980];
	v46 =	vadd.f32 v55, v46  }
0x1a9: {  	v60 =	vld [tilespmem:$0x11980]  }
0x1aa: {  	v61 =	vmul.f32 v63, v62;
	v62 =	vld [tilespmem:$0x10A00];
	v46 =	vadd.f32 v58, v46  }
0x1ab: {  	v63 =	vld [tilespmem:$0x11A00]  }
0x1ac: {  	v55 =	vmul.f32 v57, v56;
	v56 =	vld [tilespmem:$0x10A80];
	v46 =	vadd.f32 v61, v46  }
0x1ad: {  	v57 =	vld [tilespmem:$0x11A80]  }
0x1ae: {  	v58 =	vmul.f32 v60, v59;
	v59 =	vld [tilespmem:$0x10B00];
	v46 =	vadd.f32 v55, v46  }
0x1af: {  	v60 =	vld [tilespmem:$0x11B00]  }
0x1b0: {  	v61 =	vmul.f32 v63, v62;
	v62 =	vld [tilespmem:$0x10B80];
	v46 =	vadd.f32 v58, v46  }
0x1b1: {  	v63 =	vld [tilespmem:$0x11B80]  }
0x1b2: {  	v55 =	vmul.f32 v57, v56;
	v56 =	vld [tilespmem:$0x10C00];
	v46 =	vadd.f32 v61, v46  }
0x1b3: {  	v57 =	vld [tilespmem:$0x11C00]  }
0x1b4: {  	v58 =	vmul.f32 v60, v59;
	v59 =	vld [tilespmem:$0x10C80];
	v46 =	vadd.f32 v55, v46  }
0x1b5: {  	v60 =	vld [tilespmem:$0x11C80]  }
0x1b6: {  	v61 =	vmul.f32 v63, v62;
	v62 =	vld [tilespmem:$0x10D00];
	v46 =	vadd.f32 v58, v46  }
0x1b7: {  	v63 =	vld [tilespmem:$0x11D00]  }
0x1b8: {  	v55 =	vmul.f32 v57, v56;
	v56 =	vld [tilespmem:$0x10D80];
	v46 =	vadd.f32 v61, v46  }
0x1b9: {  	v57 =	vld [tilespmem:$0x11D80]  }
0x1ba: {  	v58 =	vmul.f32 v60, v59;
	v59 =	vld [tilespmem:$0x10E00];
	v46 =	vadd.f32 v55, v46  }
0x1bb: {  	v60 =	vld [tilespmem:$0x11E00]  }
0x1bc: {  	v61 =	vmul.f32 v63, v62;
	v62 =	vld [tilespmem:$0x10E80];
	v46 =	vadd.f32 v58, v46  }
0x1bd: {  	v63 =	vld [tilespmem:$0x11E80]  }
0x1be: {  	v55 =	vmul.f32 v57, v56;
	v56 =	vld [tilespmem:$0x10F00];
	v46 =	vadd.f32 v61, v46  }
0x1bf: {  	v57 =	vld [tilespmem:$0x11F00]  }
0x1c0: {  	v58 =	vmul.f32 v60, v59;
	v59 =	vld [tilespmem:$0x10F80];
	v46 =	vadd.f32 v55, v46  }
0x1c1: {  	v60 =	vld [tilespmem:$0x11F80]  }
0x1c2: {  	v61 =	vmul.f32 v63, v62;
	v62 =	vld [tilespmem:$0x11000];
	v46 =	vadd.f32 v58, v46  }
0x1c3: {  	v63 =	vld [tilespmem:$0x12000]  }
0x1c4: {  	v56 =	vmul.f32 v57, v56;
	v57 =	vld [tilespmem:$0x11080];
	v46 =	vadd.f32 v61, v46  }
0x1c5: {  	v58 =	vld [tilespmem:$0x12080]  }
0x1c6: {  	v59 =	vmul.f32 v60, v59;
	v60 =	vld [tilespmem:$0x11100];
	v46 =	vadd.f32 v56, v46  }
0x1c7: {  	v61 =	vld [tilespmem:$0x12100]  }
0x1c8: {  	v62 =	vmul.f32 v63, v62;
	v63 =	vld [tilespmem:$0x11180];
	v46 =	vadd.f32 v59, v46  }
0x1c9: {  	v56 =	vld [tilespmem:$0x12180]  }
0x1ca: {  	v57 =	vmul.f32 v58, v57;
	v58 =	vld [tilespmem:$0x11200];
	v46 =	vadd.f32 v62, v46  }
0x1cb: {  	v59 =	vld [tilespmem:$0x12200]  }
0x1cc: {  	v60 =	vmul.f32 v61, v60;
	v61 =	vld [tilespmem:$0x11280];
	v46 =	vadd.f32 v57, v46  }
0x1cd: {  	v62 =	vld [tilespmem:$0x12280]  }
0x1ce: {  	v63 =	vmul.f32 v56, v63;
	v56 =	vld [tilespmem:$0x11300];
	v46 =	vadd.f32 v60, v46  }
0x1cf: {  	v57 =	vld [tilespmem:$0x12300]  }
0x1d0: {  	v58 =	vmul.f32 v59, v58;
	v59 =	vld [tilespmem:$0x11380];
	v46 =	vadd.f32 v63, v46  }
0x1d1: {  	v60 =	vld [tilespmem:$0x12380]  }
0x1d2: {  	v61 =	vmul.f32 v62, v61;
	v46 =	vadd.f32 v58, v46;
	_ =	sdelay $0x1  }
0x1d3: {  	v62 =	vmul.f32 v57, v56;
	v46 =	vadd.f32 v61, v46  }
0x1d4: {  	p0 =	sne.s32 s10, $0x7C0  }
.Ltmp0:
0x1d5: {  	v63 =	vmul.f32 v60, v59;
	v46 =	vadd.f32 v62, v46;
	(pc) =	sbr.rel @p0 .LBB2_2-.Ltmp0, $3  }
0x1d6: {  	_ = 	snop  }
0x1d7: {  	v46 =	vadd.f32 v63, v46;
	_ =	sdelay $0x1  }
0x1d8: {  	s10 =	sadd.s32 $0x40, s10;
	[tilespmem:s1+$0x12400] =	vst v46  }
0x1d9: {  	s0 =	sadd.s32 $0x1, s0  }
0x1da: {  	p0 =	sne.s32 s0, s6  }
.Ltmp1:
0x1db: {  	s2 =	simm.s32 $0x0;
	s1 =	simm.s32 $0x12400;
	(pc) =	sbr.rel @p0 .LBB2_1-.Ltmp1, $4  }
0x1dc: {  	[hbm4b:s5+s2] =	stream.linear.scatter [tilespmem:s1], [sflag:$0x3], $0x200, $0x38;
	[tilespmem:$0x12600] =	vst v63  }
0x1dd: {  	_ =	swait.ge [sflag:s9], $0x200  }
0x1de: {  	[sflag:s9] =	ssyncset.done $0x0  }
0x1df: {  	[sflag:s9] =	ssyncadd.s32 $0xFFFFFE00  }
0x1e0: {  	_ =	sfence.sel $0x180000  }
0x1e1: {  	[bflag:$0x0] =	sbarrier.arrive $0xFFFF  }
0x1e2: {  	_ =	strace $0x90000047  }
0x1e3: {  	s0 =	stileid.u32;
	[bflag:$0x2] =	sbarrier.arrive $0xFFFF  }
0x1e4: {  	p0 =	sne.s32 s0, $0x0;
	s0 =	rddreg [dreg:$0x4]  }
0x1e5: {  	s0 =	sadd.s32 @!p0 $0x100000, s0  }
0x1e6: {  	[sflag:s0] =	ssyncadd.tile.s32 @!p0 $0x1;
	_ =	shalt  }
.Lfunc_end2:
_tile_overlayer_lowered:
.L_overlay_start_2:
0x1e7: {  	(tag) =	ssettag $0x2  }
0x1e8: {  	s0 =	rddreg [dreg:$0x0];
	s2 =	stileid.u32  }
0x1e9: {  	s1 =	rddreg [dreg:$0x1];
	p0 =	sne.s32 s2, $0x0  }
0x1ea: {  	s3 =	rddreg [dreg:$0x2];
	[bflag:$0x3] =	sbarrier.arrive $0xFFFF;
	s2 =	simm.s32 @!p0 $0x1C03  }
0x1eb: {  	[timem:s3], [sflag:s2] =	dma.local @!p0 [hbm:s0], s1  }
0x1ec: {  	s0 =	simm.s32 @!p0 $0x3  }
0x1ed: {  	_ =	swait.ge @!p0 [sflag:s0], s1  }
0x1ee: {  	s1 =	ssub.s32 @!p0 $0x0, s1;
	[sflag:s0] =	ssyncset.done @!p0 $0x0  }
0x1ef: {  	[sflag:s0] =	ssyncadd.s32 @!p0 s1  }
0x1f0: {  	[bflag:$0x3] =	sbarrier.arrive $0xFFFF  }
0x1f1: {  	_ =	shalt  }

// kernel: kernel.7.cloned.1.call-start
scs
__scs_entry_jumppad:
0x0: {  	(pc) =	sbr.rel $0x88, $3  }
0x1: {  	(tag) =	ssettag $0x0;
	lr =	simm.s32 $0x1  }
0x2: {  	[smem:$0x3F9B] =	sst lr;
	_ =	strace $0xD0000000  }
0x3: {  	_ = 	snop  }
0x4: {  	_ = 	snop  }
0x5: {  	_ = 	snop  }
0x6: {  	_ = 	snop  }
0x7: {  	_ = 	snop  }
__scs_overlays_trampoline_lowered:
0x8: {  	[smem:$0x3FAA] =	sst s0  }
0x9: {  	[smem:$0x3FAB] =	sst s1  }
0xa: {  	[smem:$0x3FAC] =	sst s2  }
0xb: {  	[smem:$0x3FAD] =	sst s3  }
0xc: {  	[smem:$0x3FAE] =	sst s4  }
0xd: {  	[smem:$0x3FAF] =	sst s5  }
0xe: {  	[smem:$0x3FB0] =	sst s6  }
0xf: {  	[smem:$0x3FB1] =	sst s7  }
0x10: {  	[smem:$0x3FB2] =	sst s8  }
0x11: {  	[smem:$0x3FB3] =	sst s9;
	s0 =	simm.s32 @!p0 $0x0  }
0x12: {  	s1 =	sld [smem:$0x3F99];
	s0 =	simm.s32 @p0 $0x1  }
0x13: {  	[smem:$0x3FB4] =	sst s0;
	s0 =	simm.s32 @!p1 $0x0  }
0x14: {  	s2 =	sld [smem:$0x3F98];
	s0 =	simm.s32 @p1 $0x1  }
0x15: {  	[smem:$0x3FB5] =	sst s0;
	s0 =	simm.s32 @!p2 $0x0  }
0x16: {  	s3 =	sld [smem:$0x3FDB];
	s0 =	simm.s32 @p2 $0x1  }
0x17: {  	s4 =	simm.s32 $0x1BF5;
	[smem:$0x3FB7] =	sst s0  }
0x18: {  	s0 =	sld [smem:$0x3F9A];
	_ =	swait.ge [sflag:s4], $0x0  }
0x19: {  	s7 =	sld [smem:$0x3F9B]  }
0x1a: {  	s8 =	sadd.s32 $0xFFFFE003, lr  }
0x1b: {  	s9 =	sadd.s32 $0xFFFFFEF7, lr;
	s5 =	simm.s32 $0xFFFFFFFF;
	p2 =	slt.u32 s8, $0xFFFFF086  }
0x1c: {  	p1 =	slt.u32 s9, $0xF7A;
	s5 =	simm.s32 @!p2 $0x0  }
0x1d: {  	s5 =	simm.s32 @p1 $0x1;
	p0 =	seq.s32 s7, s2  }
0x1e: {  	s7 =	smul.u32 @!p0 $0xF7A, s2;
	p2 =	seq.s32 @!p0 s5, $0x0  }
0x1f: {  	s9 =	smul.u32 $0xF7A, s1;
	s8 =	simm.s32 @!p0 $0x1BF5;
	p2 =	por !p2, p0  }
0x20: {  	[sflag:s8] =	ssyncset.s32 @!p0 $0xFFFFF086;
	s6 =	sadd.s32 @!p0 s3, s7;
	s7 =	simm.s32 @!p0 $0x108  }
0x21: {  	s3 =	sadd.s32 s3, s9;
	s6 =	sadd.s32 @!p0 $0x88, s6;
	s7 =	simm.s32 @p2 $0x1082  }
0x22: {  	[simem:s7], [sflag:s8] =	dma.local @!p0 [hbm:s6], $0xF7A  }
0x23: {  	s9 =	sor.u32 $0xD0000000, s2;
	s6 =	simm.s32 $0x108;
	_ =	swait.ge @!p0 [sflag:s8], $0x0  }
0x24: {  	s3 =	sadd.s32 $0x88, s3;
	s6 =	simm.s32 @!p1 $0x1082;
	[sflag:s4] =	ssyncset.s32 $0xFFFFF086  }
0x25: {  	[simem:s6], [sflag:s4] =	dma.local [hbm:s3], $0xF7A  }
0x26: {  	[smem:$0x3F9B] =	sst s1;
	(tag) =	ssettag s2;
	_ =	strace s9  }
0x27: {  	s1 =	sld [smem:$0x3FAB]  }
0x28: {  	s2 =	sld [smem:$0x3FAC]  }
0x29: {  	s4 =	sld [smem:$0x3FAE]  }
0x2a: {  	p0 =	seq.s32 s5, $0x0;
	s5 =	sld [smem:$0x3FAF]  }
0x2b: {  	s6 =	sld [smem:$0x3FB0]  }
0x2c: {  	s7 =	sld [smem:$0x3FB1]  }
0x2d: {  	s3 =	simm.s32 $0x108;
	s8 =	sld [smem:$0x3FB2]  }
0x2e: {  	s3 =	simm.s32 @!p0 $0x1082;
	s9 =	sld [smem:$0x3FB3]  }
0x2f: {  	lr =	sadd.s32 s0, s3;
	s0 =	sld [smem:$0x3FAA]  }
0x30: {  	s3 =	sld [smem:$0x3FAD]  }
0x31: {  	[smem:$0x3FB6] =	sst s10  }
0x32: {  	s10 =	sld [smem:$0x3FB4];
	_ =	sdelay $0x3  }
0x33: {  	p0 =	seq.s32 s10, $0x1;
	s10 =	sld [smem:$0x3FB6];
	_ =	sdelay $0x3  }
0x34: {  	[smem:$0x3FB6] =	sst s10  }
0x35: {  	s10 =	sld [smem:$0x3FB5];
	_ =	sdelay $0x3  }
0x36: {  	p1 =	seq.s32 s10, $0x1;
	s10 =	sld [smem:$0x3FB6];
	_ =	sdelay $0x3  }
0x37: {  	[smem:$0x3FB6] =	sst s10  }
0x38: {  	s10 =	sld [smem:$0x3FB7]  }
0x39: {  	_ = 	snop;
	(pc) =	sbr.ind lr, $3  }
0x3a: {  	_ = 	snop  }
0x3b: {  	_ = 	snop  }
0x3c: {  	p2 =	seq.s32 s10, $0x1;
	s10 =	sld [smem:$0x3FB6]  }
0x3d: {  	_ =	shalt  }
0x3e: {  	_ =	shalt  }
0x3f: {  	_ =	shalt  }
0x40: {  	_ =	shalt  }
0x41: {  	_ =	shalt  }
0x42: {  	_ =	shalt  }
0x43: {  	_ =	shalt  }
0x44: {  	_ =	shalt  }
0x45: {  	_ =	shalt  }
0x46: {  	_ =	shalt  }
0x47: {  	_ =	shalt  }
0x48: {  	_ =	shalt  }
0x49: {  	_ =	shalt  }
0x4a: {  	_ =	shalt  }
0x4b: {  	_ =	shalt  }
0x4c: {  	_ =	shalt  }
0x4d: {  	_ =	shalt  }
0x4e: {  	_ =	shalt  }
0x4f: {  	_ =	shalt  }
0x50: {  	_ =	shalt  }
0x51: {  	_ =	shalt  }
0x52: {  	_ =	shalt  }
0x53: {  	_ =	shalt  }
0x54: {  	_ =	shalt  }
0x55: {  	_ =	shalt  }
0x56: {  	_ =	shalt  }
0x57: {  	_ =	shalt  }
0x58: {  	_ =	shalt  }
0x59: {  	_ =	shalt  }
0x5a: {  	_ =	shalt  }
0x5b: {  	_ =	shalt  }
0x5c: {  	_ =	shalt  }
0x5d: {  	_ =	shalt  }
0x5e: {  	_ =	shalt  }
0x5f: {  	_ =	shalt  }
0x60: {  	_ =	shalt  }
0x61: {  	_ =	shalt  }
0x62: {  	_ =	shalt  }
0x63: {  	_ =	shalt  }
0x64: {  	_ =	shalt  }
0x65: {  	_ =	shalt  }
0x66: {  	_ =	shalt  }
0x67: {  	_ =	shalt  }
0x68: {  	_ =	shalt  }
0x69: {  	_ =	shalt  }
0x6a: {  	_ =	shalt  }
0x6b: {  	_ =	shalt  }
0x6c: {  	_ =	shalt  }
0x6d: {  	_ =	shalt  }
0x6e: {  	_ =	shalt  }
0x6f: {  	_ =	shalt  }
0x70: {  	_ =	shalt  }
0x71: {  	_ =	shalt  }
0x72: {  	_ =	shalt  }
0x73: {  	_ =	shalt  }
0x74: {  	_ =	shalt  }
0x75: {  	_ =	shalt  }
0x76: {  	_ =	shalt  }
0x77: {  	_ =	shalt  }
0x78: {  	_ =	shalt  }
0x79: {  	_ =	shalt  }
0x7a: {  	_ =	shalt  }
0x7b: {  	_ =	shalt  }
0x7c: {  	_ =	shalt  }
0x7d: {  	_ =	shalt  }
0x7e: {  	_ =	shalt  }
0x7f: {  	_ =	shalt  }
0x80: {  	_ =	shalt  }
0x81: {  	_ =	shalt  }
0x82: {  	_ =	shalt  }
0x83: {  	_ =	shalt  }
0x84: {  	_ =	shalt  }
0x85: {  	_ =	shalt  }
0x86: {  	_ =	shalt  }
0x87: {  	_ =	shalt  }
.Lfunc_end0:
.L_simem_size_0:
called_computation.1_lowered:
.L_overlay_start_0:
0x88: {  	s2 =	sld [smem:$0x3FD9]  }
0x89: {  	s3 =	sld [smem:$0x3FFE];
	_ =	sdelay $0x1  }
0x8a: {  	s1 =	srdreg.scid  }
0x8b: {  	s0 =	sand.u32 $0x1, s1  }
0x8c: {  	s17 =	sshll.u32 s0, $0xA;
	s2 =	sadd.s32 s3, s2  }
0x8d: {  	s2 =	sadd.s32 s2, s17  }
0x8e: {  	[smem:$0x3FC2] =	sst s2  }
0x8f: {  	_ = 	snop  }
0x90: {  	s2 =	sld [smem:$0x3FC9]  }
0x91: {  	s18 =	sld [smem:$0x3FC8]  }
0x92: {  	s4 =	sld [smem:$0x3FD0];
	(tm) =	ssettm $0x1  }
0x93: {  	s5 =	sld [smem:$0x3FFB];
	_ =	sdelay $0x3  }
0x94: {  	_ =	strace s5  }
0x95: {  	s5 =	sld [smem:$0x3FFC];
	_ =	sdelay $0x3  }
0x96: {  	_ =	strace s5  }
0x97: {  	s5 =	sld [smem:$0x3FFD];
	_ =	sdelay $0x3  }
0x98: {  	_ =	strace s5  }
0x99: {  	_ =	strace $0x8FFFFFFF  }
0x9a: {  	s19 =	sld [smem:$0x3FDB];
	_ =	sdelay $0x1  }
0x9b: {  	s6 =	simm.s32 $_scs_section_size  }
0x9c: {  	s7 =	simm.s32 $_size__tile_overlayer_lowered;
	s8 =	simm.s32 $_tile_overlayer_lowered  }
0x9d: {  	s22 =	simm.s32 $0x1BFF;
	s21 =	sshll.u32 s8, $0x1;
	s5 =	sadd.s32 s6, s19  }
0x9e: {  	s9 =	simm.s32 $0x0;
	s20 =	sshll.u32 s7, $0x1;
	s7 =	sadd.s32 s21, s5  }
0x9f: {  	[timem:s9], [sflag:s22] =	dma.local [hbm:s7], s20  }
0xa0: {  	_ =	swait.ge [sflag:s22], s20  }
0xa1: {  	s6 =	ssub.s32 $0x0, s20;
	[sflag:s22] =	ssyncset.done $0x0  }
0xa2: {  	[sflag:s22] =	ssyncadd.s32 s6;
	_ =	sdelay $0x1  }
0xa3: {  	s23 =	simm.s32 $0x1B8B  }
0xa4: {  	_ =	swait.ge [sflag:s23], $0x1  }
0xa5: {  	[sflag:s23] =	ssyncset.done $0x0  }
0xa6: {  	s25 =	simm.s32 $0x1B8E;
	s24 =	sld [smem:$0x3FFE];
	[sflag:s23] =	ssyncadd.s32 $0xFFFFFFFF  }
0xa7: {  	s26 =	simm.s32 $execute0_lowered;
	[smem:$0x3FD2] =	sst s25  }
0xa8: {  	s7 =	sshll.u32 s26, $0x1;
	_ =	strace $0x80000049;
	[dreg:$0x1] =	wrdreg $0xFFFFFFFF  }
0xa9: {  	s28 =	simm.s32 $_size_execute0_lowered;
	s5 =	sadd.s32 s5, s7;
	[dreg:$0x0] =	wrdreg $0x0  }
0xaa: {  	s7 =	sshll.u32 s28, $0x1;
	[dreg:$0x2] =	wrdreg s5  }
0xab: {  	[dreg:$0x3] =	wrdreg s7  }
0xac: {  	[dreg:$0x4] =	wrdreg $0xC0  }
0xad: {  	_ =	task [dreg:s9], $0x5FFFF  }
0xae: {  	[dreg:$0x1] =	wrdreg $0xFFFFFFFF  }
0xaf: {  	[dreg:$0x0] =	wrdreg $0x60  }
0xb0: {  	[dreg:$0x2] =	wrdreg s2  }
0xb1: {  	[dreg:$0x3] =	wrdreg s18  }
0xb2: {  	[dreg:$0x4] =	wrdreg s24  }
0xb3: {  	[dreg:$0x5] =	wrdreg s4  }
0xb4: {  	[dreg:$0x6] =	wrdreg $0x9  }
0xb5: {  	_ =	task.clear_ibuf [dreg:s9], $0x7FFFF;
	_ =	strace $0x90000049  }
0xb6: {  	s29 =	simm.s32 $0x9;
	_ =	strace $0x8000004B  }
0xb7: {  	_ =	swait.ge [sflag:s29], $0x1  }
0xb8: {  	[sflag:s29] =	ssyncadd.s32 $0xFFFFFFFF  }
0xb9: {  	_ =	strace $0x9000004B  }
0xba: {  	_ =	sfence  }
0xbb: {  	s30 =	sld [smem:$0x0];
	_ =	sdelay $0x2  }
0xbc: {  	s31 =	sshll.u32 s1, $0xD;
	s1 =	sshrl.u32 s1, $0x2  }
0xbd: {  	s3 =	sand.u32 $0x4000, s31;
	s1 =	sadd.s32 s1, s30  }
0xbe: {  	s0 =	sor.u32 s3, s0;
	s1 =	sshll.u32 s1, $0x11  }
0xbf: {  	s0 =	sor.u32 s1, s0  }
0xc0: {  	s0 =	sadd.s32 $0x8F2B, s0  }
0xc1: {  	[sflag:s0] =	ssyncadd.remote.s32 $0x1  }
0xc2: {  	_ =	sfence.sel $0xFFFF  }
0xc3: {  	[dreg:$0x0] =	wrdreg $0xFFFFFFFF;
	(pc) =	sbr.abs _section_cstart, $3  }
0xc4: {  	[dreg:$0x1] =	wrdreg $0xFFFFFFFF  }
0xc5: {  	_ =	task.clear_ibuf [dreg:s9], $0x2FFFF;
	_ =	strace $0x9FFFFFFF  }
0xc6: {  	(tm) =	ssettm $0x7FFFFFFF  }
0xc7: {  	_ =	shalt  }
tec
execute0_lowered:
.L_overlay_start_1:
0x0: {  	(tag) =	ssettag $0x1  }
0x1: {  	s5 =	rddreg [dreg:$0x0]  }
0x2: {  	s6 =	rddreg [dreg:$0x1]  }
0x3: {  	s4 =	rddreg [dreg:$0x2]  }
0x4: {  	s8 =	rddreg [dreg:$0x3]  }
0x5: {  	s2 =	srdreg.scid;
	s1 =	stileid.u32;
	s12 =	simm.s32 $0x800  }
0x6: {  	s13 =	simm.s32 $0x80;
	s14 =	simm.s32 $0x400;
	s15 =	simm.s32 $0x600  }
0x7: {  	s16 =	simm.s32 $0x480;
	s17 =	simm.s32 $0x280;
	s18 =	simm.s32 $0x680  }
0x8: {  	s19 =	simm.s32 $0x100;
	s20 =	simm.s32 $0x500;
	s21 =	simm.s32 $0x300  }
0x9: {  	s22 =	simm.s32 $0x700;
	s23 =	simm.s32 $0x180;
	s24 =	simm.s32 $0x580  }
0xa: {  	s25 =	simm.s32 $0x380;
	s26 =	simm.s32 $0x780;
	s28 =	simm.s32 $0x1  }
0xb: {  	s29 =	simm.s32 $0x0;
	s3 =	sand.u32 $0x1, s2;
	s2 =	simm.s32 $0x0  }
0xc: {  	s7 =	sshll.u32 s1, $0x7;
	s9 =	sshll.u32 s3, $0x6;
	[smem:$0x7FF] =	sst s2  }
0xd: {  	s31 =	ssub.s32 $0x2, s3;
	s3 =	sadd.s32 $0x1200, s4;
	s9 =	sor.u32 s9, s7  }
0xe: {  	_ =	strace $0x8000004A;
	s11 =	sshrl.u32 s31, $0x1;
	s10 =	sadd.s32 s9, s4  }
0xf: {  	s4 =	sadd.s32 $0x1FC00, s4;
	s11 =	ssub.s32 s31, s11;
	s5 =	sadd.s32 s5, s9  }
0x10: {  	s6 =	sadd.s32 s6, s9;
	s8 =	sadd.s32 s8, s9;
	s7 =	sadd.s32 $0xA00, s10  }
0x11: {  	s9 =	smax.u32 s11, $0x1;
	s10 =	simm.s32 $0x2;
	s11 =	simm.s32 $0x200  }
.LBB2_1:
0x12: {  	[tilespmem:s2], [sflag:$0x2] =	stream.linear.gather [hbm4b:s5+s2], $0x200, $0x38;
	[tilespmem:$0xA00] =	vst v63  }
0x13: {  	_ =	swait.ge [sflag:s10], $0x200  }
0x14: {  	[sflag:s10] =	ssyncset.done $0x0  }
0x15: {  	[sflag:s10] =	ssyncadd.s32 $0xFFFFFE00  }
0x16: {  	[tilespmem:s11], [sflag:$0x2] =	stream.linear.gather [hbm4b:s6+s2], $0x200, $0x38;
	[tilespmem:$0xA00] =	vst v63  }
0x17: {  	_ =	swait.ge [sflag:s10], $0x200  }
0x18: {  	[sflag:s10] =	ssyncset.done $0x0  }
0x19: {  	[sflag:s10] =	ssyncadd.s32 $0xFFFFFE00  }
0x1a: {  	[tilespmem:s12], [sflag:$0x2] =	stream.linear.gather [hbm4b:s7+s2], $0x200, $0x38;
	[tilespmem:$0xA00] =	vst v63  }
0x1b: {  	_ =	swait.ge [sflag:s10], $0x200  }
0x1c: {  	[sflag:s10] =	ssyncset.done $0x0  }
0x1d: {  	[sflag:s10] =	ssyncadd.s32 $0xFFFFFE00  }
0x1e: {  	[tilespmem:s14], [sflag:$0x1] =	stream.indirect.gather [hbm4b:s3+s13], $0x1, s2, s13, $0xb8;
	[tilespmem:$0xA00] =	vst v63  }
0x1f: {  	_ = 	snop  }
0x20: {  	[tilespmem:s15], [sflag:$0x1] =	stream.indirect.gather [hbm4b:s4+s13], $0x1, s11, s13, $0xb8;
	[tilespmem:$0xA00] =	vst v63  }
0x21: {  	_ = 	snop  }
0x22: {  	[tilespmem:s16], [sflag:$0x1] =	stream.indirect.gather [hbm4b:s3+s13], $0x1, s13, s13, $0xb8;
	[tilespmem:$0xA00] =	vst v63  }
0x23: {  	_ = 	snop  }
0x24: {  	[tilespmem:s18], [sflag:$0x1] =	stream.indirect.gather [hbm4b:s4+s13], $0x1, s17, s13, $0xb8;
	[tilespmem:$0xA00] =	vst v63  }
0x25: {  	_ = 	snop  }
0x26: {  	[tilespmem:s20], [sflag:$0x1] =	stream.indirect.gather [hbm4b:s3+s13], $0x1, s19, s13, $0xb8;
	[tilespmem:$0xA00] =	vst v63  }
0x27: {  	_ = 	snop  }
0x28: {  	[tilespmem:s22], [sflag:$0x1] =	stream.indirect.gather [hbm4b:s4+s13], $0x1, s21, s13, $0xb8;
	[tilespmem:$0xA00] =	vst v63  }
0x29: {  	_ = 	snop  }
0x2a: {  	[tilespmem:s24], [sflag:$0x1] =	stream.indirect.gather [hbm4b:s3+s13], $0x1, s23, s13, $0xb8;
	[tilespmem:$0xA00] =	vst v63  }
0x2b: {  	_ = 	snop  }
0x2c: {  	[tilespmem:s26], [sflag:$0x1] =	stream.indirect.gather [hbm4b:s4+s13], $0x1, s25, s13, $0xb8;
	[tilespmem:$0xA00] =	vst v63  }
0x2d: {  	_ =	swait.ge [sflag:s28], $0x80  }
0x2e: {  	[sflag:s28] =	ssyncset.done $0x0  }
0x2f: {  	[sflag:s28] =	ssyncadd.s32 $0xFFFFFF80  }
0x30: {  	_ =	swait.ge [sflag:s28], $0x80  }
0x31: {  	[sflag:s28] =	ssyncset.done $0x0  }
0x32: {  	[sflag:s28] =	ssyncadd.s32 $0xFFFFFF80  }
0x33: {  	_ =	swait.ge [sflag:s28], $0x80  }
0x34: {  	[sflag:s28] =	ssyncset.done $0x0  }
0x35: {  	[sflag:s28] =	ssyncadd.s32 $0xFFFFFF80  }
0x36: {  	_ =	swait.ge [sflag:s28], $0x80  }
0x37: {  	[sflag:s28] =	ssyncset.done $0x0  }
0x38: {  	[sflag:s28] =	ssyncadd.s32 $0xFFFFFF80  }
0x39: {  	_ =	swait.ge [sflag:s28], $0x80  }
0x3a: {  	[sflag:s28] =	ssyncset.done $0x0  }
0x3b: {  	[sflag:s28] =	ssyncadd.s32 $0xFFFFFF80  }
0x3c: {  	_ =	swait.ge [sflag:s28], $0x80  }
0x3d: {  	[sflag:s28] =	ssyncset.done $0x0  }
0x3e: {  	[sflag:s28] =	ssyncadd.s32 $0xFFFFFF80  }
0x3f: {  	_ =	swait.ge [sflag:s28], $0x80  }
0x40: {  	[sflag:s28] =	ssyncset.done $0x0  }
0x41: {  	[sflag:s28] =	ssyncadd.s32 $0xFFFFFF80  }
0x42: {  	_ =	swait.ge [sflag:s28], $0x80  }
0x43: {  	[sflag:s28] =	ssyncset.done $0x0  }
0x44: {  	s30 =	simm.s32 $0x0;
	[sflag:s28] =	ssyncadd.s32 $0xFFFFFF80  }
0x45: {  	s31 =	simm.s32 $0x40;
	v0 =	vld [tilespmem:s30+$0x400]  }
.LBB2_2:
0x46: {  	p0 =	sne.s32 s31, $0x7C0;
	v1 =	vld [tilespmem:s30+$0x800];
	_ =	sdelay $0x1  }
0x47: {  	v2 =	vld [tilespmem:s30+$0x600];
	_ =	sdelay $0x2  }
.Ltmp0:
0x48: {  	v0 =	vadd.f32 v0, v1;
	(pc) =	sbr.rel @p0 .LBB2_2-.Ltmp0, $4  }
0x49: {  	_ = 	snop  }
0x4a: {  	v1 =	vadd.f32 v2, v0  }
0x4b: {  	s0 =	sshra.s32 s31, $0x2  }
0x4c: {  	s31 =	sadd.s32 $0x40, s31;
	v0 =	vld [tilespmem:s0+$0x400];
	[tilespmem:s30+$0x800] =	vst v1;
	s30 =	smov.u32 s0  }
0x4d: {  	v1 =	vld [tilespmem:s30+$0x800];
	_ =	sdelay $0x1  }
0x4e: {  	v2 =	vld [tilespmem:s30+$0x600];
	_ =	sdelay $0x2  }
0x4f: {  	v0 =	vadd.f32 v0, v1;
	_ =	sdelay $0x1  }
0x50: {  	s29 =	sadd.s32 $0x1, s29;
	v0 =	vadd.f32 v2, v0  }
0x51: {  	p0 =	sne.s32 s29, s9  }
.Ltmp1:
0x52: {  	[tilespmem:s30+$0x800] =	vst v0;
	(pc) =	sbr.rel @p0 .LBB2_1-.Ltmp1, $4  }
0x53: {  	[hbm4b:s8+s2] =	stream.linear.scatter [tilespmem:s12], [sflag:$0x2], $0x200, $0x38;
	[tilespmem:$0xA00] =	vst v63  }
0x54: {  	_ =	swait.ge [sflag:s10], $0x200  }
0x55: {  	[sflag:s10] =	ssyncset.done $0x0  }
0x56: {  	[sflag:s10] =	ssyncadd.s32 $0xFFFFFE00  }
0x57: {  	_ =	sfence.sel $0x180000  }
0x58: {  	[bflag:$0x0] =	sbarrier.arrive $0xFFFF  }
0x59: {  	_ =	strace $0x9000004A  }
0x5a: {  	[bflag:$0x2] =	sbarrier.arrive $0xFFFF  }
0x5b: {  	p0 =	sne.s32 s1, $0x0;
	s0 =	rddreg [dreg:$0x4]  }
0x5c: {  	s0 =	sadd.s32 @!p0 $0x100000, s0  }
0x5d: {  	[sflag:s0] =	ssyncadd.tile.s32 @!p0 $0x1;
	_ =	shalt  }
.Lfunc_end2:
_tile_overlayer_lowered:
.L_overlay_start_2:
0x5e: {  	(tag) =	ssettag $0x2  }
0x5f: {  	s0 =	rddreg [dreg:$0x0];
	s2 =	stileid.u32  }
0x60: {  	s1 =	rddreg [dreg:$0x1];
	p0 =	sne.s32 s2, $0x0  }
0x61: {  	s3 =	rddreg [dreg:$0x2];
	[bflag:$0x3] =	sbarrier.arrive $0xFFFF;
	s2 =	simm.s32 @!p0 $0x1C02  }
0x62: {  	[timem:s3], [sflag:s2] =	dma.local @!p0 [hbm:s0], s1  }
0x63: {  	s0 =	simm.s32 @!p0 $0x2  }
0x64: {  	_ =	swait.ge @!p0 [sflag:s0], s1  }
0x65: {  	s1 =	ssub.s32 @!p0 $0x0, s1;
	[sflag:s0] =	ssyncset.done @!p0 $0x0  }
0x66: {  	[sflag:s0] =	ssyncadd.s32 @!p0 s1  }
0x67: {  	[bflag:$0x3] =	sbarrier.arrive $0xFFFF  }
0x68: {  	_ =	shalt  }

</sc_bundles>
